<compile_context>
chip_gen: v7x
topology: tpu7x:2x2x1
jax: 0.10.2.dev20260603
libtpu: 0.0.44.dev20260713+nightly
codegen_flags: <defaults>
</compile_context>

<pallas_src>
import jax
import jax.numpy as jnp
from jax import lax
from jax.experimental import pallas as pl
from jax.experimental.pallas import tpu as pltpu
from jax.experimental.pallas import tpu_sc as plsc

N = 512
E = 32768
IN_FEATS = 256
HID = 64
T = 3
OUT_DIM = 1024

FC2_BLK = 2048
NUM_FC2_BLKS = (N * HID * 2) // FC2_BLK


def _leaky(x):
    return jnp.where(x >= 0, x, 0.01 * x)


NSC = 2
NSUB = 16
EPW = E // (NSC * NSUB)
RTOT = T * N * N
ROWS_PW = RTOT // NSUB


def _sc_build_b_body(dst_hbm, src_hbm, et_hbm, zeros_hbm, ones_hbm,
                     out_hbm, dstb, srcb, etb, idxb, onesv, a_sh):
    c = lax.axis_index("c")
    s = lax.axis_index("s")
    base_e = (c * NSUB + s) * EPW
    pltpu.sync_copy(dst_hbm.at[pl.ds(base_e, EPW)], dstb)
    pltpu.sync_copy(src_hbm.at[pl.ds(base_e, EPW)], srcb)
    pltpu.sync_copy(et_hbm.at[pl.ds(base_e, EPW)], etb)
    pltpu.sync_copy(ones_hbm, onesv)
    pltpu.sync_copy(zeros_hbm.at[pl.ds(s * ROWS_PW, ROWS_PW)],
                    a_sh.at[pl.ds(s * ROWS_PW, ROWS_PW)])
    for k in range(EPW // 16):
        d16 = dstb[pl.ds(k * 16, 16)]
        s16 = srcb[pl.ds(k * 16, 16)]
        e16 = etb[pl.ds(k * 16, 16)]
        idxb[k // 8, pl.ds((k % 8) * 16, 16)] = e16 * (N * N) + d16 * N + s16
    plsc.subcore_barrier()
    for j in range(8):
        pltpu.sync_copy(onesv, a_sh.at[idxb.at[j]], add=True)
    plsc.subcore_barrier()
    pltpu.sync_copy(a_sh.at[pl.ds(s * ROWS_PW, ROWS_PW)],
                    out_hbm.at[c, pl.ds(s * ROWS_PW, ROWS_PW)])


def _build_b_sc(edge_index, edge_type):
    kern = pl.kernel(
        _sc_build_b_body,
        mesh=plsc.VectorSubcoreMesh(core_axis_name="c", subcore_axis_name="s"),
        out_type=jax.ShapeDtypeStruct((NSC, RTOT), jnp.float32),
        scratch_types=[
            pltpu.VMEM((EPW,), jnp.int32),
            pltpu.VMEM((EPW,), jnp.int32),
            pltpu.VMEM((EPW,), jnp.int32),
            pltpu.VMEM((8, 128), jnp.int32),
            pltpu.VMEM((128,), jnp.float32),
            pltpu.VMEM_SHARED((RTOT,), jnp.float32),
        ],
    )
    zeros = jnp.zeros((RTOT,), jnp.float32)
    ones = jnp.ones((128,), jnp.float32)
    return kern(edge_index[1], edge_index[0], edge_type, zeros, ones)


def _layers_kernel(x_ref, a_ref, we0, ws0, wk0, wg0, bg0, we1, ws1, wk1, wg1,
                   bg1, we2, ws2, wk2, wg2, bg2, fc1w, fc1b, hf_ref):
    def dot(a, b):
        return jnp.dot(a, b, preferred_element_type=jnp.float32)

    def dot_exact(a_bf16, x):
        acc = jnp.zeros((a_bf16.shape[0], x.shape[1]), jnp.float32)
        r = x
        for _ in range(3):
            c = r.astype(jnp.bfloat16)
            r = r - c.astype(jnp.float32)
            acc += jnp.dot(a_bf16, c, preferred_element_type=jnp.float32)
        return acc

    asum = a_ref[0] + a_ref[1]
    a_bf16 = jnp.concatenate([asum[t] for t in range(T)],
                             axis=1).astype(jnp.bfloat16)

    def layer(h, we, ws, wk, wg, bg, fin):
        hw = jnp.concatenate([dot(h, we[t]) for t in range(T)], axis=0)
        agg = dot_exact(a_bf16, hw)
        u = agg + dot(h, ws[...])
        g = jax.nn.sigmoid(dot(h, wg[:fin, :]) + dot(u, wg[fin:, :])
                           + bg[...][None, :])
        return g * _leaky(u) + (1.0 - g) * dot(h, wk[...])

    x = x_ref[...]
    h = layer(x, we0, ws0, wk0, wg0, bg0, IN_FEATS)
    h = layer(h, we1, ws1, wk1, wg1, bg1, HID)
    h = layer(h, we2, ws2, wk2, wg2, bg2, HID)
    feat = _leaky(dot(x, fc1w[...]) + fc1b[...][None, :])
    hf_ref[...] = jnp.concatenate([h, feat], axis=1)


def _run_layers(x, a, args):
    return pl.pallas_call(
        _layers_kernel,
        out_shape=jax.ShapeDtypeStruct((N, 2 * HID), jnp.float32),
    )(x, a, *args)


def _fc2_kernel(flat_ref, w_ref, b_ref, out_ref):
    i = pl.program_id(0)

    @pl.when(i == 0)
    def _():
        out_ref[...] = jnp.zeros_like(out_ref)

    out_ref[...] += jnp.dot(flat_ref[...], w_ref[...],
                            preferred_element_type=jnp.float32)

    @pl.when(i == NUM_FC2_BLKS - 1)
    def _():
        out_ref[...] = _leaky(out_ref[...] + b_ref[...])


def _run_fc2(flat, w, b):
    return pl.pallas_call(
        _fc2_kernel,
        grid=(NUM_FC2_BLKS,),
        in_specs=[
            pl.BlockSpec((1, FC2_BLK), lambda i: (0, i)),
            pl.BlockSpec((FC2_BLK, OUT_DIM), lambda i: (i, 0)),
            pl.BlockSpec((1, OUT_DIM), lambda i: (0, 0)),
        ],
        out_specs=pl.BlockSpec((1, OUT_DIM), lambda i: (0, 0)),
        out_shape=jax.ShapeDtypeStruct((1, OUT_DIM), jnp.float32),
    )(flat, w, b)


def kernel(x, edge_index, edge_type, W_et0, W_self0, W_skip0, W_gate0,
           b_gate0, W_et1, W_self1, W_skip1, W_gate1, b_gate1, W_et2,
           W_self2, W_skip2, W_gate2, b_gate2, fc1_W, fc1_b, fc2_W, fc2_b):
    b_parts = _build_b_sc(edge_index, edge_type)
    a = b_parts.reshape(NSC, T, N, N)
    hf = _run_layers(x, a, (W_et0, W_self0, W_skip0, W_gate0, b_gate0,
                            W_et1, W_self1, W_skip1, W_gate1, b_gate1,
                            W_et2, W_self2, W_skip2, W_gate2, b_gate2,
                            fc1_W, fc1_b))
    flat = hf.reshape(1, N * 2 * HID)
    return _run_fc2(flat, fc2_W, fc2_b.reshape(1, OUT_DIM))

# --- scband reference (transcript-rebuilt; emitter-appended) ---
"""Pipeline reference for scband-graph-feature-extractor-64896955842860 (READ-ONLY COPY).

The authoritative reference and input builder live on the scoring server;
editing this copy changes nothing except your own understanding.
"""

import jax, jax.numpy as jnp
import numpy as np

N = 512
E = 32768
IN_FEATS = 256
HID = 64
T = 3
OUT_DIM = 1024

def _dense(k, fin, fout):
    return (jax.random.normal(k, (fin, fout), dtype=jnp.float32) / np.sqrt(fin)).astype(jnp.float32)

def setup_inputs(seed: int = 0):
    key = jax.random.key(seed)
    ks = jax.random.split(key, 40)
    inp = {}
    inp['x'] = jax.random.normal(ks[0], (N, IN_FEATS), dtype=jnp.float32)
    inp['edge_index'] = jax.random.randint(ks[1], (2, E), 0, N, dtype=jnp.int32)
    inp['edge_type'] = jax.random.randint(ks[2], (E,), 0, T, dtype=jnp.int32)
    fins = [IN_FEATS, HID, HID]
    i = 3
    for l in range(3):
        fin = fins[l]
        inp['W_et%d' % l] = (jax.random.normal(ks[i], (T, fin, HID), dtype=jnp.float32) / np.sqrt(fin)).astype(jnp.float32); i += 1
        inp['W_self%d' % l] = _dense(ks[i], fin, HID); i += 1
        inp['W_skip%d' % l] = _dense(ks[i], fin, HID); i += 1
        inp['W_gate%d' % l] = _dense(ks[i], fin + HID, HID); i += 1
        inp['b_gate%d' % l] = jnp.zeros((HID,), dtype=jnp.float32); i += 1
    inp['fc1_W'] = _dense(ks[i], IN_FEATS, HID)
    inp['fc1_b'] = jnp.zeros((HID,), dtype=jnp.float32)
    inp['fc2_W'] = _dense(ks[i + 1], N * HID * 2, OUT_DIM)
    inp['fc2_b'] = jnp.zeros((OUT_DIM,), dtype=jnp.float32)
    return inp

def _leaky(x):
    return jnp.where(x >= 0, x, 0.01 * x)

def _layer(h, src, dst, et, W_et, W_self, W_skip, W_gate, b_gate):
    # per-etype message transform, gather per edge, scatter-add to dst
    hW = jnp.einsum('nf,tfh->tnh', h, W_et)
    msg = hW[et, src]
    agg = jax.ops.segment_sum(msg, dst, num_segments=N)
    u = agg + h @ W_self
    g = jax.nn.sigmoid(jnp.concatenate([h, u], axis=1) @ W_gate + b_gate)
    return g * _leaky(u) + (1.0 - g) * (h @ W_skip)

def reference(x, edge_index, edge_type, W_et0, W_self0, W_skip0, W_gate0, b_gate0, W_et1, W_self1, W_skip1, W_gate1, b_gate1, W_et2, W_self2, W_skip2, W_gate2, b_gate2, fc1_W, fc1_b, fc2_W, fc2_b):
    src = edge_index[0]
    dst = edge_index[1]
    h = _layer(x, src, dst, edge_type, W_et0, W_self0, W_skip0, W_gate0, b_gate0)
    h = _layer(h, src, dst, edge_type, W_et1, W_self1, W_skip1, W_gate1, b_gate1)
    h = _layer(h, src, dst, edge_type, W_et2, W_self2, W_skip2, W_gate2, b_gate2)
    feat = _leaky(x @ fc1_W + fc1_b)
    out = jnp.concatenate([h, feat], axis=1).reshape(1, -1)
    out = _leaky(out @ fc2_W + fc2_b)
    return out

if __name__ == "__main__":
    import jax
    _d = setup_inputs()
    print(jax.jit(kernel)(*tuple(_d.values())))

</pallas_src>

<mosaic_0001>
#map = affine_map<(d0, d1) -> (0)>
#map1 = affine_map<(d0, d1) -> (0, 0)>
module attributes {stable_mosaic.version = 14 : i64} {
  func.func @_sc_build_b_body(%arg0: i32, %arg1: i32, %arg2: memref<32768xi32, #tpu.memory_space<hbm>>, %arg3: memref<32768xi32, #tpu.memory_space<hbm>>, %arg4: memref<32768xi32, #tpu.memory_space<hbm>>, %arg5: memref<786432xf32, #tpu.memory_space<hbm>>, %arg6: memref<128xf32, #tpu.memory_space<hbm>>, %arg7: memref<2x786432xf32, #tpu.memory_space<hbm>>, %arg8: memref<1024xi32, #tpu.memory_space<vmem>>, %arg9: memref<1024xi32, #tpu.memory_space<vmem>>, %arg10: memref<1024xi32, #tpu.memory_space<vmem>>, %arg11: memref<8x128xi32, #tpu.memory_space<vmem>>, %arg12: memref<128xf32, #tpu.memory_space<vmem>>, %arg13: memref<786432xf32, #tpu.memory_space<vmem_shared>>) attributes {dimension_semantics = [#tpu.dimension_semantics<core_parallel>, #tpu.dimension_semantics<subcore_parallel>], iteration_bounds = array<i64: 2, 16>, scalar_prefetch = 0 : i64, scratch_operands = 6 : i64, tpu.core_type = #tpu.core_type<sc_vector_subcore>, window_params = [{transform_indices = #map}, {transform_indices = #map}, {transform_indices = #map}, {transform_indices = #map}, {transform_indices = #map}, {transform_indices = #map1}]} {
    %mul3A = arith.constant 16 : i32
    %mul3A_0 = arith.muli %arg0, %mul3A : i32
    %add3A = arith.addi %mul3A_0, %arg1 : i32
    %mul3A_1 = arith.constant 1024 : i32
    %mul3A_2 = arith.muli %add3A, %mul3A_1 : i32
    "tpu.region"() ({
      %run_scoped3A_1489 = tpu.sem_alloc : memref<!tpu.dma_semaphore, #tpu.memory_space<semaphore_mem>>
      %dma_start3A = tpu.memref_slice %arg2[%mul3A_2] : memref<32768xi32, #tpu.memory_space<hbm>> -> memref<1024xi32, #tpu.memory_space<hbm>>
      %dma_start3A_1490 = tpu.memref_slice %arg2[%mul3A_2] : memref<32768xi32, #tpu.memory_space<hbm>> -> memref<1024xi32, #tpu.memory_space<hbm>>
      tpu.enqueue_dma source(%dma_start3A_1490 : memref<1024xi32, #tpu.memory_space<hbm>>) target(%arg8 : memref<1024xi32, #tpu.memory_space<vmem>>) target_semaphore(%run_scoped3A_1489 : memref<!tpu.dma_semaphore, #tpu.memory_space<semaphore_mem>>)
      %dma_wait3A = tpu.memref_slice %arg2[%mul3A_2] : memref<32768xi32, #tpu.memory_space<hbm>> -> memref<1024xi32, #tpu.memory_space<hbm>>
      %dma_wait3A_1491 = tpu.memref_slice %arg2[%mul3A_2] : memref<32768xi32, #tpu.memory_space<hbm>> -> memref<1024xi32, #tpu.memory_space<hbm>>
      tpu.wait_dma2 semaphore(%run_scoped3A_1489 : memref<!tpu.dma_semaphore, #tpu.memory_space<semaphore_mem>>) src(%dma_wait3A_1491 : memref<1024xi32, #tpu.memory_space<hbm>>) dst(%arg8 : memref<1024xi32, #tpu.memory_space<vmem>>)
      tpu.yield
    }) : () -> ()
    "tpu.region"() ({
      %run_scoped3A_1489 = tpu.sem_alloc : memref<!tpu.dma_semaphore, #tpu.memory_space<semaphore_mem>>
      %dma_start3A = tpu.memref_slice %arg3[%mul3A_2] : memref<32768xi32, #tpu.memory_space<hbm>> -> memref<1024xi32, #tpu.memory_space<hbm>>
      %dma_start3A_1490 = tpu.memref_slice %arg3[%mul3A_2] : memref<32768xi32, #tpu.memory_space<hbm>> -> memref<1024xi32, #tpu.memory_space<hbm>>
      tpu.enqueue_dma source(%dma_start3A_1490 : memref<1024xi32, #tpu.memory_space<hbm>>) target(%arg9 : memref<1024xi32, #tpu.memory_space<vmem>>) target_semaphore(%run_scoped3A_1489 : memref<!tpu.dma_semaphore, #tpu.memory_space<semaphore_mem>>)
      %dma_wait3A = tpu.memref_slice %arg3[%mul3A_2] : memref<32768xi32, #tpu.memory_space<hbm>> -> memref<1024xi32, #tpu.memory_space<hbm>>
      %dma_wait3A_1491 = tpu.memref_slice %arg3[%mul3A_2] : memref<32768xi32, #tpu.memory_space<hbm>> -> memref<1024xi32, #tpu.memory_space<hbm>>
      tpu.wait_dma2 semaphore(%run_scoped3A_1489 : memref<!tpu.dma_semaphore, #tpu.memory_space<semaphore_mem>>) src(%dma_wait3A_1491 : memref<1024xi32, #tpu.memory_space<hbm>>) dst(%arg9 : memref<1024xi32, #tpu.memory_space<vmem>>)
      tpu.yield
    }) : () -> ()
    "tpu.region"() ({
      %run_scoped3A_1489 = tpu.sem_alloc : memref<!tpu.dma_semaphore, #tpu.memory_space<semaphore_mem>>
      %dma_start3A = tpu.memref_slice %arg4[%mul3A_2] : memref<32768xi32, #tpu.memory_space<hbm>> -> memref<1024xi32, #tpu.memory_space<hbm>>
      %dma_start3A_1490 = tpu.memref_slice %arg4[%mul3A_2] : memref<32768xi32, #tpu.memory_space<hbm>> -> memref<1024xi32, #tpu.memory_space<hbm>>
      tpu.enqueue_dma source(%dma_start3A_1490 : memref<1024xi32, #tpu.memory_space<hbm>>) target(%arg10 : memref<1024xi32, #tpu.memory_space<vmem>>) target_semaphore(%run_scoped3A_1489 : memref<!tpu.dma_semaphore, #tpu.memory_space<semaphore_mem>>)
      %dma_wait3A = tpu.memref_slice %arg4[%mul3A_2] : memref<32768xi32, #tpu.memory_space<hbm>> -> memref<1024xi32, #tpu.memory_space<hbm>>
      %dma_wait3A_1491 = tpu.memref_slice %arg4[%mul3A_2] : memref<32768xi32, #tpu.memory_space<hbm>> -> memref<1024xi32, #tpu.memory_space<hbm>>
      tpu.wait_dma2 semaphore(%run_scoped3A_1489 : memref<!tpu.dma_semaphore, #tpu.memory_space<semaphore_mem>>) src(%dma_wait3A_1491 : memref<1024xi32, #tpu.memory_space<hbm>>) dst(%arg10 : memref<1024xi32, #tpu.memory_space<vmem>>)
      tpu.yield
    }) : () -> ()
    "tpu.region"() ({
      %run_scoped3A_1489 = tpu.sem_alloc : memref<!tpu.dma_semaphore, #tpu.memory_space<semaphore_mem>>
      tpu.enqueue_dma source(%arg6 : memref<128xf32, #tpu.memory_space<hbm>>) target(%arg12 : memref<128xf32, #tpu.memory_space<vmem>>) target_semaphore(%run_scoped3A_1489 : memref<!tpu.dma_semaphore, #tpu.memory_space<semaphore_mem>>)
      tpu.wait_dma2 semaphore(%run_scoped3A_1489 : memref<!tpu.dma_semaphore, #tpu.memory_space<semaphore_mem>>) src(%arg6 : memref<128xf32, #tpu.memory_space<hbm>>) dst(%arg12 : memref<128xf32, #tpu.memory_space<vmem>>)
      tpu.yield
    }) : () -> ()
    %mul3A_3 = arith.constant 49152 : i32
    %mul3A_4 = arith.muli %arg1, %mul3A_3 : i32
    %mul3A_5 = arith.constant 49152 : i32
    %mul3A_6 = arith.muli %arg1, %mul3A_5 : i32
    "tpu.region"() ({
      %run_scoped3A_1489 = tpu.sem_alloc : memref<!tpu.dma_semaphore, #tpu.memory_space<semaphore_mem>>
      %dma_start3A = tpu.memref_slice %arg13[%mul3A_6] : memref<786432xf32, #tpu.memory_space<vmem_shared>> -> memref<49152xf32, #tpu.memory_space<vmem_shared>>
      %dma_start3A_1490 = tpu.memref_slice %arg5[%mul3A_4] : memref<786432xf32, #tpu.memory_space<hbm>> -> memref<49152xf32, #tpu.memory_space<hbm>>
      tpu.enqueue_dma source(%dma_start3A_1490 : memref<49152xf32, #tpu.memory_space<hbm>>) target(%dma_start3A : memref<49152xf32, #tpu.memory_space<vmem_shared>>) target_semaphore(%run_scoped3A_1489 : memref<!tpu.dma_semaphore, #tpu.memory_space<semaphore_mem>>)
      %dma_wait3A = tpu.memref_slice %arg13[%mul3A_6] : memref<786432xf32, #tpu.memory_space<vmem_shared>> -> memref<49152xf32, #tpu.memory_space<vmem_shared>>
      %dma_wait3A_1491 = tpu.memref_slice %arg5[%mul3A_4] : memref<786432xf32, #tpu.memory_space<hbm>> -> memref<49152xf32, #tpu.memory_space<hbm>>
      tpu.wait_dma2 semaphore(%run_scoped3A_1489 : memref<!tpu.dma_semaphore, #tpu.memory_space<semaphore_mem>>) src(%dma_wait3A_1491 : memref<49152xf32, #tpu.memory_space<hbm>>) dst(%dma_wait3A : memref<49152xf32, #tpu.memory_space<vmem_shared>>)
      tpu.yield
    }) : () -> ()
    %get3A = arith.constant 0 : index
    %get3A_7 = tpu.vector_load %arg8[%get3A] {strides = array<i32>} : memref<1024xi32, #tpu.memory_space<vmem>>, vector<16xi32>,
    %get3A_8 = vector.shape_cast %get3A_7 : vector<16xi32> to vector<16xi32>
    %get3A_9 = arith.constant 0 : index
    %get3A_10 = tpu.vector_load %arg9[%get3A_9] {strides = array<i32>} : memref<1024xi32, #tpu.memory_space<vmem>>, vector<16xi32>,
    %get3A_11 = vector.shape_cast %get3A_10 : vector<16xi32> to vector<16xi32>
    %get3A_12 = arith.constant 0 : index
    %get3A_13 = tpu.vector_load %arg10[%get3A_12] {strides = array<i32>} : memref<1024xi32, #tpu.memory_space<vmem>>, vector<16xi32>,
    %get3A_14 = vector.shape_cast %get3A_13 : vector<16xi32> to vector<16xi32>
    %mul3A_15 = arith.constant 262144 : i32
    %mul3A_16 = vector.broadcast %mul3A_15 : i32 to vector<16xi32>
    %mul3A_17 = arith.muli %get3A_14, %mul3A_16 : vector<16xi32>
    %mul3A_18 = arith.constant 512 : i32
    %mul3A_19 = vector.broadcast %mul3A_18 : i32 to vector<16xi32>
    %mul3A_20 = arith.muli %get3A_8, %mul3A_19 : vector<16xi32>
    %add3A_21 = arith.addi %mul3A_17, %mul3A_20 : vector<16xi32>
    %add3A_22 = arith.addi %add3A_21, %get3A_11 : vector<16xi32>
    %swap3A = arith.constant 0 : i32
    %swap3A_23 = arith.index_cast %swap3A : i32 to index
    %swap3A_24 = arith.constant 0 : index
    %swap3A_25 = tpu.vector_load %arg11[%swap3A_23, %swap3A_24] {strides = array<i32>} : memref<8x128xi32, #tpu.memory_space<vmem>>, vector<1x16xi32>,
    %swap3A_26 = vector.shape_cast %swap3A_25 : vector<1x16xi32> to vector<16xi32>
    %swap3A_27 = vector.shape_cast %add3A_22 : vector<16xi32> to vector<1x16xi32>
    tpu.vector_store %arg11[%swap3A_23, %swap3A_24], %swap3A_27 {strides = array<i32>} : memref<8x128xi32, #tpu.memory_space<vmem>>, vector<1x16xi32>,
    %get3A_28 = arith.constant 16 : index
    %get3A_29 = tpu.vector_load %arg8[%get3A_28] {strides = array<i32>} : memref<1024xi32, #tpu.memory_space<vmem>>, vector<16xi32>,
    %get3A_30 = vector.shape_cast %get3A_29 : vector<16xi32> to vector<16xi32>
    %get3A_31 = arith.constant 16 : index
    %get3A_32 = tpu.vector_load %arg9[%get3A_31] {strides = array<i32>} : memref<1024xi32, #tpu.memory_space<vmem>>, vector<16xi32>,
    %get3A_33 = vector.shape_cast %get3A_32 : vector<16xi32> to vector<16xi32>
    %get3A_34 = arith.constant 16 : index
    %get3A_35 = tpu.vector_load %arg10[%get3A_34] {strides = array<i32>} : memref<1024xi32, #tpu.memory_space<vmem>>, vector<16xi32>,
    %get3A_36 = vector.shape_cast %get3A_35 : vector<16xi32> to vector<16xi32>
    %mul3A_37 = arith.constant 262144 : i32
    %mul3A_38 = vector.broadcast %mul3A_37 : i32 to vector<16xi32>
    %mul3A_39 = arith.muli %get3A_36, %mul3A_38 : vector<16xi32>
    %mul3A_40 = arith.constant 512 : i32
    %mul3A_41 = vector.broadcast %mul3A_40 : i32 to vector<16xi32>
    %mul3A_42 = arith.muli %get3A_30, %mul3A_41 : vector<16xi32>
    %add3A_43 = arith.addi %mul3A_39, %mul3A_42 : vector<16xi32>
    %add3A_44 = arith.addi %add3A_43, %get3A_33 : vector<16xi32>
    %swap3A_45 = arith.constant 0 : i32
    %swap3A_46 = arith.index_cast %swap3A_45 : i32 to index
    %swap3A_47 = arith.constant 16 : index
    %swap3A_48 = tpu.vector_load %arg11[%swap3A_46, %swap3A_47] {strides = array<i32>} : memref<8x128xi32, #tpu.memory_space<vmem>>, vector<1x16xi32>,
    %swap3A_49 = vector.shape_cast %swap3A_48 : vector<1x16xi32> to vector<16xi32>
    %swap3A_50 = vector.shape_cast %add3A_44 : vector<16xi32> to vector<1x16xi32>
    tpu.vector_store %arg11[%swap3A_46, %swap3A_47], %swap3A_50 {strides = array<i32>} : memref<8x128xi32, #tpu.memory_space<vmem>>, vector<1x16xi32>,
    %get3A_51 = arith.constant 32 : index
    %get3A_52 = tpu.vector_load %arg8[%get3A_51] {strides = array<i32>} : memref<1024xi32, #tpu.memory_space<vmem>>, vector<16xi32>,
    %get3A_53 = vector.shape_cast %get3A_52 : vector<16xi32> to vector<16xi32>
    %get3A_54 = arith.constant 32 : index
    %get3A_55 = tpu.vector_load %arg9[%get3A_54] {strides = array<i32>} : memref<1024xi32, #tpu.memory_space<vmem>>, vector<16xi32>,
    %get3A_56 = vector.shape_cast %get3A_55 : vector<16xi32> to vector<16xi32>
    %get3A_57 = arith.constant 32 : index
    %get3A_58 = tpu.vector_load %arg10[%get3A_57] {strides = array<i32>} : memref<1024xi32, #tpu.memory_space<vmem>>, vector<16xi32>,
    %get3A_59 = vector.shape_cast %get3A_58 : vector<16xi32> to vector<16xi32>
    %mul3A_60 = arith.constant 262144 : i32
    %mul3A_61 = vector.broadcast %mul3A_60 : i32 to vector<16xi32>
    %mul3A_62 = arith.muli %get3A_59, %mul3A_61 : vector<16xi32>
    %mul3A_63 = arith.constant 512 : i32
    %mul3A_64 = vector.broadcast %mul3A_63 : i32 to vector<16xi32>
    %mul3A_65 = arith.muli %get3A_53, %mul3A_64 : vector<16xi32>
    %add3A_66 = arith.addi %mul3A_62, %mul3A_65 : vector<16xi32>
    %add3A_67 = arith.addi %add3A_66, %get3A_56 : vector<16xi32>
    %swap3A_68 = arith.constant 0 : i32
    %swap3A_69 = arith.index_cast %swap3A_68 : i32 to index
    %swap3A_70 = arith.constant 32 : index
    %swap3A_71 = tpu.vector_load %arg11[%swap3A_69, %swap3A_70] {strides = array<i32>} : memref<8x128xi32, #tpu.memory_space<vmem>>, vector<1x16xi32>,
    %swap3A_72 = vector.shape_cast %swap3A_71 : vector<1x16xi32> to vector<16xi32>
    %swap3A_73 = vector.shape_cast %add3A_67 : vector<16xi32> to vector<1x16xi32>
    tpu.vector_store %arg11[%swap3A_69, %swap3A_70], %swap3A_73 {strides = array<i32>} : memref<8x128xi32, #tpu.memory_space<vmem>>, vector<1x16xi32>,
    %get3A_74 = arith.constant 48 : index
    %get3A_75 = tpu.vector_load %arg8[%get3A_74] {strides = array<i32>} : memref<1024xi32, #tpu.memory_space<vmem>>, vector<16xi32>,
    %get3A_76 = vector.shape_cast %get3A_75 : vector<16xi32> to vector<16xi32>
    %get3A_77 = arith.constant 48 : index
    %get3A_78 = tpu.vector_load %arg9[%get3A_77] {strides = array<i32>} : memref<1024xi32, #tpu.memory_space<vmem>>, vector<16xi32>,
    %get3A_79 = vector.shape_cast %get3A_78 : vector<16xi32> to vector<16xi32>
    %get3A_80 = arith.constant 48 : index
    %get3A_81 = tpu.vector_load %arg10[%get3A_80] {strides = array<i32>} : memref<1024xi32, #tpu.memory_space<vmem>>, vector<16xi32>,
    %get3A_82 = vector.shape_cast %get3A_81 : vector<16xi32> to vector<16xi32>
    %mul3A_83 = arith.constant 262144 : i32
    %mul3A_84 = vector.broadcast %mul3A_83 : i32 to vector<16xi32>
    %mul3A_85 = arith.muli %get3A_82, %mul3A_84 : vector<16xi32>
    %mul3A_86 = arith.constant 512 : i32
    %mul3A_87 = vector.broadcast %mul3A_86 : i32 to vector<16xi32>
    %mul3A_88 = arith.muli %get3A_76, %mul3A_87 : vector<16xi32>
    %add3A_89 = arith.addi %mul3A_85, %mul3A_88 : vector<16xi32>
    %add3A_90 = arith.addi %add3A_89, %get3A_79 : vector<16xi32>
    %swap3A_91 = arith.constant 0 : i32
    %swap3A_92 = arith.index_cast %swap3A_91 : i32 to index
    %swap3A_93 = arith.constant 48 : index
    %swap3A_94 = tpu.vector_load %arg11[%swap3A_92, %swap3A_93] {strides = array<i32>} : memref<8x128xi32, #tpu.memory_space<vmem>>, vector<1x16xi32>,
    %swap3A_95 = vector.shape_cast %swap3A_94 : vector<1x16xi32> to vector<16xi32>
    %swap3A_96 = vector.shape_cast %add3A_90 : vector<16xi32> to vector<1x16xi32>
    tpu.vector_store %arg11[%swap3A_92, %swap3A_93], %swap3A_96 {strides = array<i32>} : memref<8x128xi32, #tpu.memory_space<vmem>>, vector<1x16xi32>,
    %get3A_97 = arith.constant 64 : index
    %get3A_98 = tpu.vector_load %arg8[%get3A_97] {strides = array<i32>} : memref<1024xi32, #tpu.memory_space<vmem>>, vector<16xi32>,
    %get3A_99 = vector.shape_cast %get3A_98 : vector<16xi32> to vector<16xi32>
    %get3A_100 = arith.constant 64 : index
    %get3A_101 = tpu.vector_load %arg9[%get3A_100] {strides = array<i32>} : memref<1024xi32, #tpu.memory_space<vmem>>, vector<16xi32>,
    %get3A_102 = vector.shape_cast %get3A_101 : vector<16xi32> to vector<16xi32>
    %get3A_103 = arith.constant 64 : index
    %get3A_104 = tpu.vector_load %arg10[%get3A_103] {strides = array<i32>} : memref<1024xi32, #tpu.memory_space<vmem>>, vector<16xi32>,
    %get3A_105 = vector.shape_cast %get3A_104 : vector<16xi32> to vector<16xi32>
    %mul3A_106 = arith.constant 262144 : i32
    %mul3A_107 = vector.broadcast %mul3A_106 : i32 to vector<16xi32>
    %mul3A_108 = arith.muli %get3A_105, %mul3A_107 : vector<16xi32>
    %mul3A_109 = arith.constant 512 : i32
    %mul3A_110 = vector.broadcast %mul3A_109 : i32 to vector<16xi32>
    %mul3A_111 = arith.muli %get3A_99, %mul3A_110 : vector<16xi32>
    %add3A_112 = arith.addi %mul3A_108, %mul3A_111 : vector<16xi32>
    %add3A_113 = arith.addi %add3A_112, %get3A_102 : vector<16xi32>
    %swap3A_114 = arith.constant 0 : i32
    %swap3A_115 = arith.index_cast %swap3A_114 : i32 to index
    %swap3A_116 = arith.constant 64 : index
    %swap3A_117 = tpu.vector_load %arg11[%swap3A_115, %swap3A_116] {strides = array<i32>} : memref<8x128xi32, #tpu.memory_space<vmem>>, vector<1x16xi32>,
    %swap3A_118 = vector.shape_cast %swap3A_117 : vector<1x16xi32> to vector<16xi32>
    %swap3A_119 = vector.shape_cast %add3A_113 : vector<16xi32> to vector<1x16xi32>
    tpu.vector_store %arg11[%swap3A_115, %swap3A_116], %swap3A_119 {strides = array<i32>} : memref<8x128xi32, #tpu.memory_space<vmem>>, vector<1x16xi32>,
    %get3A_120 = arith.constant 80 : index
    %get3A_121 = tpu.vector_load %arg8[%get3A_120] {strides = array<i32>} : memref<1024xi32, #tpu.memory_space<vmem>>, vector<16xi32>,
    %get3A_122 = vector.shape_cast %get3A_121 : vector<16xi32> to vector<16xi32>
    %get3A_123 = arith.constant 80 : index
    %get3A_124 = tpu.vector_load %arg9[%get3A_123] {strides = array<i32>} : memref<1024xi32, #tpu.memory_space<vmem>>, vector<16xi32>,
    %get3A_125 = vector.shape_cast %get3A_124 : vector<16xi32> to vector<16xi32>
    %get3A_126 = arith.constant 80 : index
    %get3A_127 = tpu.vector_load %arg10[%get3A_126] {strides = array<i32>} : memref<1024xi32, #tpu.memory_space<vmem>>, vector<16xi32>,
    %get3A_128 = vector.shape_cast %get3A_127 : vector<16xi32> to vector<16xi32>
    %mul3A_129 = arith.constant 262144 : i32
    %mul3A_130 = vector.broadcast %mul3A_129 : i32 to vector<16xi32>
    %mul3A_131 = arith.muli %get3A_128, %mul3A_130 : vector<16xi32>
    %mul3A_132 = arith.constant 512 : i32
    %mul3A_133 = vector.broadcast %mul3A_132 : i32 to vector<16xi32>
    %mul3A_134 = arith.muli %get3A_122, %mul3A_133 : vector<16xi32>
    %add3A_135 = arith.addi %mul3A_131, %mul3A_134 : vector<16xi32>
    %add3A_136 = arith.addi %add3A_135, %get3A_125 : vector<16xi32>
    %swap3A_137 = arith.constant 0 : i32
    %swap3A_138 = arith.index_cast %swap3A_137 : i32 to index
    %swap3A_139 = arith.constant 80 : index
    %swap3A_140 = tpu.vector_load %arg11[%swap3A_138, %swap3A_139] {strides = array<i32>} : memref<8x128xi32, #tpu.memory_space<vmem>>, vector<1x16xi32>,
    %swap3A_141 = vector.shape_cast %swap3A_140 : vector<1x16xi32> to vector<16xi32>
    %swap3A_142 = vector.shape_cast %add3A_136 : vector<16xi32> to vector<1x16xi32>
    tpu.vector_store %arg11[%swap3A_138, %swap3A_139], %swap3A_142 {strides = array<i32>} : memref<8x128xi32, #tpu.memory_space<vmem>>, vector<1x16xi32>,
    %get3A_143 = arith.constant 96 : index
    %get3A_144 = tpu.vector_load %arg8[%get3A_143] {strides = array<i32>} : memref<1024xi32, #tpu.memory_space<vmem>>, vector<16xi32>,
    %get3A_145 = vector.shape_cast %get3A_144 : vector<16xi32> to vector<16xi32>
    %get3A_146 = arith.constant 96 : index
    %get3A_147 = tpu.vector_load %arg9[%get3A_146] {strides = array<i32>} : memref<1024xi32, #tpu.memory_space<vmem>>, vector<16xi32>,
    %get3A_148 = vector.shape_cast %get3A_147 : vector<16xi32> to vector<16xi32>
    %get3A_149 = arith.constant 96 : index
    %get3A_150 = tpu.vector_load %arg10[%get3A_149] {strides = array<i32>} : memref<1024xi32, #tpu.memory_space<vmem>>, vector<16xi32>,
    %get3A_151 = vector.shape_cast %get3A_150 : vector<16xi32> to vector<16xi32>
    %mul3A_152 = arith.constant 262144 : i32
    %mul3A_153 = vector.broadcast %mul3A_152 : i32 to vector<16xi32>
    %mul3A_154 = arith.muli %get3A_151, %mul3A_153 : vector<16xi32>
    %mul3A_155 = arith.constant 512 : i32
    %mul3A_156 = vector.broadcast %mul3A_155 : i32 to vector<16xi32>
    %mul3A_157 = arith.muli %get3A_145, %mul3A_156 : vector<16xi32>
    %add3A_158 = arith.addi %mul3A_154, %mul3A_157 : vector<16xi32>
    %add3A_159 = arith.addi %add3A_158, %get3A_148 : vector<16xi32>
    %swap3A_160 = arith.constant 0 : i32
    %swap3A_161 = arith.index_cast %swap3A_160 : i32 to index
    %swap3A_162 = arith.constant 96 : index
    %swap3A_163 = tpu.vector_load %arg11[%swap3A_161, %swap3A_162] {strides = array<i32>} : memref<8x128xi32, #tpu.memory_space<vmem>>, vector<1x16xi32>,
    %swap3A_164 = vector.shape_cast %swap3A_163 : vector<1x16xi32> to vector<16xi32>
    %swap3A_165 = vector.shape_cast %add3A_159 : vector<16xi32> to vector<1x16xi32>
    tpu.vector_store %arg11[%swap3A_161, %swap3A_162], %swap3A_165 {strides = array<i32>} : memref<8x128xi32, #tpu.memory_space<vmem>>, vector<1x16xi32>,
    %get3A_166 = arith.constant 112 : index
    %get3A_167 = tpu.vector_load %arg8[%get3A_166] {strides = array<i32>} : memref<1024xi32, #tpu.memory_space<vmem>>, vector<16xi32>,
    %get3A_168 = vector.shape_cast %get3A_167 : vector<16xi32> to vector<16xi32>
    %get3A_169 = arith.constant 112 : index
    %get3A_170 = tpu.vector_load %arg9[%get3A_169] {strides = array<i32>} : memref<1024xi32, #tpu.memory_space<vmem>>, vector<16xi32>,
    %get3A_171 = vector.shape_cast %get3A_170 : vector<16xi32> to vector<16xi32>
    %get3A_172 = arith.constant 112 : index
    %get3A_173 = tpu.vector_load %arg10[%get3A_172] {strides = array<i32>} : memref<1024xi32, #tpu.memory_space<vmem>>, vector<16xi32>,
    %get3A_174 = vector.shape_cast %get3A_173 : vector<16xi32> to vector<16xi32>
    %mul3A_175 = arith.constant 262144 : i32
    %mul3A_176 = vector.broadcast %mul3A_175 : i32 to vector<16xi32>
    %mul3A_177 = arith.muli %get3A_174, %mul3A_176 : vector<16xi32>
    %mul3A_178 = arith.constant 512 : i32
    %mul3A_179 = vector.broadcast %mul3A_178 : i32 to vector<16xi32>
    %mul3A_180 = arith.muli %get3A_168, %mul3A_179 : vector<16xi32>
    %add3A_181 = arith.addi %mul3A_177, %mul3A_180 : vector<16xi32>
    %add3A_182 = arith.addi %add3A_181, %get3A_171 : vector<16xi32>
    %swap3A_183 = arith.constant 0 : i32
    %swap3A_184 = arith.index_cast %swap3A_183 : i32 to index
    %swap3A_185 = arith.constant 112 : index
    %swap3A_186 = tpu.vector_load %arg11[%swap3A_184, %swap3A_185] {strides = array<i32>} : memref<8x128xi32, #tpu.memory_space<vmem>>, vector<1x16xi32>,
    %swap3A_187 = vector.shape_cast %swap3A_186 : vector<1x16xi32> to vector<16xi32>
    %swap3A_188 = vector.shape_cast %add3A_182 : vector<16xi32> to vector<1x16xi32>
    tpu.vector_store %arg11[%swap3A_184, %swap3A_185], %swap3A_188 {strides = array<i32>} : memref<8x128xi32, #tpu.memory_space<vmem>>, vector<1x16xi32>,
    %get3A_189 = arith.constant 128 : index
    %get3A_190 = tpu.vector_load %arg8[%get3A_189] {strides = array<i32>} : memref<1024xi32, #tpu.memory_space<vmem>>, vector<16xi32>,
    %get3A_191 = vector.shape_cast %get3A_190 : vector<16xi32> to vector<16xi32>
    %get3A_192 = arith.constant 128 : index
    %get3A_193 = tpu.vector_load %arg9[%get3A_192] {strides = array<i32>} : memref<1024xi32, #tpu.memory_space<vmem>>, vector<16xi32>,
    %get3A_194 = vector.shape_cast %get3A_193 : vector<16xi32> to vector<16xi32>
    %get3A_195 = arith.constant 128 : index
    %get3A_196 = tpu.vector_load %arg10[%get3A_195] {strides = array<i32>} : memref<1024xi32, #tpu.memory_space<vmem>>, vector<16xi32>,
    %get3A_197 = vector.shape_cast %get3A_196 : vector<16xi32> to vector<16xi32>
    %mul3A_198 = arith.constant 262144 : i32
    %mul3A_199 = vector.broadcast %mul3A_198 : i32 to vector<16xi32>
    %mul3A_200 = arith.muli %get3A_197, %mul3A_199 : vector<16xi32>
    %mul3A_201 = arith.constant 512 : i32
    %mul3A_202 = vector.broadcast %mul3A_201 : i32 to vector<16xi32>
    %mul3A_203 = arith.muli %get3A_191, %mul3A_202 : vector<16xi32>
    %add3A_204 = arith.addi %mul3A_200, %mul3A_203 : vector<16xi32>
    %add3A_205 = arith.addi %add3A_204, %get3A_194 : vector<16xi32>
    %swap3A_206 = arith.constant 1 : i32
    %swap3A_207 = arith.index_cast %swap3A_206 : i32 to index
    %swap3A_208 = arith.constant 0 : index
    %swap3A_209 = tpu.vector_load %arg11[%swap3A_207, %swap3A_208] {strides = array<i32>} : memref<8x128xi32, #tpu.memory_space<vmem>>, vector<1x16xi32>,
    %swap3A_210 = vector.shape_cast %swap3A_209 : vector<1x16xi32> to vector<16xi32>
    %swap3A_211 = vector.shape_cast %add3A_205 : vector<16xi32> to vector<1x16xi32>
    tpu.vector_store %arg11[%swap3A_207, %swap3A_208], %swap3A_211 {strides = array<i32>} : memref<8x128xi32, #tpu.memory_space<vmem>>, vector<1x16xi32>,
    %get3A_212 = arith.constant 144 : index
    %get3A_213 = tpu.vector_load %arg8[%get3A_212] {strides = array<i32>} : memref<1024xi32, #tpu.memory_space<vmem>>, vector<16xi32>,
    %get3A_214 = vector.shape_cast %get3A_213 : vector<16xi32> to vector<16xi32>
    %get3A_215 = arith.constant 144 : index
    %get3A_216 = tpu.vector_load %arg9[%get3A_215] {strides = array<i32>} : memref<1024xi32, #tpu.memory_space<vmem>>, vector<16xi32>,
    %get3A_217 = vector.shape_cast %get3A_216 : vector<16xi32> to vector<16xi32>
    %get3A_218 = arith.constant 144 : index
    %get3A_219 = tpu.vector_load %arg10[%get3A_218] {strides = array<i32>} : memref<1024xi32, #tpu.memory_space<vmem>>, vector<16xi32>,
    %get3A_220 = vector.shape_cast %get3A_219 : vector<16xi32> to vector<16xi32>
    %mul3A_221 = arith.constant 262144 : i32
    %mul3A_222 = vector.broadcast %mul3A_221 : i32 to vector<16xi32>
    %mul3A_223 = arith.muli %get3A_220, %mul3A_222 : vector<16xi32>
    %mul3A_224 = arith.constant 512 : i32
    %mul3A_225 = vector.broadcast %mul3A_224 : i32 to vector<16xi32>
    %mul3A_226 = arith.muli %get3A_214, %mul3A_225 : vector<16xi32>
    %add3A_227 = arith.addi %mul3A_223, %mul3A_226 : vector<16xi32>
    %add3A_228 = arith.addi %add3A_227, %get3A_217 : vector<16xi32>
    %swap3A_229 = arith.constant 1 : i32
    %swap3A_230 = arith.index_cast %swap3A_229 : i32 to index
    %swap3A_231 = arith.constant 16 : index
    %swap3A_232 = tpu.vector_load %arg11[%swap3A_230, %swap3A_231] {strides = array<i32>} : memref<8x128xi32, #tpu.memory_space<vmem>>, vector<1x16xi32>,
    %swap3A_233 = vector.shape_cast %swap3A_232 : vector<1x16xi32> to vector<16xi32>
    %swap3A_234 = vector.shape_cast %add3A_228 : vector<16xi32> to vector<1x16xi32>
    tpu.vector_store %arg11[%swap3A_230, %swap3A_231], %swap3A_234 {strides = array<i32>} : memref<8x128xi32, #tpu.memory_space<vmem>>, vector<1x16xi32>,
    %get3A_235 = arith.constant 160 : index
    %get3A_236 = tpu.vector_load %arg8[%get3A_235] {strides = array<i32>} : memref<1024xi32, #tpu.memory_space<vmem>>, vector<16xi32>,
    %get3A_237 = vector.shape_cast %get3A_236 : vector<16xi32> to vector<16xi32>
    %get3A_238 = arith.constant 160 : index
    %get3A_239 = tpu.vector_load %arg9[%get3A_238] {strides = array<i32>} : memref<1024xi32, #tpu.memory_space<vmem>>, vector<16xi32>,
    %get3A_240 = vector.shape_cast %get3A_239 : vector<16xi32> to vector<16xi32>
    %get3A_241 = arith.constant 160 : index
    %get3A_242 = tpu.vector_load %arg10[%get3A_241] {strides = array<i32>} : memref<1024xi32, #tpu.memory_space<vmem>>, vector<16xi32>,
    %get3A_243 = vector.shape_cast %get3A_242 : vector<16xi32> to vector<16xi32>
    %mul3A_244 = arith.constant 262144 : i32
    %mul3A_245 = vector.broadcast %mul3A_244 : i32 to vector<16xi32>
    %mul3A_246 = arith.muli %get3A_243, %mul3A_245 : vector<16xi32>
    %mul3A_247 = arith.constant 512 : i32
    %mul3A_248 = vector.broadcast %mul3A_247 : i32 to vector<16xi32>
    %mul3A_249 = arith.muli %get3A_237, %mul3A_248 : vector<16xi32>
    %add3A_250 = arith.addi %mul3A_246, %mul3A_249 : vector<16xi32>
    %add3A_251 = arith.addi %add3A_250, %get3A_240 : vector<16xi32>
    %swap3A_252 = arith.constant 1 : i32
    %swap3A_253 = arith.index_cast %swap3A_252 : i32 to index
    %swap3A_254 = arith.constant 32 : index
    %swap3A_255 = tpu.vector_load %arg11[%swap3A_253, %swap3A_254] {strides = array<i32>} : memref<8x128xi32, #tpu.memory_space<vmem>>, vector<1x16xi32>,
    %swap3A_256 = vector.shape_cast %swap3A_255 : vector<1x16xi32> to vector<16xi32>
    %swap3A_257 = vector.shape_cast %add3A_251 : vector<16xi32> to vector<1x16xi32>
    tpu.vector_store %arg11[%swap3A_253, %swap3A_254], %swap3A_257 {strides = array<i32>} : memref<8x128xi32, #tpu.memory_space<vmem>>, vector<1x16xi32>,
    %get3A_258 = arith.constant 176 : index
    %get3A_259 = tpu.vector_load %arg8[%get3A_258] {strides = array<i32>} : memref<1024xi32, #tpu.memory_space<vmem>>, vector<16xi32>,
    %get3A_260 = vector.shape_cast %get3A_259 : vector<16xi32> to vector<16xi32>
    %get3A_261 = arith.constant 176 : index
    %get3A_262 = tpu.vector_load %arg9[%get3A_261] {strides = array<i32>} : memref<1024xi32, #tpu.memory_space<vmem>>, vector<16xi32>,
    %get3A_263 = vector.shape_cast %get3A_262 : vector<16xi32> to vector<16xi32>
    %get3A_264 = arith.constant 176 : index
    %get3A_265 = tpu.vector_load %arg10[%get3A_264] {strides = array<i32>} : memref<1024xi32, #tpu.memory_space<vmem>>, vector<16xi32>,
    %get3A_266 = vector.shape_cast %get3A_265 : vector<16xi32> to vector<16xi32>
    %mul3A_267 = arith.constant 262144 : i32
    %mul3A_268 = vector.broadcast %mul3A_267 : i32 to vector<16xi32>
    %mul3A_269 = arith.muli %get3A_266, %mul3A_268 : vector<16xi32>
    %mul3A_270 = arith.constant 512 : i32
    %mul3A_271 = vector.broadcast %mul3A_270 : i32 to vector<16xi32>
    %mul3A_272 = arith.muli %get3A_260, %mul3A_271 : vector<16xi32>
    %add3A_273 = arith.addi %mul3A_269, %mul3A_272 : vector<16xi32>
    %add3A_274 = arith.addi %add3A_273, %get3A_263 : vector<16xi32>
    %swap3A_275 = arith.constant 1 : i32
    %swap3A_276 = arith.index_cast %swap3A_275 : i32 to index
    %swap3A_277 = arith.constant 48 : index
    %swap3A_278 = tpu.vector_load %arg11[%swap3A_276, %swap3A_277] {strides = array<i32>} : memref<8x128xi32, #tpu.memory_space<vmem>>, vector<1x16xi32>,
    %swap3A_279 = vector.shape_cast %swap3A_278 : vector<1x16xi32> to vector<16xi32>
    %swap3A_280 = vector.shape_cast %add3A_274 : vector<16xi32> to vector<1x16xi32>
    tpu.vector_store %arg11[%swap3A_276, %swap3A_277], %swap3A_280 {strides = array<i32>} : memref<8x128xi32, #tpu.memory_space<vmem>>, vector<1x16xi32>,
    %get3A_281 = arith.constant 192 : index
    %get3A_282 = tpu.vector_load %arg8[%get3A_281] {strides = array<i32>} : memref<1024xi32, #tpu.memory_space<vmem>>, vector<16xi32>,
    %get3A_283 = vector.shape_cast %get3A_282 : vector<16xi32> to vector<16xi32>
    %get3A_284 = arith.constant 192 : index
    %get3A_285 = tpu.vector_load %arg9[%get3A_284] {strides = array<i32>} : memref<1024xi32, #tpu.memory_space<vmem>>, vector<16xi32>,
    %get3A_286 = vector.shape_cast %get3A_285 : vector<16xi32> to vector<16xi32>
    %get3A_287 = arith.constant 192 : index
    %get3A_288 = tpu.vector_load %arg10[%get3A_287] {strides = array<i32>} : memref<1024xi32, #tpu.memory_space<vmem>>, vector<16xi32>,
    %get3A_289 = vector.shape_cast %get3A_288 : vector<16xi32> to vector<16xi32>
    %mul3A_290 = arith.constant 262144 : i32
    %mul3A_291 = vector.broadcast %mul3A_290 : i32 to vector<16xi32>
    %mul3A_292 = arith.muli %get3A_289, %mul3A_291 : vector<16xi32>
    %mul3A_293 = arith.constant 512 : i32
    %mul3A_294 = vector.broadcast %mul3A_293 : i32 to vector<16xi32>
    %mul3A_295 = arith.muli %get3A_283, %mul3A_294 : vector<16xi32>
    %add3A_296 = arith.addi %mul3A_292, %mul3A_295 : vector<16xi32>
    %add3A_297 = arith.addi %add3A_296, %get3A_286 : vector<16xi32>
    %swap3A_298 = arith.constant 1 : i32
    %swap3A_299 = arith.index_cast %swap3A_298 : i32 to index
    %swap3A_300 = arith.constant 64 : index
    %swap3A_301 = tpu.vector_load %arg11[%swap3A_299, %swap3A_300] {strides = array<i32>} : memref<8x128xi32, #tpu.memory_space<vmem>>, vector<1x16xi32>,
    %swap3A_302 = vector.shape_cast %swap3A_301 : vector<1x16xi32> to vector<16xi32>
    %swap3A_303 = vector.shape_cast %add3A_297 : vector<16xi32> to vector<1x16xi32>
    tpu.vector_store %arg11[%swap3A_299, %swap3A_300], %swap3A_303 {strides = array<i32>} : memref<8x128xi32, #tpu.memory_space<vmem>>, vector<1x16xi32>,
    %get3A_304 = arith.constant 208 : index
    %get3A_305 = tpu.vector_load %arg8[%get3A_304] {strides = array<i32>} : memref<1024xi32, #tpu.memory_space<vmem>>, vector<16xi32>,
    %get3A_306 = vector.shape_cast %get3A_305 : vector<16xi32> to vector<16xi32>
    %get3A_307 = arith.constant 208 : index
    %get3A_308 = tpu.vector_load %arg9[%get3A_307] {strides = array<i32>} : memref<1024xi32, #tpu.memory_space<vmem>>, vector<16xi32>,
    %get3A_309 = vector.shape_cast %get3A_308 : vector<16xi32> to vector<16xi32>
    %get3A_310 = arith.constant 208 : index
    %get3A_311 = tpu.vector_load %arg10[%get3A_310] {strides = array<i32>} : memref<1024xi32, #tpu.memory_space<vmem>>, vector<16xi32>,
    %get3A_312 = vector.shape_cast %get3A_311 : vector<16xi32> to vector<16xi32>
    %mul3A_313 = arith.constant 262144 : i32
    %mul3A_314 = vector.broadcast %mul3A_313 : i32 to vector<16xi32>
    %mul3A_315 = arith.muli %get3A_312, %mul3A_314 : vector<16xi32>
    %mul3A_316 = arith.constant 512 : i32
    %mul3A_317 = vector.broadcast %mul3A_316 : i32 to vector<16xi32>
    %mul3A_318 = arith.muli %get3A_306, %mul3A_317 : vector<16xi32>
    %add3A_319 = arith.addi %mul3A_315, %mul3A_318 : vector<16xi32>
    %add3A_320 = arith.addi %add3A_319, %get3A_309 : vector<16xi32>
    %swap3A_321 = arith.constant 1 : i32
    %swap3A_322 = arith.index_cast %swap3A_321 : i32 to index
    %swap3A_323 = arith.constant 80 : index
    %swap3A_324 = tpu.vector_load %arg11[%swap3A_322, %swap3A_323] {strides = array<i32>} : memref<8x128xi32, #tpu.memory_space<vmem>>, vector<1x16xi32>,
    %swap3A_325 = vector.shape_cast %swap3A_324 : vector<1x16xi32> to vector<16xi32>
    %swap3A_326 = vector.shape_cast %add3A_320 : vector<16xi32> to vector<1x16xi32>
    tpu.vector_store %arg11[%swap3A_322, %swap3A_323], %swap3A_326 {strides = array<i32>} : memref<8x128xi32, #tpu.memory_space<vmem>>, vector<1x16xi32>,
    %get3A_327 = arith.constant 224 : index
    %get3A_328 = tpu.vector_load %arg8[%get3A_327] {strides = array<i32>} : memref<1024xi32, #tpu.memory_space<vmem>>, vector<16xi32>,
    %get3A_329 = vector.shape_cast %get3A_328 : vector<16xi32> to vector<16xi32>
    %get3A_330 = arith.constant 224 : index
    %get3A_331 = tpu.vector_load %arg9[%get3A_330] {strides = array<i32>} : memref<1024xi32, #tpu.memory_space<vmem>>, vector<16xi32>,
    %get3A_332 = vector.shape_cast %get3A_331 : vector<16xi32> to vector<16xi32>
    %get3A_333 = arith.constant 224 : index
    %get3A_334 = tpu.vector_load %arg10[%get3A_333] {strides = array<i32>} : memref<1024xi32, #tpu.memory_space<vmem>>, vector<16xi32>,
    %get3A_335 = vector.shape_cast %get3A_334 : vector<16xi32> to vector<16xi32>
    %mul3A_336 = arith.constant 262144 : i32
    %mul3A_337 = vector.broadcast %mul3A_336 : i32 to vector<16xi32>
    %mul3A_338 = arith.muli %get3A_335, %mul3A_337 : vector<16xi32>
    %mul3A_339 = arith.constant 512 : i32
    %mul3A_340 = vector.broadcast %mul3A_339 : i32 to vector<16xi32>
    %mul3A_341 = arith.muli %get3A_329, %mul3A_340 : vector<16xi32>
    %add3A_342 = arith.addi %mul3A_338, %mul3A_341 : vector<16xi32>
    %add3A_343 = arith.addi %add3A_342, %get3A_332 : vector<16xi32>
    %swap3A_344 = arith.constant 1 : i32
    %swap3A_345 = arith.index_cast %swap3A_344 : i32 to index
    %swap3A_346 = arith.constant 96 : index
    %swap3A_347 = tpu.vector_load %arg11[%swap3A_345, %swap3A_346] {strides = array<i32>} : memref<8x128xi32, #tpu.memory_space<vmem>>, vector<1x16xi32>,
    %swap3A_348 = vector.shape_cast %swap3A_347 : vector<1x16xi32> to vector<16xi32>
    %swap3A_349 = vector.shape_cast %add3A_343 : vector<16xi32> to vector<1x16xi32>
    tpu.vector_store %arg11[%swap3A_345, %swap3A_346], %swap3A_349 {strides = array<i32>} : memref<8x128xi32, #tpu.memory_space<vmem>>, vector<1x16xi32>,
    %get3A_350 = arith.constant 240 : index
    %get3A_351 = tpu.vector_load %arg8[%get3A_350] {strides = array<i32>} : memref<1024xi32, #tpu.memory_space<vmem>>, vector<16xi32>,
    %get3A_352 = vector.shape_cast %get3A_351 : vector<16xi32> to vector<16xi32>
    %get3A_353 = arith.constant 240 : index
    %get3A_354 = tpu.vector_load %arg9[%get3A_353] {strides = array<i32>} : memref<1024xi32, #tpu.memory_space<vmem>>, vector<16xi32>,
    %get3A_355 = vector.shape_cast %get3A_354 : vector<16xi32> to vector<16xi32>
    %get3A_356 = arith.constant 240 : index
    %get3A_357 = tpu.vector_load %arg10[%get3A_356] {strides = array<i32>} : memref<1024xi32, #tpu.memory_space<vmem>>, vector<16xi32>,
    %get3A_358 = vector.shape_cast %get3A_357 : vector<16xi32> to vector<16xi32>
    %mul3A_359 = arith.constant 262144 : i32
    %mul3A_360 = vector.broadcast %mul3A_359 : i32 to vector<16xi32>
    %mul3A_361 = arith.muli %get3A_358, %mul3A_360 : vector<16xi32>
    %mul3A_362 = arith.constant 512 : i32
    %mul3A_363 = vector.broadcast %mul3A_362 : i32 to vector<16xi32>
    %mul3A_364 = arith.muli %get3A_352, %mul3A_363 : vector<16xi32>
    %add3A_365 = arith.addi %mul3A_361, %mul3A_364 : vector<16xi32>
    %add3A_366 = arith.addi %add3A_365, %get3A_355 : vector<16xi32>
    %swap3A_367 = arith.constant 1 : i32
    %swap3A_368 = arith.index_cast %swap3A_367 : i32 to index
    %swap3A_369 = arith.constant 112 : index
    %swap3A_370 = tpu.vector_load %arg11[%swap3A_368, %swap3A_369] {strides = array<i32>} : memref<8x128xi32, #tpu.memory_space<vmem>>, vector<1x16xi32>,
    %swap3A_371 = vector.shape_cast %swap3A_370 : vector<1x16xi32> to vector<16xi32>
    %swap3A_372 = vector.shape_cast %add3A_366 : vector<16xi32> to vector<1x16xi32>
    tpu.vector_store %arg11[%swap3A_368, %swap3A_369], %swap3A_372 {strides = array<i32>} : memref<8x128xi32, #tpu.memory_space<vmem>>, vector<1x16xi32>,
    %get3A_373 = arith.constant 256 : index
    %get3A_374 = tpu.vector_load %arg8[%get3A_373] {strides = array<i32>} : memref<1024xi32, #tpu.memory_space<vmem>>, vector<16xi32>,
    %get3A_375 = vector.shape_cast %get3A_374 : vector<16xi32> to vector<16xi32>
    %get3A_376 = arith.constant 256 : index
    %get3A_377 = tpu.vector_load %arg9[%get3A_376] {strides = array<i32>} : memref<1024xi32, #tpu.memory_space<vmem>>, vector<16xi32>,
    %get3A_378 = vector.shape_cast %get3A_377 : vector<16xi32> to vector<16xi32>
    %get3A_379 = arith.constant 256 : index
    %get3A_380 = tpu.vector_load %arg10[%get3A_379] {strides = array<i32>} : memref<1024xi32, #tpu.memory_space<vmem>>, vector<16xi32>,
    %get3A_381 = vector.shape_cast %get3A_380 : vector<16xi32> to vector<16xi32>
    %mul3A_382 = arith.constant 262144 : i32
    %mul3A_383 = vector.broadcast %mul3A_382 : i32 to vector<16xi32>
    %mul3A_384 = arith.muli %get3A_381, %mul3A_383 : vector<16xi32>
    %mul3A_385 = arith.constant 512 : i32
    %mul3A_386 = vector.broadcast %mul3A_385 : i32 to vector<16xi32>
    %mul3A_387 = arith.muli %get3A_375, %mul3A_386 : vector<16xi32>
    %add3A_388 = arith.addi %mul3A_384, %mul3A_387 : vector<16xi32>
    %add3A_389 = arith.addi %add3A_388, %get3A_378 : vector<16xi32>
    %swap3A_390 = arith.constant 2 : i32
    %swap3A_391 = arith.index_cast %swap3A_390 : i32 to index
    %swap3A_392 = arith.constant 0 : index
    %swap3A_393 = tpu.vector_load %arg11[%swap3A_391, %swap3A_392] {strides = array<i32>} : memref<8x128xi32, #tpu.memory_space<vmem>>, vector<1x16xi32>,
    %swap3A_394 = vector.shape_cast %swap3A_393 : vector<1x16xi32> to vector<16xi32>
    %swap3A_395 = vector.shape_cast %add3A_389 : vector<16xi32> to vector<1x16xi32>
    tpu.vector_store %arg11[%swap3A_391, %swap3A_392], %swap3A_395 {strides = array<i32>} : memref<8x128xi32, #tpu.memory_space<vmem>>, vector<1x16xi32>,
    %get3A_396 = arith.constant 272 : index
    %get3A_397 = tpu.vector_load %arg8[%get3A_396] {strides = array<i32>} : memref<1024xi32, #tpu.memory_space<vmem>>, vector<16xi32>,
    %get3A_398 = vector.shape_cast %get3A_397 : vector<16xi32> to vector<16xi32>
    %get3A_399 = arith.constant 272 : index
    %get3A_400 = tpu.vector_load %arg9[%get3A_399] {strides = array<i32>} : memref<1024xi32, #tpu.memory_space<vmem>>, vector<16xi32>,
    %get3A_401 = vector.shape_cast %get3A_400 : vector<16xi32> to vector<16xi32>
    %get3A_402 = arith.constant 272 : index
    %get3A_403 = tpu.vector_load %arg10[%get3A_402] {strides = array<i32>} : memref<1024xi32, #tpu.memory_space<vmem>>, vector<16xi32>,
    %get3A_404 = vector.shape_cast %get3A_403 : vector<16xi32> to vector<16xi32>
    %mul3A_405 = arith.constant 262144 : i32
    %mul3A_406 = vector.broadcast %mul3A_405 : i32 to vector<16xi32>
    %mul3A_407 = arith.muli %get3A_404, %mul3A_406 : vector<16xi32>
    %mul3A_408 = arith.constant 512 : i32
    %mul3A_409 = vector.broadcast %mul3A_408 : i32 to vector<16xi32>
    %mul3A_410 = arith.muli %get3A_398, %mul3A_409 : vector<16xi32>
    %add3A_411 = arith.addi %mul3A_407, %mul3A_410 : vector<16xi32>
    %add3A_412 = arith.addi %add3A_411, %get3A_401 : vector<16xi32>
    %swap3A_413 = arith.constant 2 : i32
    %swap3A_414 = arith.index_cast %swap3A_413 : i32 to index
    %swap3A_415 = arith.constant 16 : index
    %swap3A_416 = tpu.vector_load %arg11[%swap3A_414, %swap3A_415] {strides = array<i32>} : memref<8x128xi32, #tpu.memory_space<vmem>>, vector<1x16xi32>,
    %swap3A_417 = vector.shape_cast %swap3A_416 : vector<1x16xi32> to vector<16xi32>
    %swap3A_418 = vector.shape_cast %add3A_412 : vector<16xi32> to vector<1x16xi32>
    tpu.vector_store %arg11[%swap3A_414, %swap3A_415], %swap3A_418 {strides = array<i32>} : memref<8x128xi32, #tpu.memory_space<vmem>>, vector<1x16xi32>,
    %get3A_419 = arith.constant 288 : index
    %get3A_420 = tpu.vector_load %arg8[%get3A_419] {strides = array<i32>} : memref<1024xi32, #tpu.memory_space<vmem>>, vector<16xi32>,
    %get3A_421 = vector.shape_cast %get3A_420 : vector<16xi32> to vector<16xi32>
    %get3A_422 = arith.constant 288 : index
    %get3A_423 = tpu.vector_load %arg9[%get3A_422] {strides = array<i32>} : memref<1024xi32, #tpu.memory_space<vmem>>, vector<16xi32>,
    %get3A_424 = vector.shape_cast %get3A_423 : vector<16xi32> to vector<16xi32>
    %get3A_425 = arith.constant 288 : index
    %get3A_426 = tpu.vector_load %arg10[%get3A_425] {strides = array<i32>} : memref<1024xi32, #tpu.memory_space<vmem>>, vector<16xi32>,
    %get3A_427 = vector.shape_cast %get3A_426 : vector<16xi32> to vector<16xi32>
    %mul3A_428 = arith.constant 262144 : i32
    %mul3A_429 = vector.broadcast %mul3A_428 : i32 to vector<16xi32>
    %mul3A_430 = arith.muli %get3A_427, %mul3A_429 : vector<16xi32>
    %mul3A_431 = arith.constant 512 : i32
    %mul3A_432 = vector.broadcast %mul3A_431 : i32 to vector<16xi32>
    %mul3A_433 = arith.muli %get3A_421, %mul3A_432 : vector<16xi32>
    %add3A_434 = arith.addi %mul3A_430, %mul3A_433 : vector<16xi32>
    %add3A_435 = arith.addi %add3A_434, %get3A_424 : vector<16xi32>
    %swap3A_436 = arith.constant 2 : i32
    %swap3A_437 = arith.index_cast %swap3A_436 : i32 to index
    %swap3A_438 = arith.constant 32 : index
    %swap3A_439 = tpu.vector_load %arg11[%swap3A_437, %swap3A_438] {strides = array<i32>} : memref<8x128xi32, #tpu.memory_space<vmem>>, vector<1x16xi32>,
    %swap3A_440 = vector.shape_cast %swap3A_439 : vector<1x16xi32> to vector<16xi32>
    %swap3A_441 = vector.shape_cast %add3A_435 : vector<16xi32> to vector<1x16xi32>
    tpu.vector_store %arg11[%swap3A_437, %swap3A_438], %swap3A_441 {strides = array<i32>} : memref<8x128xi32, #tpu.memory_space<vmem>>, vector<1x16xi32>,
    %get3A_442 = arith.constant 304 : index
    %get3A_443 = tpu.vector_load %arg8[%get3A_442] {strides = array<i32>} : memref<1024xi32, #tpu.memory_space<vmem>>, vector<16xi32>,
    %get3A_444 = vector.shape_cast %get3A_443 : vector<16xi32> to vector<16xi32>
    %get3A_445 = arith.constant 304 : index
    %get3A_446 = tpu.vector_load %arg9[%get3A_445] {strides = array<i32>} : memref<1024xi32, #tpu.memory_space<vmem>>, vector<16xi32>,
    %get3A_447 = vector.shape_cast %get3A_446 : vector<16xi32> to vector<16xi32>
    %get3A_448 = arith.constant 304 : index
    %get3A_449 = tpu.vector_load %arg10[%get3A_448] {strides = array<i32>} : memref<1024xi32, #tpu.memory_space<vmem>>, vector<16xi32>,
    %get3A_450 = vector.shape_cast %get3A_449 : vector<16xi32> to vector<16xi32>
    %mul3A_451 = arith.constant 262144 : i32
    %mul3A_452 = vector.broadcast %mul3A_451 : i32 to vector<16xi32>
    %mul3A_453 = arith.muli %get3A_450, %mul3A_452 : vector<16xi32>
    %mul3A_454 = arith.constant 512 : i32
    %mul3A_455 = vector.broadcast %mul3A_454 : i32 to vector<16xi32>
    %mul3A_456 = arith.muli %get3A_444, %mul3A_455 : vector<16xi32>
    %add3A_457 = arith.addi %mul3A_453, %mul3A_456 : vector<16xi32>
    %add3A_458 = arith.addi %add3A_457, %get3A_447 : vector<16xi32>
    %swap3A_459 = arith.constant 2 : i32
    %swap3A_460 = arith.index_cast %swap3A_459 : i32 to index
    %swap3A_461 = arith.constant 48 : index
    %swap3A_462 = tpu.vector_load %arg11[%swap3A_460, %swap3A_461] {strides = array<i32>} : memref<8x128xi32, #tpu.memory_space<vmem>>, vector<1x16xi32>,
    %swap3A_463 = vector.shape_cast %swap3A_462 : vector<1x16xi32> to vector<16xi32>
    %swap3A_464 = vector.shape_cast %add3A_458 : vector<16xi32> to vector<1x16xi32>
    tpu.vector_store %arg11[%swap3A_460, %swap3A_461], %swap3A_464 {strides = array<i32>} : memref<8x128xi32, #tpu.memory_space<vmem>>, vector<1x16xi32>,
    %get3A_465 = arith.constant 320 : index
    %get3A_466 = tpu.vector_load %arg8[%get3A_465] {strides = array<i32>} : memref<1024xi32, #tpu.memory_space<vmem>>, vector<16xi32>,
    %get3A_467 = vector.shape_cast %get3A_466 : vector<16xi32> to vector<16xi32>
    %get3A_468 = arith.constant 320 : index
    %get3A_469 = tpu.vector_load %arg9[%get3A_468] {strides = array<i32>} : memref<1024xi32, #tpu.memory_space<vmem>>, vector<16xi32>,
    %get3A_470 = vector.shape_cast %get3A_469 : vector<16xi32> to vector<16xi32>
    %get3A_471 = arith.constant 320 : index
    %get3A_472 = tpu.vector_load %arg10[%get3A_471] {strides = array<i32>} : memref<1024xi32, #tpu.memory_space<vmem>>, vector<16xi32>,
    %get3A_473 = vector.shape_cast %get3A_472 : vector<16xi32> to vector<16xi32>
    %mul3A_474 = arith.constant 262144 : i32
    %mul3A_475 = vector.broadcast %mul3A_474 : i32 to vector<16xi32>
    %mul3A_476 = arith.muli %get3A_473, %mul3A_475 : vector<16xi32>
    %mul3A_477 = arith.constant 512 : i32
    %mul3A_478 = vector.broadcast %mul3A_477 : i32 to vector<16xi32>
    %mul3A_479 = arith.muli %get3A_467, %mul3A_478 : vector<16xi32>
    %add3A_480 = arith.addi %mul3A_476, %mul3A_479 : vector<16xi32>
    %add3A_481 = arith.addi %add3A_480, %get3A_470 : vector<16xi32>
    %swap3A_482 = arith.constant 2 : i32
    %swap3A_483 = arith.index_cast %swap3A_482 : i32 to index
    %swap3A_484 = arith.constant 64 : index
    %swap3A_485 = tpu.vector_load %arg11[%swap3A_483, %swap3A_484] {strides = array<i32>} : memref<8x128xi32, #tpu.memory_space<vmem>>, vector<1x16xi32>,
    %swap3A_486 = vector.shape_cast %swap3A_485 : vector<1x16xi32> to vector<16xi32>
    %swap3A_487 = vector.shape_cast %add3A_481 : vector<16xi32> to vector<1x16xi32>
    tpu.vector_store %arg11[%swap3A_483, %swap3A_484], %swap3A_487 {strides = array<i32>} : memref<8x128xi32, #tpu.memory_space<vmem>>, vector<1x16xi32>,
    %get3A_488 = arith.constant 336 : index
    %get3A_489 = tpu.vector_load %arg8[%get3A_488] {strides = array<i32>} : memref<1024xi32, #tpu.memory_space<vmem>>, vector<16xi32>,
    %get3A_490 = vector.shape_cast %get3A_489 : vector<16xi32> to vector<16xi32>
    %get3A_491 = arith.constant 336 : index
    %get3A_492 = tpu.vector_load %arg9[%get3A_491] {strides = array<i32>} : memref<1024xi32, #tpu.memory_space<vmem>>, vector<16xi32>,
    %get3A_493 = vector.shape_cast %get3A_492 : vector<16xi32> to vector<16xi32>
    %get3A_494 = arith.constant 336 : index
    %get3A_495 = tpu.vector_load %arg10[%get3A_494] {strides = array<i32>} : memref<1024xi32, #tpu.memory_space<vmem>>, vector<16xi32>,
    %get3A_496 = vector.shape_cast %get3A_495 : vector<16xi32> to vector<16xi32>
    %mul3A_497 = arith.constant 262144 : i32
    %mul3A_498 = vector.broadcast %mul3A_497 : i32 to vector<16xi32>
    %mul3A_499 = arith.muli %get3A_496, %mul3A_498 : vector<16xi32>
    %mul3A_500 = arith.constant 512 : i32
    %mul3A_501 = vector.broadcast %mul3A_500 : i32 to vector<16xi32>
    %mul3A_502 = arith.muli %get3A_490, %mul3A_501 : vector<16xi32>
    %add3A_503 = arith.addi %mul3A_499, %mul3A_502 : vector<16xi32>
    %add3A_504 = arith.addi %add3A_503, %get3A_493 : vector<16xi32>
    %swap3A_505 = arith.constant 2 : i32
    %swap3A_506 = arith.index_cast %swap3A_505 : i32 to index
    %swap3A_507 = arith.constant 80 : index
    %swap3A_508 = tpu.vector_load %arg11[%swap3A_506, %swap3A_507] {strides = array<i32>} : memref<8x128xi32, #tpu.memory_space<vmem>>, vector<1x16xi32>,
    %swap3A_509 = vector.shape_cast %swap3A_508 : vector<1x16xi32> to vector<16xi32>
    %swap3A_510 = vector.shape_cast %add3A_504 : vector<16xi32> to vector<1x16xi32>
    tpu.vector_store %arg11[%swap3A_506, %swap3A_507], %swap3A_510 {strides = array<i32>} : memref<8x128xi32, #tpu.memory_space<vmem>>, vector<1x16xi32>,
    %get3A_511 = arith.constant 352 : index
    %get3A_512 = tpu.vector_load %arg8[%get3A_511] {strides = array<i32>} : memref<1024xi32, #tpu.memory_space<vmem>>, vector<16xi32>,
    %get3A_513 = vector.shape_cast %get3A_512 : vector<16xi32> to vector<16xi32>
    %get3A_514 = arith.constant 352 : index
    %get3A_515 = tpu.vector_load %arg9[%get3A_514] {strides = array<i32>} : memref<1024xi32, #tpu.memory_space<vmem>>, vector<16xi32>,
    %get3A_516 = vector.shape_cast %get3A_515 : vector<16xi32> to vector<16xi32>
    %get3A_517 = arith.constant 352 : index
    %get3A_518 = tpu.vector_load %arg10[%get3A_517] {strides = array<i32>} : memref<1024xi32, #tpu.memory_space<vmem>>, vector<16xi32>,
    %get3A_519 = vector.shape_cast %get3A_518 : vector<16xi32> to vector<16xi32>
    %mul3A_520 = arith.constant 262144 : i32
    %mul3A_521 = vector.broadcast %mul3A_520 : i32 to vector<16xi32>
    %mul3A_522 = arith.muli %get3A_519, %mul3A_521 : vector<16xi32>
    %mul3A_523 = arith.constant 512 : i32
    %mul3A_524 = vector.broadcast %mul3A_523 : i32 to vector<16xi32>
    %mul3A_525 = arith.muli %get3A_513, %mul3A_524 : vector<16xi32>
    %add3A_526 = arith.addi %mul3A_522, %mul3A_525 : vector<16xi32>
    %add3A_527 = arith.addi %add3A_526, %get3A_516 : vector<16xi32>
    %swap3A_528 = arith.constant 2 : i32
    %swap3A_529 = arith.index_cast %swap3A_528 : i32 to index
    %swap3A_530 = arith.constant 96 : index
    %swap3A_531 = tpu.vector_load %arg11[%swap3A_529, %swap3A_530] {strides = array<i32>} : memref<8x128xi32, #tpu.memory_space<vmem>>, vector<1x16xi32>,
    %swap3A_532 = vector.shape_cast %swap3A_531 : vector<1x16xi32> to vector<16xi32>
    %swap3A_533 = vector.shape_cast %add3A_527 : vector<16xi32> to vector<1x16xi32>
    tpu.vector_store %arg11[%swap3A_529, %swap3A_530], %swap3A_533 {strides = array<i32>} : memref<8x128xi32, #tpu.memory_space<vmem>>, vector<1x16xi32>,
    %get3A_534 = arith.constant 368 : index
    %get3A_535 = tpu.vector_load %arg8[%get3A_534] {strides = array<i32>} : memref<1024xi32, #tpu.memory_space<vmem>>, vector<16xi32>,
    %get3A_536 = vector.shape_cast %get3A_535 : vector<16xi32> to vector<16xi32>
    %get3A_537 = arith.constant 368 : index
    %get3A_538 = tpu.vector_load %arg9[%get3A_537] {strides = array<i32>} : memref<1024xi32, #tpu.memory_space<vmem>>, vector<16xi32>,
    %get3A_539 = vector.shape_cast %get3A_538 : vector<16xi32> to vector<16xi32>
    %get3A_540 = arith.constant 368 : index
    %get3A_541 = tpu.vector_load %arg10[%get3A_540] {strides = array<i32>} : memref<1024xi32, #tpu.memory_space<vmem>>, vector<16xi32>,
    %get3A_542 = vector.shape_cast %get3A_541 : vector<16xi32> to vector<16xi32>
    %mul3A_543 = arith.constant 262144 : i32
    %mul3A_544 = vector.broadcast %mul3A_543 : i32 to vector<16xi32>
    %mul3A_545 = arith.muli %get3A_542, %mul3A_544 : vector<16xi32>
    %mul3A_546 = arith.constant 512 : i32
    %mul3A_547 = vector.broadcast %mul3A_546 : i32 to vector<16xi32>
    %mul3A_548 = arith.muli %get3A_536, %mul3A_547 : vector<16xi32>
    %add3A_549 = arith.addi %mul3A_545, %mul3A_548 : vector<16xi32>
    %add3A_550 = arith.addi %add3A_549, %get3A_539 : vector<16xi32>
    %swap3A_551 = arith.constant 2 : i32
    %swap3A_552 = arith.index_cast %swap3A_551 : i32 to index
    %swap3A_553 = arith.constant 112 : index
    %swap3A_554 = tpu.vector_load %arg11[%swap3A_552, %swap3A_553] {strides = array<i32>} : memref<8x128xi32, #tpu.memory_space<vmem>>, vector<1x16xi32>,
    %swap3A_555 = vector.shape_cast %swap3A_554 : vector<1x16xi32> to vector<16xi32>
    %swap3A_556 = vector.shape_cast %add3A_550 : vector<16xi32> to vector<1x16xi32>
    tpu.vector_store %arg11[%swap3A_552, %swap3A_553], %swap3A_556 {strides = array<i32>} : memref<8x128xi32, #tpu.memory_space<vmem>>, vector<1x16xi32>,
    %get3A_557 = arith.constant 384 : index
    %get3A_558 = tpu.vector_load %arg8[%get3A_557] {strides = array<i32>} : memref<1024xi32, #tpu.memory_space<vmem>>, vector<16xi32>,
    %get3A_559 = vector.shape_cast %get3A_558 : vector<16xi32> to vector<16xi32>
    %get3A_560 = arith.constant 384 : index
    %get3A_561 = tpu.vector_load %arg9[%get3A_560] {strides = array<i32>} : memref<1024xi32, #tpu.memory_space<vmem>>, vector<16xi32>,
    %get3A_562 = vector.shape_cast %get3A_561 : vector<16xi32> to vector<16xi32>
    %get3A_563 = arith.constant 384 : index
    %get3A_564 = tpu.vector_load %arg10[%get3A_563] {strides = array<i32>} : memref<1024xi32, #tpu.memory_space<vmem>>, vector<16xi32>,
    %get3A_565 = vector.shape_cast %get3A_564 : vector<16xi32> to vector<16xi32>
    %mul3A_566 = arith.constant 262144 : i32
    %mul3A_567 = vector.broadcast %mul3A_566 : i32 to vector<16xi32>
    %mul3A_568 = arith.muli %get3A_565, %mul3A_567 : vector<16xi32>
    %mul3A_569 = arith.constant 512 : i32
    %mul3A_570 = vector.broadcast %mul3A_569 : i32 to vector<16xi32>
    %mul3A_571 = arith.muli %get3A_559, %mul3A_570 : vector<16xi32>
    %add3A_572 = arith.addi %mul3A_568, %mul3A_571 : vector<16xi32>
    %add3A_573 = arith.addi %add3A_572, %get3A_562 : vector<16xi32>
    %swap3A_574 = arith.constant 3 : i32
    %swap3A_575 = arith.index_cast %swap3A_574 : i32 to index
    %swap3A_576 = arith.constant 0 : index
    %swap3A_577 = tpu.vector_load %arg11[%swap3A_575, %swap3A_576] {strides = array<i32>} : memref<8x128xi32, #tpu.memory_space<vmem>>, vector<1x16xi32>,
    %swap3A_578 = vector.shape_cast %swap3A_577 : vector<1x16xi32> to vector<16xi32>
    %swap3A_579 = vector.shape_cast %add3A_573 : vector<16xi32> to vector<1x16xi32>
    tpu.vector_store %arg11[%swap3A_575, %swap3A_576], %swap3A_579 {strides = array<i32>} : memref<8x128xi32, #tpu.memory_space<vmem>>, vector<1x16xi32>,
    %get3A_580 = arith.constant 400 : index
    %get3A_581 = tpu.vector_load %arg8[%get3A_580] {strides = array<i32>} : memref<1024xi32, #tpu.memory_space<vmem>>, vector<16xi32>,
    %get3A_582 = vector.shape_cast %get3A_581 : vector<16xi32> to vector<16xi32>
    %get3A_583 = arith.constant 400 : index
    %get3A_584 = tpu.vector_load %arg9[%get3A_583] {strides = array<i32>} : memref<1024xi32, #tpu.memory_space<vmem>>, vector<16xi32>,
    %get3A_585 = vector.shape_cast %get3A_584 : vector<16xi32> to vector<16xi32>
    %get3A_586 = arith.constant 400 : index
    %get3A_587 = tpu.vector_load %arg10[%get3A_586] {strides = array<i32>} : memref<1024xi32, #tpu.memory_space<vmem>>, vector<16xi32>,
    %get3A_588 = vector.shape_cast %get3A_587 : vector<16xi32> to vector<16xi32>
    %mul3A_589 = arith.constant 262144 : i32
    %mul3A_590 = vector.broadcast %mul3A_589 : i32 to vector<16xi32>
    %mul3A_591 = arith.muli %get3A_588, %mul3A_590 : vector<16xi32>
    %mul3A_592 = arith.constant 512 : i32
    %mul3A_593 = vector.broadcast %mul3A_592 : i32 to vector<16xi32>
    %mul3A_594 = arith.muli %get3A_582, %mul3A_593 : vector<16xi32>
    %add3A_595 = arith.addi %mul3A_591, %mul3A_594 : vector<16xi32>
    %add3A_596 = arith.addi %add3A_595, %get3A_585 : vector<16xi32>
    %swap3A_597 = arith.constant 3 : i32
    %swap3A_598 = arith.index_cast %swap3A_597 : i32 to index
    %swap3A_599 = arith.constant 16 : index
    %swap3A_600 = tpu.vector_load %arg11[%swap3A_598, %swap3A_599] {strides = array<i32>} : memref<8x128xi32, #tpu.memory_space<vmem>>, vector<1x16xi32>,
    %swap3A_601 = vector.shape_cast %swap3A_600 : vector<1x16xi32> to vector<16xi32>
    %swap3A_602 = vector.shape_cast %add3A_596 : vector<16xi32> to vector<1x16xi32>
    tpu.vector_store %arg11[%swap3A_598, %swap3A_599], %swap3A_602 {strides = array<i32>} : memref<8x128xi32, #tpu.memory_space<vmem>>, vector<1x16xi32>,
    %get3A_603 = arith.constant 416 : index
    %get3A_604 = tpu.vector_load %arg8[%get3A_603] {strides = array<i32>} : memref<1024xi32, #tpu.memory_space<vmem>>, vector<16xi32>,
    %get3A_605 = vector.shape_cast %get3A_604 : vector<16xi32> to vector<16xi32>
    %get3A_606 = arith.constant 416 : index
    %get3A_607 = tpu.vector_load %arg9[%get3A_606] {strides = array<i32>} : memref<1024xi32, #tpu.memory_space<vmem>>, vector<16xi32>,
    %get3A_608 = vector.shape_cast %get3A_607 : vector<16xi32> to vector<16xi32>
    %get3A_609 = arith.constant 416 : index
    %get3A_610 = tpu.vector_load %arg10[%get3A_609] {strides = array<i32>} : memref<1024xi32, #tpu.memory_space<vmem>>, vector<16xi32>,
    %get3A_611 = vector.shape_cast %get3A_610 : vector<16xi32> to vector<16xi32>
    %mul3A_612 = arith.constant 262144 : i32
    %mul3A_613 = vector.broadcast %mul3A_612 : i32 to vector<16xi32>
    %mul3A_614 = arith.muli %get3A_611, %mul3A_613 : vector<16xi32>
    %mul3A_615 = arith.constant 512 : i32
    %mul3A_616 = vector.broadcast %mul3A_615 : i32 to vector<16xi32>
    %mul3A_617 = arith.muli %get3A_605, %mul3A_616 : vector<16xi32>
    %add3A_618 = arith.addi %mul3A_614, %mul3A_617 : vector<16xi32>
    %add3A_619 = arith.addi %add3A_618, %get3A_608 : vector<16xi32>
    %swap3A_620 = arith.constant 3 : i32
    %swap3A_621 = arith.index_cast %swap3A_620 : i32 to index
    %swap3A_622 = arith.constant 32 : index
    %swap3A_623 = tpu.vector_load %arg11[%swap3A_621, %swap3A_622] {strides = array<i32>} : memref<8x128xi32, #tpu.memory_space<vmem>>, vector<1x16xi32>,
    %swap3A_624 = vector.shape_cast %swap3A_623 : vector<1x16xi32> to vector<16xi32>
    %swap3A_625 = vector.shape_cast %add3A_619 : vector<16xi32> to vector<1x16xi32>
    tpu.vector_store %arg11[%swap3A_621, %swap3A_622], %swap3A_625 {strides = array<i32>} : memref<8x128xi32, #tpu.memory_space<vmem>>, vector<1x16xi32>,
    %get3A_626 = arith.constant 432 : index
    %get3A_627 = tpu.vector_load %arg8[%get3A_626] {strides = array<i32>} : memref<1024xi32, #tpu.memory_space<vmem>>, vector<16xi32>,
    %get3A_628 = vector.shape_cast %get3A_627 : vector<16xi32> to vector<16xi32>
    %get3A_629 = arith.constant 432 : index
    %get3A_630 = tpu.vector_load %arg9[%get3A_629] {strides = array<i32>} : memref<1024xi32, #tpu.memory_space<vmem>>, vector<16xi32>,
    %get3A_631 = vector.shape_cast %get3A_630 : vector<16xi32> to vector<16xi32>
    %get3A_632 = arith.constant 432 : index
    %get3A_633 = tpu.vector_load %arg10[%get3A_632] {strides = array<i32>} : memref<1024xi32, #tpu.memory_space<vmem>>, vector<16xi32>,
    %get3A_634 = vector.shape_cast %get3A_633 : vector<16xi32> to vector<16xi32>
    %mul3A_635 = arith.constant 262144 : i32
    %mul3A_636 = vector.broadcast %mul3A_635 : i32 to vector<16xi32>
    %mul3A_637 = arith.muli %get3A_634, %mul3A_636 : vector<16xi32>
    %mul3A_638 = arith.constant 512 : i32
    %mul3A_639 = vector.broadcast %mul3A_638 : i32 to vector<16xi32>
    %mul3A_640 = arith.muli %get3A_628, %mul3A_639 : vector<16xi32>
    %add3A_641 = arith.addi %mul3A_637, %mul3A_640 : vector<16xi32>
    %add3A_642 = arith.addi %add3A_641, %get3A_631 : vector<16xi32>
    %swap3A_643 = arith.constant 3 : i32
    %swap3A_644 = arith.index_cast %swap3A_643 : i32 to index
    %swap3A_645 = arith.constant 48 : index
    %swap3A_646 = tpu.vector_load %arg11[%swap3A_644, %swap3A_645] {strides = array<i32>} : memref<8x128xi32, #tpu.memory_space<vmem>>, vector<1x16xi32>,
    %swap3A_647 = vector.shape_cast %swap3A_646 : vector<1x16xi32> to vector<16xi32>
    %swap3A_648 = vector.shape_cast %add3A_642 : vector<16xi32> to vector<1x16xi32>
    tpu.vector_store %arg11[%swap3A_644, %swap3A_645], %swap3A_648 {strides = array<i32>} : memref<8x128xi32, #tpu.memory_space<vmem>>, vector<1x16xi32>,
    %get3A_649 = arith.constant 448 : index
    %get3A_650 = tpu.vector_load %arg8[%get3A_649] {strides = array<i32>} : memref<1024xi32, #tpu.memory_space<vmem>>, vector<16xi32>,
    %get3A_651 = vector.shape_cast %get3A_650 : vector<16xi32> to vector<16xi32>
    %get3A_652 = arith.constant 448 : index
    %get3A_653 = tpu.vector_load %arg9[%get3A_652] {strides = array<i32>} : memref<1024xi32, #tpu.memory_space<vmem>>, vector<16xi32>,
    %get3A_654 = vector.shape_cast %get3A_653 : vector<16xi32> to vector<16xi32>
    %get3A_655 = arith.constant 448 : index
    %get3A_656 = tpu.vector_load %arg10[%get3A_655] {strides = array<i32>} : memref<1024xi32, #tpu.memory_space<vmem>>, vector<16xi32>,
    %get3A_657 = vector.shape_cast %get3A_656 : vector<16xi32> to vector<16xi32>
    %mul3A_658 = arith.constant 262144 : i32
    %mul3A_659 = vector.broadcast %mul3A_658 : i32 to vector<16xi32>
    %mul3A_660 = arith.muli %get3A_657, %mul3A_659 : vector<16xi32>
    %mul3A_661 = arith.constant 512 : i32
    %mul3A_662 = vector.broadcast %mul3A_661 : i32 to vector<16xi32>
    %mul3A_663 = arith.muli %get3A_651, %mul3A_662 : vector<16xi32>
    %add3A_664 = arith.addi %mul3A_660, %mul3A_663 : vector<16xi32>
    %add3A_665 = arith.addi %add3A_664, %get3A_654 : vector<16xi32>
    %swap3A_666 = arith.constant 3 : i32
    %swap3A_667 = arith.index_cast %swap3A_666 : i32 to index
    %swap3A_668 = arith.constant 64 : index
    %swap3A_669 = tpu.vector_load %arg11[%swap3A_667, %swap3A_668] {strides = array<i32>} : memref<8x128xi32, #tpu.memory_space<vmem>>, vector<1x16xi32>,
    %swap3A_670 = vector.shape_cast %swap3A_669 : vector<1x16xi32> to vector<16xi32>
    %swap3A_671 = vector.shape_cast %add3A_665 : vector<16xi32> to vector<1x16xi32>
    tpu.vector_store %arg11[%swap3A_667, %swap3A_668], %swap3A_671 {strides = array<i32>} : memref<8x128xi32, #tpu.memory_space<vmem>>, vector<1x16xi32>,
    %get3A_672 = arith.constant 464 : index
    %get3A_673 = tpu.vector_load %arg8[%get3A_672] {strides = array<i32>} : memref<1024xi32, #tpu.memory_space<vmem>>, vector<16xi32>,
    %get3A_674 = vector.shape_cast %get3A_673 : vector<16xi32> to vector<16xi32>
    %get3A_675 = arith.constant 464 : index
    %get3A_676 = tpu.vector_load %arg9[%get3A_675] {strides = array<i32>} : memref<1024xi32, #tpu.memory_space<vmem>>, vector<16xi32>,
    %get3A_677 = vector.shape_cast %get3A_676 : vector<16xi32> to vector<16xi32>
    %get3A_678 = arith.constant 464 : index
    %get3A_679 = tpu.vector_load %arg10[%get3A_678] {strides = array<i32>} : memref<1024xi32, #tpu.memory_space<vmem>>, vector<16xi32>,
    %get3A_680 = vector.shape_cast %get3A_679 : vector<16xi32> to vector<16xi32>
    %mul3A_681 = arith.constant 262144 : i32
    %mul3A_682 = vector.broadcast %mul3A_681 : i32 to vector<16xi32>
    %mul3A_683 = arith.muli %get3A_680, %mul3A_682 : vector<16xi32>
    %mul3A_684 = arith.constant 512 : i32
    %mul3A_685 = vector.broadcast %mul3A_684 : i32 to vector<16xi32>
    %mul3A_686 = arith.muli %get3A_674, %mul3A_685 : vector<16xi32>
    %add3A_687 = arith.addi %mul3A_683, %mul3A_686 : vector<16xi32>
    %add3A_688 = arith.addi %add3A_687, %get3A_677 : vector<16xi32>
    %swap3A_689 = arith.constant 3 : i32
    %swap3A_690 = arith.index_cast %swap3A_689 : i32 to index
    %swap3A_691 = arith.constant 80 : index
    %swap3A_692 = tpu.vector_load %arg11[%swap3A_690, %swap3A_691] {strides = array<i32>} : memref<8x128xi32, #tpu.memory_space<vmem>>, vector<1x16xi32>,
    %swap3A_693 = vector.shape_cast %swap3A_692 : vector<1x16xi32> to vector<16xi32>
    %swap3A_694 = vector.shape_cast %add3A_688 : vector<16xi32> to vector<1x16xi32>
    tpu.vector_store %arg11[%swap3A_690, %swap3A_691], %swap3A_694 {strides = array<i32>} : memref<8x128xi32, #tpu.memory_space<vmem>>, vector<1x16xi32>,
    %get3A_695 = arith.constant 480 : index
    %get3A_696 = tpu.vector_load %arg8[%get3A_695] {strides = array<i32>} : memref<1024xi32, #tpu.memory_space<vmem>>, vector<16xi32>,
    %get3A_697 = vector.shape_cast %get3A_696 : vector<16xi32> to vector<16xi32>
    %get3A_698 = arith.constant 480 : index
    %get3A_699 = tpu.vector_load %arg9[%get3A_698] {strides = array<i32>} : memref<1024xi32, #tpu.memory_space<vmem>>, vector<16xi32>,
    %get3A_700 = vector.shape_cast %get3A_699 : vector<16xi32> to vector<16xi32>
    %get3A_701 = arith.constant 480 : index
    %get3A_702 = tpu.vector_load %arg10[%get3A_701] {strides = array<i32>} : memref<1024xi32, #tpu.memory_space<vmem>>, vector<16xi32>,
    %get3A_703 = vector.shape_cast %get3A_702 : vector<16xi32> to vector<16xi32>
    %mul3A_704 = arith.constant 262144 : i32
    %mul3A_705 = vector.broadcast %mul3A_704 : i32 to vector<16xi32>
    %mul3A_706 = arith.muli %get3A_703, %mul3A_705 : vector<16xi32>
    %mul3A_707 = arith.constant 512 : i32
    %mul3A_708 = vector.broadcast %mul3A_707 : i32 to vector<16xi32>
    %mul3A_709 = arith.muli %get3A_697, %mul3A_708 : vector<16xi32>
    %add3A_710 = arith.addi %mul3A_706, %mul3A_709 : vector<16xi32>
    %add3A_711 = arith.addi %add3A_710, %get3A_700 : vector<16xi32>
    %swap3A_712 = arith.constant 3 : i32
    %swap3A_713 = arith.index_cast %swap3A_712 : i32 to index
    %swap3A_714 = arith.constant 96 : index
    %swap3A_715 = tpu.vector_load %arg11[%swap3A_713, %swap3A_714] {strides = array<i32>} : memref<8x128xi32, #tpu.memory_space<vmem>>, vector<1x16xi32>,
    %swap3A_716 = vector.shape_cast %swap3A_715 : vector<1x16xi32> to vector<16xi32>
    %swap3A_717 = vector.shape_cast %add3A_711 : vector<16xi32> to vector<1x16xi32>
    tpu.vector_store %arg11[%swap3A_713, %swap3A_714], %swap3A_717 {strides = array<i32>} : memref<8x128xi32, #tpu.memory_space<vmem>>, vector<1x16xi32>,
    %get3A_718 = arith.constant 496 : index
    %get3A_719 = tpu.vector_load %arg8[%get3A_718] {strides = array<i32>} : memref<1024xi32, #tpu.memory_space<vmem>>, vector<16xi32>,
    %get3A_720 = vector.shape_cast %get3A_719 : vector<16xi32> to vector<16xi32>
    %get3A_721 = arith.constant 496 : index
    %get3A_722 = tpu.vector_load %arg9[%get3A_721] {strides = array<i32>} : memref<1024xi32, #tpu.memory_space<vmem>>, vector<16xi32>,
    %get3A_723 = vector.shape_cast %get3A_722 : vector<16xi32> to vector<16xi32>
    %get3A_724 = arith.constant 496 : index
    %get3A_725 = tpu.vector_load %arg10[%get3A_724] {strides = array<i32>} : memref<1024xi32, #tpu.memory_space<vmem>>, vector<16xi32>,
    %get3A_726 = vector.shape_cast %get3A_725 : vector<16xi32> to vector<16xi32>
    %mul3A_727 = arith.constant 262144 : i32
    %mul3A_728 = vector.broadcast %mul3A_727 : i32 to vector<16xi32>
    %mul3A_729 = arith.muli %get3A_726, %mul3A_728 : vector<16xi32>
    %mul3A_730 = arith.constant 512 : i32
    %mul3A_731 = vector.broadcast %mul3A_730 : i32 to vector<16xi32>
    %mul3A_732 = arith.muli %get3A_720, %mul3A_731 : vector<16xi32>
    %add3A_733 = arith.addi %mul3A_729, %mul3A_732 : vector<16xi32>
    %add3A_734 = arith.addi %add3A_733, %get3A_723 : vector<16xi32>
    %swap3A_735 = arith.constant 3 : i32
    %swap3A_736 = arith.index_cast %swap3A_735 : i32 to index
    %swap3A_737 = arith.constant 112 : index
    %swap3A_738 = tpu.vector_load %arg11[%swap3A_736, %swap3A_737] {strides = array<i32>} : memref<8x128xi32, #tpu.memory_space<vmem>>, vector<1x16xi32>,
    %swap3A_739 = vector.shape_cast %swap3A_738 : vector<1x16xi32> to vector<16xi32>
    %swap3A_740 = vector.shape_cast %add3A_734 : vector<16xi32> to vector<1x16xi32>
    tpu.vector_store %arg11[%swap3A_736, %swap3A_737], %swap3A_740 {strides = array<i32>} : memref<8x128xi32, #tpu.memory_space<vmem>>, vector<1x16xi32>,
    %get3A_741 = arith.constant 512 : index
    %get3A_742 = tpu.vector_load %arg8[%get3A_741] {strides = array<i32>} : memref<1024xi32, #tpu.memory_space<vmem>>, vector<16xi32>,
    %get3A_743 = vector.shape_cast %get3A_742 : vector<16xi32> to vector<16xi32>
    %get3A_744 = arith.constant 512 : index
    %get3A_745 = tpu.vector_load %arg9[%get3A_744] {strides = array<i32>} : memref<1024xi32, #tpu.memory_space<vmem>>, vector<16xi32>,
    %get3A_746 = vector.shape_cast %get3A_745 : vector<16xi32> to vector<16xi32>
    %get3A_747 = arith.constant 512 : index
    %get3A_748 = tpu.vector_load %arg10[%get3A_747] {strides = array<i32>} : memref<1024xi32, #tpu.memory_space<vmem>>, vector<16xi32>,
    %get3A_749 = vector.shape_cast %get3A_748 : vector<16xi32> to vector<16xi32>
    %mul3A_750 = arith.constant 262144 : i32
    %mul3A_751 = vector.broadcast %mul3A_750 : i32 to vector<16xi32>
    %mul3A_752 = arith.muli %get3A_749, %mul3A_751 : vector<16xi32>
    %mul3A_753 = arith.constant 512 : i32
    %mul3A_754 = vector.broadcast %mul3A_753 : i32 to vector<16xi32>
    %mul3A_755 = arith.muli %get3A_743, %mul3A_754 : vector<16xi32>
    %add3A_756 = arith.addi %mul3A_752, %mul3A_755 : vector<16xi32>
    %add3A_757 = arith.addi %add3A_756, %get3A_746 : vector<16xi32>
    %swap3A_758 = arith.constant 4 : i32
    %swap3A_759 = arith.index_cast %swap3A_758 : i32 to index
    %swap3A_760 = arith.constant 0 : index
    %swap3A_761 = tpu.vector_load %arg11[%swap3A_759, %swap3A_760] {strides = array<i32>} : memref<8x128xi32, #tpu.memory_space<vmem>>, vector<1x16xi32>,
    %swap3A_762 = vector.shape_cast %swap3A_761 : vector<1x16xi32> to vector<16xi32>
    %swap3A_763 = vector.shape_cast %add3A_757 : vector<16xi32> to vector<1x16xi32>
    tpu.vector_store %arg11[%swap3A_759, %swap3A_760], %swap3A_763 {strides = array<i32>} : memref<8x128xi32, #tpu.memory_space<vmem>>, vector<1x16xi32>,
    %get3A_764 = arith.constant 528 : index
    %get3A_765 = tpu.vector_load %arg8[%get3A_764] {strides = array<i32>} : memref<1024xi32, #tpu.memory_space<vmem>>, vector<16xi32>,
    %get3A_766 = vector.shape_cast %get3A_765 : vector<16xi32> to vector<16xi32>
    %get3A_767 = arith.constant 528 : index
    %get3A_768 = tpu.vector_load %arg9[%get3A_767] {strides = array<i32>} : memref<1024xi32, #tpu.memory_space<vmem>>, vector<16xi32>,
    %get3A_769 = vector.shape_cast %get3A_768 : vector<16xi32> to vector<16xi32>
    %get3A_770 = arith.constant 528 : index
    %get3A_771 = tpu.vector_load %arg10[%get3A_770] {strides = array<i32>} : memref<1024xi32, #tpu.memory_space<vmem>>, vector<16xi32>,
    %get3A_772 = vector.shape_cast %get3A_771 : vector<16xi32> to vector<16xi32>
    %mul3A_773 = arith.constant 262144 : i32
    %mul3A_774 = vector.broadcast %mul3A_773 : i32 to vector<16xi32>
    %mul3A_775 = arith.muli %get3A_772, %mul3A_774 : vector<16xi32>
    %mul3A_776 = arith.constant 512 : i32
    %mul3A_777 = vector.broadcast %mul3A_776 : i32 to vector<16xi32>
    %mul3A_778 = arith.muli %get3A_766, %mul3A_777 : vector<16xi32>
    %add3A_779 = arith.addi %mul3A_775, %mul3A_778 : vector<16xi32>
    %add3A_780 = arith.addi %add3A_779, %get3A_769 : vector<16xi32>
    %swap3A_781 = arith.constant 4 : i32
    %swap3A_782 = arith.index_cast %swap3A_781 : i32 to index
    %swap3A_783 = arith.constant 16 : index
    %swap3A_784 = tpu.vector_load %arg11[%swap3A_782, %swap3A_783] {strides = array<i32>} : memref<8x128xi32, #tpu.memory_space<vmem>>, vector<1x16xi32>,
    %swap3A_785 = vector.shape_cast %swap3A_784 : vector<1x16xi32> to vector<16xi32>
    %swap3A_786 = vector.shape_cast %add3A_780 : vector<16xi32> to vector<1x16xi32>
    tpu.vector_store %arg11[%swap3A_782, %swap3A_783], %swap3A_786 {strides = array<i32>} : memref<8x128xi32, #tpu.memory_space<vmem>>, vector<1x16xi32>,
    %get3A_787 = arith.constant 544 : index
    %get3A_788 = tpu.vector_load %arg8[%get3A_787] {strides = array<i32>} : memref<1024xi32, #tpu.memory_space<vmem>>, vector<16xi32>,
    %get3A_789 = vector.shape_cast %get3A_788 : vector<16xi32> to vector<16xi32>
    %get3A_790 = arith.constant 544 : index
    %get3A_791 = tpu.vector_load %arg9[%get3A_790] {strides = array<i32>} : memref<1024xi32, #tpu.memory_space<vmem>>, vector<16xi32>,
    %get3A_792 = vector.shape_cast %get3A_791 : vector<16xi32> to vector<16xi32>
    %get3A_793 = arith.constant 544 : index
    %get3A_794 = tpu.vector_load %arg10[%get3A_793] {strides = array<i32>} : memref<1024xi32, #tpu.memory_space<vmem>>, vector<16xi32>,
    %get3A_795 = vector.shape_cast %get3A_794 : vector<16xi32> to vector<16xi32>
    %mul3A_796 = arith.constant 262144 : i32
    %mul3A_797 = vector.broadcast %mul3A_796 : i32 to vector<16xi32>
    %mul3A_798 = arith.muli %get3A_795, %mul3A_797 : vector<16xi32>
    %mul3A_799 = arith.constant 512 : i32
    %mul3A_800 = vector.broadcast %mul3A_799 : i32 to vector<16xi32>
    %mul3A_801 = arith.muli %get3A_789, %mul3A_800 : vector<16xi32>
    %add3A_802 = arith.addi %mul3A_798, %mul3A_801 : vector<16xi32>
    %add3A_803 = arith.addi %add3A_802, %get3A_792 : vector<16xi32>
    %swap3A_804 = arith.constant 4 : i32
    %swap3A_805 = arith.index_cast %swap3A_804 : i32 to index
    %swap3A_806 = arith.constant 32 : index
    %swap3A_807 = tpu.vector_load %arg11[%swap3A_805, %swap3A_806] {strides = array<i32>} : memref<8x128xi32, #tpu.memory_space<vmem>>, vector<1x16xi32>,
    %swap3A_808 = vector.shape_cast %swap3A_807 : vector<1x16xi32> to vector<16xi32>
    %swap3A_809 = vector.shape_cast %add3A_803 : vector<16xi32> to vector<1x16xi32>
    tpu.vector_store %arg11[%swap3A_805, %swap3A_806], %swap3A_809 {strides = array<i32>} : memref<8x128xi32, #tpu.memory_space<vmem>>, vector<1x16xi32>,
    %get3A_810 = arith.constant 560 : index
    %get3A_811 = tpu.vector_load %arg8[%get3A_810] {strides = array<i32>} : memref<1024xi32, #tpu.memory_space<vmem>>, vector<16xi32>,
    %get3A_812 = vector.shape_cast %get3A_811 : vector<16xi32> to vector<16xi32>
    %get3A_813 = arith.constant 560 : index
    %get3A_814 = tpu.vector_load %arg9[%get3A_813] {strides = array<i32>} : memref<1024xi32, #tpu.memory_space<vmem>>, vector<16xi32>,
    %get3A_815 = vector.shape_cast %get3A_814 : vector<16xi32> to vector<16xi32>
    %get3A_816 = arith.constant 560 : index
    %get3A_817 = tpu.vector_load %arg10[%get3A_816] {strides = array<i32>} : memref<1024xi32, #tpu.memory_space<vmem>>, vector<16xi32>,
    %get3A_818 = vector.shape_cast %get3A_817 : vector<16xi32> to vector<16xi32>
    %mul3A_819 = arith.constant 262144 : i32
    %mul3A_820 = vector.broadcast %mul3A_819 : i32 to vector<16xi32>
    %mul3A_821 = arith.muli %get3A_818, %mul3A_820 : vector<16xi32>
    %mul3A_822 = arith.constant 512 : i32
    %mul3A_823 = vector.broadcast %mul3A_822 : i32 to vector<16xi32>
    %mul3A_824 = arith.muli %get3A_812, %mul3A_823 : vector<16xi32>
    %add3A_825 = arith.addi %mul3A_821, %mul3A_824 : vector<16xi32>
    %add3A_826 = arith.addi %add3A_825, %get3A_815 : vector<16xi32>
    %swap3A_827 = arith.constant 4 : i32
    %swap3A_828 = arith.index_cast %swap3A_827 : i32 to index
    %swap3A_829 = arith.constant 48 : index
    %swap3A_830 = tpu.vector_load %arg11[%swap3A_828, %swap3A_829] {strides = array<i32>} : memref<8x128xi32, #tpu.memory_space<vmem>>, vector<1x16xi32>,
    %swap3A_831 = vector.shape_cast %swap3A_830 : vector<1x16xi32> to vector<16xi32>
    %swap3A_832 = vector.shape_cast %add3A_826 : vector<16xi32> to vector<1x16xi32>
    tpu.vector_store %arg11[%swap3A_828, %swap3A_829], %swap3A_832 {strides = array<i32>} : memref<8x128xi32, #tpu.memory_space<vmem>>, vector<1x16xi32>,
    %get3A_833 = arith.constant 576 : index
    %get3A_834 = tpu.vector_load %arg8[%get3A_833] {strides = array<i32>} : memref<1024xi32, #tpu.memory_space<vmem>>, vector<16xi32>,
    %get3A_835 = vector.shape_cast %get3A_834 : vector<16xi32> to vector<16xi32>
    %get3A_836 = arith.constant 576 : index
    %get3A_837 = tpu.vector_load %arg9[%get3A_836] {strides = array<i32>} : memref<1024xi32, #tpu.memory_space<vmem>>, vector<16xi32>,
    %get3A_838 = vector.shape_cast %get3A_837 : vector<16xi32> to vector<16xi32>
    %get3A_839 = arith.constant 576 : index
    %get3A_840 = tpu.vector_load %arg10[%get3A_839] {strides = array<i32>} : memref<1024xi32, #tpu.memory_space<vmem>>, vector<16xi32>,
    %get3A_841 = vector.shape_cast %get3A_840 : vector<16xi32> to vector<16xi32>
    %mul3A_842 = arith.constant 262144 : i32
    %mul3A_843 = vector.broadcast %mul3A_842 : i32 to vector<16xi32>
    %mul3A_844 = arith.muli %get3A_841, %mul3A_843 : vector<16xi32>
    %mul3A_845 = arith.constant 512 : i32
    %mul3A_846 = vector.broadcast %mul3A_845 : i32 to vector<16xi32>
    %mul3A_847 = arith.muli %get3A_835, %mul3A_846 : vector<16xi32>
    %add3A_848 = arith.addi %mul3A_844, %mul3A_847 : vector<16xi32>
    %add3A_849 = arith.addi %add3A_848, %get3A_838 : vector<16xi32>
    %swap3A_850 = arith.constant 4 : i32
    %swap3A_851 = arith.index_cast %swap3A_850 : i32 to index
    %swap3A_852 = arith.constant 64 : index
    %swap3A_853 = tpu.vector_load %arg11[%swap3A_851, %swap3A_852] {strides = array<i32>} : memref<8x128xi32, #tpu.memory_space<vmem>>, vector<1x16xi32>,
    %swap3A_854 = vector.shape_cast %swap3A_853 : vector<1x16xi32> to vector<16xi32>
    %swap3A_855 = vector.shape_cast %add3A_849 : vector<16xi32> to vector<1x16xi32>
    tpu.vector_store %arg11[%swap3A_851, %swap3A_852], %swap3A_855 {strides = array<i32>} : memref<8x128xi32, #tpu.memory_space<vmem>>, vector<1x16xi32>,
    %get3A_856 = arith.constant 592 : index
    %get3A_857 = tpu.vector_load %arg8[%get3A_856] {strides = array<i32>} : memref<1024xi32, #tpu.memory_space<vmem>>, vector<16xi32>,
    %get3A_858 = vector.shape_cast %get3A_857 : vector<16xi32> to vector<16xi32>
    %get3A_859 = arith.constant 592 : index
    %get3A_860 = tpu.vector_load %arg9[%get3A_859] {strides = array<i32>} : memref<1024xi32, #tpu.memory_space<vmem>>, vector<16xi32>,
    %get3A_861 = vector.shape_cast %get3A_860 : vector<16xi32> to vector<16xi32>
    %get3A_862 = arith.constant 592 : index
    %get3A_863 = tpu.vector_load %arg10[%get3A_862] {strides = array<i32>} : memref<1024xi32, #tpu.memory_space<vmem>>, vector<16xi32>,
    %get3A_864 = vector.shape_cast %get3A_863 : vector<16xi32> to vector<16xi32>
    %mul3A_865 = arith.constant 262144 : i32
    %mul3A_866 = vector.broadcast %mul3A_865 : i32 to vector<16xi32>
    %mul3A_867 = arith.muli %get3A_864, %mul3A_866 : vector<16xi32>
    %mul3A_868 = arith.constant 512 : i32
    %mul3A_869 = vector.broadcast %mul3A_868 : i32 to vector<16xi32>
    %mul3A_870 = arith.muli %get3A_858, %mul3A_869 : vector<16xi32>
    %add3A_871 = arith.addi %mul3A_867, %mul3A_870 : vector<16xi32>
    %add3A_872 = arith.addi %add3A_871, %get3A_861 : vector<16xi32>
    %swap3A_873 = arith.constant 4 : i32
    %swap3A_874 = arith.index_cast %swap3A_873 : i32 to index
    %swap3A_875 = arith.constant 80 : index
    %swap3A_876 = tpu.vector_load %arg11[%swap3A_874, %swap3A_875] {strides = array<i32>} : memref<8x128xi32, #tpu.memory_space<vmem>>, vector<1x16xi32>,
    %swap3A_877 = vector.shape_cast %swap3A_876 : vector<1x16xi32> to vector<16xi32>
    %swap3A_878 = vector.shape_cast %add3A_872 : vector<16xi32> to vector<1x16xi32>
    tpu.vector_store %arg11[%swap3A_874, %swap3A_875], %swap3A_878 {strides = array<i32>} : memref<8x128xi32, #tpu.memory_space<vmem>>, vector<1x16xi32>,
    %get3A_879 = arith.constant 608 : index
    %get3A_880 = tpu.vector_load %arg8[%get3A_879] {strides = array<i32>} : memref<1024xi32, #tpu.memory_space<vmem>>, vector<16xi32>,
    %get3A_881 = vector.shape_cast %get3A_880 : vector<16xi32> to vector<16xi32>
    %get3A_882 = arith.constant 608 : index
    %get3A_883 = tpu.vector_load %arg9[%get3A_882] {strides = array<i32>} : memref<1024xi32, #tpu.memory_space<vmem>>, vector<16xi32>,
    %get3A_884 = vector.shape_cast %get3A_883 : vector<16xi32> to vector<16xi32>
    %get3A_885 = arith.constant 608 : index
    %get3A_886 = tpu.vector_load %arg10[%get3A_885] {strides = array<i32>} : memref<1024xi32, #tpu.memory_space<vmem>>, vector<16xi32>,
    %get3A_887 = vector.shape_cast %get3A_886 : vector<16xi32> to vector<16xi32>
    %mul3A_888 = arith.constant 262144 : i32
    %mul3A_889 = vector.broadcast %mul3A_888 : i32 to vector<16xi32>
    %mul3A_890 = arith.muli %get3A_887, %mul3A_889 : vector<16xi32>
    %mul3A_891 = arith.constant 512 : i32
    %mul3A_892 = vector.broadcast %mul3A_891 : i32 to vector<16xi32>
    %mul3A_893 = arith.muli %get3A_881, %mul3A_892 : vector<16xi32>
    %add3A_894 = arith.addi %mul3A_890, %mul3A_893 : vector<16xi32>
    %add3A_895 = arith.addi %add3A_894, %get3A_884 : vector<16xi32>
    %swap3A_896 = arith.constant 4 : i32
    %swap3A_897 = arith.index_cast %swap3A_896 : i32 to index
    %swap3A_898 = arith.constant 96 : index
    %swap3A_899 = tpu.vector_load %arg11[%swap3A_897, %swap3A_898] {strides = array<i32>} : memref<8x128xi32, #tpu.memory_space<vmem>>, vector<1x16xi32>,
    %swap3A_900 = vector.shape_cast %swap3A_899 : vector<1x16xi32> to vector<16xi32>
    %swap3A_901 = vector.shape_cast %add3A_895 : vector<16xi32> to vector<1x16xi32>
    tpu.vector_store %arg11[%swap3A_897, %swap3A_898], %swap3A_901 {strides = array<i32>} : memref<8x128xi32, #tpu.memory_space<vmem>>, vector<1x16xi32>,
    %get3A_902 = arith.constant 624 : index
    %get3A_903 = tpu.vector_load %arg8[%get3A_902] {strides = array<i32>} : memref<1024xi32, #tpu.memory_space<vmem>>, vector<16xi32>,
    %get3A_904 = vector.shape_cast %get3A_903 : vector<16xi32> to vector<16xi32>
    %get3A_905 = arith.constant 624 : index
    %get3A_906 = tpu.vector_load %arg9[%get3A_905] {strides = array<i32>} : memref<1024xi32, #tpu.memory_space<vmem>>, vector<16xi32>,
    %get3A_907 = vector.shape_cast %get3A_906 : vector<16xi32> to vector<16xi32>
    %get3A_908 = arith.constant 624 : index
    %get3A_909 = tpu.vector_load %arg10[%get3A_908] {strides = array<i32>} : memref<1024xi32, #tpu.memory_space<vmem>>, vector<16xi32>,
    %get3A_910 = vector.shape_cast %get3A_909 : vector<16xi32> to vector<16xi32>
    %mul3A_911 = arith.constant 262144 : i32
    %mul3A_912 = vector.broadcast %mul3A_911 : i32 to vector<16xi32>
    %mul3A_913 = arith.muli %get3A_910, %mul3A_912 : vector<16xi32>
    %mul3A_914 = arith.constant 512 : i32
    %mul3A_915 = vector.broadcast %mul3A_914 : i32 to vector<16xi32>
    %mul3A_916 = arith.muli %get3A_904, %mul3A_915 : vector<16xi32>
    %add3A_917 = arith.addi %mul3A_913, %mul3A_916 : vector<16xi32>
    %add3A_918 = arith.addi %add3A_917, %get3A_907 : vector<16xi32>
    %swap3A_919 = arith.constant 4 : i32
    %swap3A_920 = arith.index_cast %swap3A_919 : i32 to index
    %swap3A_921 = arith.constant 112 : index
    %swap3A_922 = tpu.vector_load %arg11[%swap3A_920, %swap3A_921] {strides = array<i32>} : memref<8x128xi32, #tpu.memory_space<vmem>>, vector<1x16xi32>,
    %swap3A_923 = vector.shape_cast %swap3A_922 : vector<1x16xi32> to vector<16xi32>
    %swap3A_924 = vector.shape_cast %add3A_918 : vector<16xi32> to vector<1x16xi32>
    tpu.vector_store %arg11[%swap3A_920, %swap3A_921], %swap3A_924 {strides = array<i32>} : memref<8x128xi32, #tpu.memory_space<vmem>>, vector<1x16xi32>,
    %get3A_925 = arith.constant 640 : index
    %get3A_926 = tpu.vector_load %arg8[%get3A_925] {strides = array<i32>} : memref<1024xi32, #tpu.memory_space<vmem>>, vector<16xi32>,
    %get3A_927 = vector.shape_cast %get3A_926 : vector<16xi32> to vector<16xi32>
    %get3A_928 = arith.constant 640 : index
    %get3A_929 = tpu.vector_load %arg9[%get3A_928] {strides = array<i32>} : memref<1024xi32, #tpu.memory_space<vmem>>, vector<16xi32>,
    %get3A_930 = vector.shape_cast %get3A_929 : vector<16xi32> to vector<16xi32>
    %get3A_931 = arith.constant 640 : index
    %get3A_932 = tpu.vector_load %arg10[%get3A_931] {strides = array<i32>} : memref<1024xi32, #tpu.memory_space<vmem>>, vector<16xi32>,
    %get3A_933 = vector.shape_cast %get3A_932 : vector<16xi32> to vector<16xi32>
    %mul3A_934 = arith.constant 262144 : i32
    %mul3A_935 = vector.broadcast %mul3A_934 : i32 to vector<16xi32>
    %mul3A_936 = arith.muli %get3A_933, %mul3A_935 : vector<16xi32>
    %mul3A_937 = arith.constant 512 : i32
    %mul3A_938 = vector.broadcast %mul3A_937 : i32 to vector<16xi32>
    %mul3A_939 = arith.muli %get3A_927, %mul3A_938 : vector<16xi32>
    %add3A_940 = arith.addi %mul3A_936, %mul3A_939 : vector<16xi32>
    %add3A_941 = arith.addi %add3A_940, %get3A_930 : vector<16xi32>
    %swap3A_942 = arith.constant 5 : i32
    %swap3A_943 = arith.index_cast %swap3A_942 : i32 to index
    %swap3A_944 = arith.constant 0 : index
    %swap3A_945 = tpu.vector_load %arg11[%swap3A_943, %swap3A_944] {strides = array<i32>} : memref<8x128xi32, #tpu.memory_space<vmem>>, vector<1x16xi32>,
    %swap3A_946 = vector.shape_cast %swap3A_945 : vector<1x16xi32> to vector<16xi32>
    %swap3A_947 = vector.shape_cast %add3A_941 : vector<16xi32> to vector<1x16xi32>
    tpu.vector_store %arg11[%swap3A_943, %swap3A_944], %swap3A_947 {strides = array<i32>} : memref<8x128xi32, #tpu.memory_space<vmem>>, vector<1x16xi32>,
    %get3A_948 = arith.constant 656 : index
    %get3A_949 = tpu.vector_load %arg8[%get3A_948] {strides = array<i32>} : memref<1024xi32, #tpu.memory_space<vmem>>, vector<16xi32>,
    %get3A_950 = vector.shape_cast %get3A_949 : vector<16xi32> to vector<16xi32>
    %get3A_951 = arith.constant 656 : index
    %get3A_952 = tpu.vector_load %arg9[%get3A_951] {strides = array<i32>} : memref<1024xi32, #tpu.memory_space<vmem>>, vector<16xi32>,
    %get3A_953 = vector.shape_cast %get3A_952 : vector<16xi32> to vector<16xi32>
    %get3A_954 = arith.constant 656 : index
    %get3A_955 = tpu.vector_load %arg10[%get3A_954] {strides = array<i32>} : memref<1024xi32, #tpu.memory_space<vmem>>, vector<16xi32>,
    %get3A_956 = vector.shape_cast %get3A_955 : vector<16xi32> to vector<16xi32>
    %mul3A_957 = arith.constant 262144 : i32
    %mul3A_958 = vector.broadcast %mul3A_957 : i32 to vector<16xi32>
    %mul3A_959 = arith.muli %get3A_956, %mul3A_958 : vector<16xi32>
    %mul3A_960 = arith.constant 512 : i32
    %mul3A_961 = vector.broadcast %mul3A_960 : i32 to vector<16xi32>
    %mul3A_962 = arith.muli %get3A_950, %mul3A_961 : vector<16xi32>
    %add3A_963 = arith.addi %mul3A_959, %mul3A_962 : vector<16xi32>
    %add3A_964 = arith.addi %add3A_963, %get3A_953 : vector<16xi32>
    %swap3A_965 = arith.constant 5 : i32
    %swap3A_966 = arith.index_cast %swap3A_965 : i32 to index
    %swap3A_967 = arith.constant 16 : index
    %swap3A_968 = tpu.vector_load %arg11[%swap3A_966, %swap3A_967] {strides = array<i32>} : memref<8x128xi32, #tpu.memory_space<vmem>>, vector<1x16xi32>,
    %swap3A_969 = vector.shape_cast %swap3A_968 : vector<1x16xi32> to vector<16xi32>
    %swap3A_970 = vector.shape_cast %add3A_964 : vector<16xi32> to vector<1x16xi32>
    tpu.vector_store %arg11[%swap3A_966, %swap3A_967], %swap3A_970 {strides = array<i32>} : memref<8x128xi32, #tpu.memory_space<vmem>>, vector<1x16xi32>,
    %get3A_971 = arith.constant 672 : index
    %get3A_972 = tpu.vector_load %arg8[%get3A_971] {strides = array<i32>} : memref<1024xi32, #tpu.memory_space<vmem>>, vector<16xi32>,
    %get3A_973 = vector.shape_cast %get3A_972 : vector<16xi32> to vector<16xi32>
    %get3A_974 = arith.constant 672 : index
    %get3A_975 = tpu.vector_load %arg9[%get3A_974] {strides = array<i32>} : memref<1024xi32, #tpu.memory_space<vmem>>, vector<16xi32>,
    %get3A_976 = vector.shape_cast %get3A_975 : vector<16xi32> to vector<16xi32>
    %get3A_977 = arith.constant 672 : index
    %get3A_978 = tpu.vector_load %arg10[%get3A_977] {strides = array<i32>} : memref<1024xi32, #tpu.memory_space<vmem>>, vector<16xi32>,
    %get3A_979 = vector.shape_cast %get3A_978 : vector<16xi32> to vector<16xi32>
    %mul3A_980 = arith.constant 262144 : i32
    %mul3A_981 = vector.broadcast %mul3A_980 : i32 to vector<16xi32>
    %mul3A_982 = arith.muli %get3A_979, %mul3A_981 : vector<16xi32>
    %mul3A_983 = arith.constant 512 : i32
    %mul3A_984 = vector.broadcast %mul3A_983 : i32 to vector<16xi32>
    %mul3A_985 = arith.muli %get3A_973, %mul3A_984 : vector<16xi32>
    %add3A_986 = arith.addi %mul3A_982, %mul3A_985 : vector<16xi32>
    %add3A_987 = arith.addi %add3A_986, %get3A_976 : vector<16xi32>
    %swap3A_988 = arith.constant 5 : i32
    %swap3A_989 = arith.index_cast %swap3A_988 : i32 to index
    %swap3A_990 = arith.constant 32 : index
    %swap3A_991 = tpu.vector_load %arg11[%swap3A_989, %swap3A_990] {strides = array<i32>} : memref<8x128xi32, #tpu.memory_space<vmem>>, vector<1x16xi32>,
    %swap3A_992 = vector.shape_cast %swap3A_991 : vector<1x16xi32> to vector<16xi32>
    %swap3A_993 = vector.shape_cast %add3A_987 : vector<16xi32> to vector<1x16xi32>
    tpu.vector_store %arg11[%swap3A_989, %swap3A_990], %swap3A_993 {strides = array<i32>} : memref<8x128xi32, #tpu.memory_space<vmem>>, vector<1x16xi32>,
    %get3A_994 = arith.constant 688 : index
    %get3A_995 = tpu.vector_load %arg8[%get3A_994] {strides = array<i32>} : memref<1024xi32, #tpu.memory_space<vmem>>, vector<16xi32>,
    %get3A_996 = vector.shape_cast %get3A_995 : vector<16xi32> to vector<16xi32>
    %get3A_997 = arith.constant 688 : index
    %get3A_998 = tpu.vector_load %arg9[%get3A_997] {strides = array<i32>} : memref<1024xi32, #tpu.memory_space<vmem>>, vector<16xi32>,
    %get3A_999 = vector.shape_cast %get3A_998 : vector<16xi32> to vector<16xi32>
    %get3A_1000 = arith.constant 688 : index
    %get3A_1001 = tpu.vector_load %arg10[%get3A_1000] {strides = array<i32>} : memref<1024xi32, #tpu.memory_space<vmem>>, vector<16xi32>,
    %get3A_1002 = vector.shape_cast %get3A_1001 : vector<16xi32> to vector<16xi32>
    %mul3A_1003 = arith.constant 262144 : i32
    %mul3A_1004 = vector.broadcast %mul3A_1003 : i32 to vector<16xi32>
    %mul3A_1005 = arith.muli %get3A_1002, %mul3A_1004 : vector<16xi32>
    %mul3A_1006 = arith.constant 512 : i32
    %mul3A_1007 = vector.broadcast %mul3A_1006 : i32 to vector<16xi32>
    %mul3A_1008 = arith.muli %get3A_996, %mul3A_1007 : vector<16xi32>
    %add3A_1009 = arith.addi %mul3A_1005, %mul3A_1008 : vector<16xi32>
    %add3A_1010 = arith.addi %add3A_1009, %get3A_999 : vector<16xi32>
    %swap3A_1011 = arith.constant 5 : i32
    %swap3A_1012 = arith.index_cast %swap3A_1011 : i32 to index
    %swap3A_1013 = arith.constant 48 : index
    %swap3A_1014 = tpu.vector_load %arg11[%swap3A_1012, %swap3A_1013] {strides = array<i32>} : memref<8x128xi32, #tpu.memory_space<vmem>>, vector<1x16xi32>,
    %swap3A_1015 = vector.shape_cast %swap3A_1014 : vector<1x16xi32> to vector<16xi32>
    %swap3A_1016 = vector.shape_cast %add3A_1010 : vector<16xi32> to vector<1x16xi32>
    tpu.vector_store %arg11[%swap3A_1012, %swap3A_1013], %swap3A_1016 {strides = array<i32>} : memref<8x128xi32, #tpu.memory_space<vmem>>, vector<1x16xi32>,
    %get3A_1017 = arith.constant 704 : index
    %get3A_1018 = tpu.vector_load %arg8[%get3A_1017] {strides = array<i32>} : memref<1024xi32, #tpu.memory_space<vmem>>, vector<16xi32>,
    %get3A_1019 = vector.shape_cast %get3A_1018 : vector<16xi32> to vector<16xi32>
    %get3A_1020 = arith.constant 704 : index
    %get3A_1021 = tpu.vector_load %arg9[%get3A_1020] {strides = array<i32>} : memref<1024xi32, #tpu.memory_space<vmem>>, vector<16xi32>,
    %get3A_1022 = vector.shape_cast %get3A_1021 : vector<16xi32> to vector<16xi32>
    %get3A_1023 = arith.constant 704 : index
    %get3A_1024 = tpu.vector_load %arg10[%get3A_1023] {strides = array<i32>} : memref<1024xi32, #tpu.memory_space<vmem>>, vector<16xi32>,
    %get3A_1025 = vector.shape_cast %get3A_1024 : vector<16xi32> to vector<16xi32>
    %mul3A_1026 = arith.constant 262144 : i32
    %mul3A_1027 = vector.broadcast %mul3A_1026 : i32 to vector<16xi32>
    %mul3A_1028 = arith.muli %get3A_1025, %mul3A_1027 : vector<16xi32>
    %mul3A_1029 = arith.constant 512 : i32
    %mul3A_1030 = vector.broadcast %mul3A_1029 : i32 to vector<16xi32>
    %mul3A_1031 = arith.muli %get3A_1019, %mul3A_1030 : vector<16xi32>
    %add3A_1032 = arith.addi %mul3A_1028, %mul3A_1031 : vector<16xi32>
    %add3A_1033 = arith.addi %add3A_1032, %get3A_1022 : vector<16xi32>
    %swap3A_1034 = arith.constant 5 : i32
    %swap3A_1035 = arith.index_cast %swap3A_1034 : i32 to index
    %swap3A_1036 = arith.constant 64 : index
    %swap3A_1037 = tpu.vector_load %arg11[%swap3A_1035, %swap3A_1036] {strides = array<i32>} : memref<8x128xi32, #tpu.memory_space<vmem>>, vector<1x16xi32>,
    %swap3A_1038 = vector.shape_cast %swap3A_1037 : vector<1x16xi32> to vector<16xi32>
    %swap3A_1039 = vector.shape_cast %add3A_1033 : vector<16xi32> to vector<1x16xi32>
    tpu.vector_store %arg11[%swap3A_1035, %swap3A_1036], %swap3A_1039 {strides = array<i32>} : memref<8x128xi32, #tpu.memory_space<vmem>>, vector<1x16xi32>,
    %get3A_1040 = arith.constant 720 : index
    %get3A_1041 = tpu.vector_load %arg8[%get3A_1040] {strides = array<i32>} : memref<1024xi32, #tpu.memory_space<vmem>>, vector<16xi32>,
    %get3A_1042 = vector.shape_cast %get3A_1041 : vector<16xi32> to vector<16xi32>
    %get3A_1043 = arith.constant 720 : index
    %get3A_1044 = tpu.vector_load %arg9[%get3A_1043] {strides = array<i32>} : memref<1024xi32, #tpu.memory_space<vmem>>, vector<16xi32>,
    %get3A_1045 = vector.shape_cast %get3A_1044 : vector<16xi32> to vector<16xi32>
    %get3A_1046 = arith.constant 720 : index
    %get3A_1047 = tpu.vector_load %arg10[%get3A_1046] {strides = array<i32>} : memref<1024xi32, #tpu.memory_space<vmem>>, vector<16xi32>,
    %get3A_1048 = vector.shape_cast %get3A_1047 : vector<16xi32> to vector<16xi32>
    %mul3A_1049 = arith.constant 262144 : i32
    %mul3A_1050 = vector.broadcast %mul3A_1049 : i32 to vector<16xi32>
    %mul3A_1051 = arith.muli %get3A_1048, %mul3A_1050 : vector<16xi32>
    %mul3A_1052 = arith.constant 512 : i32
    %mul3A_1053 = vector.broadcast %mul3A_1052 : i32 to vector<16xi32>
    %mul3A_1054 = arith.muli %get3A_1042, %mul3A_1053 : vector<16xi32>
    %add3A_1055 = arith.addi %mul3A_1051, %mul3A_1054 : vector<16xi32>
    %add3A_1056 = arith.addi %add3A_1055, %get3A_1045 : vector<16xi32>
    %swap3A_1057 = arith.constant 5 : i32
    %swap3A_1058 = arith.index_cast %swap3A_1057 : i32 to index
    %swap3A_1059 = arith.constant 80 : index
    %swap3A_1060 = tpu.vector_load %arg11[%swap3A_1058, %swap3A_1059] {strides = array<i32>} : memref<8x128xi32, #tpu.memory_space<vmem>>, vector<1x16xi32>,
    %swap3A_1061 = vector.shape_cast %swap3A_1060 : vector<1x16xi32> to vector<16xi32>
    %swap3A_1062 = vector.shape_cast %add3A_1056 : vector<16xi32> to vector<1x16xi32>
    tpu.vector_store %arg11[%swap3A_1058, %swap3A_1059], %swap3A_1062 {strides = array<i32>} : memref<8x128xi32, #tpu.memory_space<vmem>>, vector<1x16xi32>,
    %get3A_1063 = arith.constant 736 : index
    %get3A_1064 = tpu.vector_load %arg8[%get3A_1063] {strides = array<i32>} : memref<1024xi32, #tpu.memory_space<vmem>>, vector<16xi32>,
    %get3A_1065 = vector.shape_cast %get3A_1064 : vector<16xi32> to vector<16xi32>
    %get3A_1066 = arith.constant 736 : index
    %get3A_1067 = tpu.vector_load %arg9[%get3A_1066] {strides = array<i32>} : memref<1024xi32, #tpu.memory_space<vmem>>, vector<16xi32>,
    %get3A_1068 = vector.shape_cast %get3A_1067 : vector<16xi32> to vector<16xi32>
    %get3A_1069 = arith.constant 736 : index
    %get3A_1070 = tpu.vector_load %arg10[%get3A_1069] {strides = array<i32>} : memref<1024xi32, #tpu.memory_space<vmem>>, vector<16xi32>,
    %get3A_1071 = vector.shape_cast %get3A_1070 : vector<16xi32> to vector<16xi32>
    %mul3A_1072 = arith.constant 262144 : i32
    %mul3A_1073 = vector.broadcast %mul3A_1072 : i32 to vector<16xi32>
    %mul3A_1074 = arith.muli %get3A_1071, %mul3A_1073 : vector<16xi32>
    %mul3A_1075 = arith.constant 512 : i32
    %mul3A_1076 = vector.broadcast %mul3A_1075 : i32 to vector<16xi32>
    %mul3A_1077 = arith.muli %get3A_1065, %mul3A_1076 : vector<16xi32>
    %add3A_1078 = arith.addi %mul3A_1074, %mul3A_1077 : vector<16xi32>
    %add3A_1079 = arith.addi %add3A_1078, %get3A_1068 : vector<16xi32>
    %swap3A_1080 = arith.constant 5 : i32
    %swap3A_1081 = arith.index_cast %swap3A_1080 : i32 to index
    %swap3A_1082 = arith.constant 96 : index
    %swap3A_1083 = tpu.vector_load %arg11[%swap3A_1081, %swap3A_1082] {strides = array<i32>} : memref<8x128xi32, #tpu.memory_space<vmem>>, vector<1x16xi32>,
    %swap3A_1084 = vector.shape_cast %swap3A_1083 : vector<1x16xi32> to vector<16xi32>
    %swap3A_1085 = vector.shape_cast %add3A_1079 : vector<16xi32> to vector<1x16xi32>
    tpu.vector_store %arg11[%swap3A_1081, %swap3A_1082], %swap3A_1085 {strides = array<i32>} : memref<8x128xi32, #tpu.memory_space<vmem>>, vector<1x16xi32>,
    %get3A_1086 = arith.constant 752 : index
    %get3A_1087 = tpu.vector_load %arg8[%get3A_1086] {strides = array<i32>} : memref<1024xi32, #tpu.memory_space<vmem>>, vector<16xi32>,
    %get3A_1088 = vector.shape_cast %get3A_1087 : vector<16xi32> to vector<16xi32>
    %get3A_1089 = arith.constant 752 : index
    %get3A_1090 = tpu.vector_load %arg9[%get3A_1089] {strides = array<i32>} : memref<1024xi32, #tpu.memory_space<vmem>>, vector<16xi32>,
    %get3A_1091 = vector.shape_cast %get3A_1090 : vector<16xi32> to vector<16xi32>
    %get3A_1092 = arith.constant 752 : index
    %get3A_1093 = tpu.vector_load %arg10[%get3A_1092] {strides = array<i32>} : memref<1024xi32, #tpu.memory_space<vmem>>, vector<16xi32>,
    %get3A_1094 = vector.shape_cast %get3A_1093 : vector<16xi32> to vector<16xi32>
    %mul3A_1095 = arith.constant 262144 : i32
    %mul3A_1096 = vector.broadcast %mul3A_1095 : i32 to vector<16xi32>
    %mul3A_1097 = arith.muli %get3A_1094, %mul3A_1096 : vector<16xi32>
    %mul3A_1098 = arith.constant 512 : i32
    %mul3A_1099 = vector.broadcast %mul3A_1098 : i32 to vector<16xi32>
    %mul3A_1100 = arith.muli %get3A_1088, %mul3A_1099 : vector<16xi32>
    %add3A_1101 = arith.addi %mul3A_1097, %mul3A_1100 : vector<16xi32>
    %add3A_1102 = arith.addi %add3A_1101, %get3A_1091 : vector<16xi32>
    %swap3A_1103 = arith.constant 5 : i32
    %swap3A_1104 = arith.index_cast %swap3A_1103 : i32 to index
    %swap3A_1105 = arith.constant 112 : index
    %swap3A_1106 = tpu.vector_load %arg11[%swap3A_1104, %swap3A_1105] {strides = array<i32>} : memref<8x128xi32, #tpu.memory_space<vmem>>, vector<1x16xi32>,
    %swap3A_1107 = vector.shape_cast %swap3A_1106 : vector<1x16xi32> to vector<16xi32>
    %swap3A_1108 = vector.shape_cast %add3A_1102 : vector<16xi32> to vector<1x16xi32>
    tpu.vector_store %arg11[%swap3A_1104, %swap3A_1105], %swap3A_1108 {strides = array<i32>} : memref<8x128xi32, #tpu.memory_space<vmem>>, vector<1x16xi32>,
    %get3A_1109 = arith.constant 768 : index
    %get3A_1110 = tpu.vector_load %arg8[%get3A_1109] {strides = array<i32>} : memref<1024xi32, #tpu.memory_space<vmem>>, vector<16xi32>,
    %get3A_1111 = vector.shape_cast %get3A_1110 : vector<16xi32> to vector<16xi32>
    %get3A_1112 = arith.constant 768 : index
    %get3A_1113 = tpu.vector_load %arg9[%get3A_1112] {strides = array<i32>} : memref<1024xi32, #tpu.memory_space<vmem>>, vector<16xi32>,
    %get3A_1114 = vector.shape_cast %get3A_1113 : vector<16xi32> to vector<16xi32>
    %get3A_1115 = arith.constant 768 : index
    %get3A_1116 = tpu.vector_load %arg10[%get3A_1115] {strides = array<i32>} : memref<1024xi32, #tpu.memory_space<vmem>>, vector<16xi32>,
    %get3A_1117 = vector.shape_cast %get3A_1116 : vector<16xi32> to vector<16xi32>
    %mul3A_1118 = arith.constant 262144 : i32
    %mul3A_1119 = vector.broadcast %mul3A_1118 : i32 to vector<16xi32>
    %mul3A_1120 = arith.muli %get3A_1117, %mul3A_1119 : vector<16xi32>
    %mul3A_1121 = arith.constant 512 : i32
    %mul3A_1122 = vector.broadcast %mul3A_1121 : i32 to vector<16xi32>
    %mul3A_1123 = arith.muli %get3A_1111, %mul3A_1122 : vector<16xi32>
    %add3A_1124 = arith.addi %mul3A_1120, %mul3A_1123 : vector<16xi32>
    %add3A_1125 = arith.addi %add3A_1124, %get3A_1114 : vector<16xi32>
    %swap3A_1126 = arith.constant 6 : i32
    %swap3A_1127 = arith.index_cast %swap3A_1126 : i32 to index
    %swap3A_1128 = arith.constant 0 : index
    %swap3A_1129 = tpu.vector_load %arg11[%swap3A_1127, %swap3A_1128] {strides = array<i32>} : memref<8x128xi32, #tpu.memory_space<vmem>>, vector<1x16xi32>,
    %swap3A_1130 = vector.shape_cast %swap3A_1129 : vector<1x16xi32> to vector<16xi32>
    %swap3A_1131 = vector.shape_cast %add3A_1125 : vector<16xi32> to vector<1x16xi32>
    tpu.vector_store %arg11[%swap3A_1127, %swap3A_1128], %swap3A_1131 {strides = array<i32>} : memref<8x128xi32, #tpu.memory_space<vmem>>, vector<1x16xi32>,
    %get3A_1132 = arith.constant 784 : index
    %get3A_1133 = tpu.vector_load %arg8[%get3A_1132] {strides = array<i32>} : memref<1024xi32, #tpu.memory_space<vmem>>, vector<16xi32>,
    %get3A_1134 = vector.shape_cast %get3A_1133 : vector<16xi32> to vector<16xi32>
    %get3A_1135 = arith.constant 784 : index
    %get3A_1136 = tpu.vector_load %arg9[%get3A_1135] {strides = array<i32>} : memref<1024xi32, #tpu.memory_space<vmem>>, vector<16xi32>,
    %get3A_1137 = vector.shape_cast %get3A_1136 : vector<16xi32> to vector<16xi32>
    %get3A_1138 = arith.constant 784 : index
    %get3A_1139 = tpu.vector_load %arg10[%get3A_1138] {strides = array<i32>} : memref<1024xi32, #tpu.memory_space<vmem>>, vector<16xi32>,
    %get3A_1140 = vector.shape_cast %get3A_1139 : vector<16xi32> to vector<16xi32>
    %mul3A_1141 = arith.constant 262144 : i32
    %mul3A_1142 = vector.broadcast %mul3A_1141 : i32 to vector<16xi32>
    %mul3A_1143 = arith.muli %get3A_1140, %mul3A_1142 : vector<16xi32>
    %mul3A_1144 = arith.constant 512 : i32
    %mul3A_1145 = vector.broadcast %mul3A_1144 : i32 to vector<16xi32>
    %mul3A_1146 = arith.muli %get3A_1134, %mul3A_1145 : vector<16xi32>
    %add3A_1147 = arith.addi %mul3A_1143, %mul3A_1146 : vector<16xi32>
    %add3A_1148 = arith.addi %add3A_1147, %get3A_1137 : vector<16xi32>
    %swap3A_1149 = arith.constant 6 : i32
    %swap3A_1150 = arith.index_cast %swap3A_1149 : i32 to index
    %swap3A_1151 = arith.constant 16 : index
    %swap3A_1152 = tpu.vector_load %arg11[%swap3A_1150, %swap3A_1151] {strides = array<i32>} : memref<8x128xi32, #tpu.memory_space<vmem>>, vector<1x16xi32>,
    %swap3A_1153 = vector.shape_cast %swap3A_1152 : vector<1x16xi32> to vector<16xi32>
    %swap3A_1154 = vector.shape_cast %add3A_1148 : vector<16xi32> to vector<1x16xi32>
    tpu.vector_store %arg11[%swap3A_1150, %swap3A_1151], %swap3A_1154 {strides = array<i32>} : memref<8x128xi32, #tpu.memory_space<vmem>>, vector<1x16xi32>,
    %get3A_1155 = arith.constant 800 : index
    %get3A_1156 = tpu.vector_load %arg8[%get3A_1155] {strides = array<i32>} : memref<1024xi32, #tpu.memory_space<vmem>>, vector<16xi32>,
    %get3A_1157 = vector.shape_cast %get3A_1156 : vector<16xi32> to vector<16xi32>
    %get3A_1158 = arith.constant 800 : index
    %get3A_1159 = tpu.vector_load %arg9[%get3A_1158] {strides = array<i32>} : memref<1024xi32, #tpu.memory_space<vmem>>, vector<16xi32>,
    %get3A_1160 = vector.shape_cast %get3A_1159 : vector<16xi32> to vector<16xi32>
    %get3A_1161 = arith.constant 800 : index
    %get3A_1162 = tpu.vector_load %arg10[%get3A_1161] {strides = array<i32>} : memref<1024xi32, #tpu.memory_space<vmem>>, vector<16xi32>,
    %get3A_1163 = vector.shape_cast %get3A_1162 : vector<16xi32> to vector<16xi32>
    %mul3A_1164 = arith.constant 262144 : i32
    %mul3A_1165 = vector.broadcast %mul3A_1164 : i32 to vector<16xi32>
    %mul3A_1166 = arith.muli %get3A_1163, %mul3A_1165 : vector<16xi32>
    %mul3A_1167 = arith.constant 512 : i32
    %mul3A_1168 = vector.broadcast %mul3A_1167 : i32 to vector<16xi32>
    %mul3A_1169 = arith.muli %get3A_1157, %mul3A_1168 : vector<16xi32>
    %add3A_1170 = arith.addi %mul3A_1166, %mul3A_1169 : vector<16xi32>
    %add3A_1171 = arith.addi %add3A_1170, %get3A_1160 : vector<16xi32>
    %swap3A_1172 = arith.constant 6 : i32
    %swap3A_1173 = arith.index_cast %swap3A_1172 : i32 to index
    %swap3A_1174 = arith.constant 32 : index
    %swap3A_1175 = tpu.vector_load %arg11[%swap3A_1173, %swap3A_1174] {strides = array<i32>} : memref<8x128xi32, #tpu.memory_space<vmem>>, vector<1x16xi32>,
    %swap3A_1176 = vector.shape_cast %swap3A_1175 : vector<1x16xi32> to vector<16xi32>
    %swap3A_1177 = vector.shape_cast %add3A_1171 : vector<16xi32> to vector<1x16xi32>
    tpu.vector_store %arg11[%swap3A_1173, %swap3A_1174], %swap3A_1177 {strides = array<i32>} : memref<8x128xi32, #tpu.memory_space<vmem>>, vector<1x16xi32>,
    %get3A_1178 = arith.constant 816 : index
    %get3A_1179 = tpu.vector_load %arg8[%get3A_1178] {strides = array<i32>} : memref<1024xi32, #tpu.memory_space<vmem>>, vector<16xi32>,
    %get3A_1180 = vector.shape_cast %get3A_1179 : vector<16xi32> to vector<16xi32>
    %get3A_1181 = arith.constant 816 : index
    %get3A_1182 = tpu.vector_load %arg9[%get3A_1181] {strides = array<i32>} : memref<1024xi32, #tpu.memory_space<vmem>>, vector<16xi32>,
    %get3A_1183 = vector.shape_cast %get3A_1182 : vector<16xi32> to vector<16xi32>
    %get3A_1184 = arith.constant 816 : index
    %get3A_1185 = tpu.vector_load %arg10[%get3A_1184] {strides = array<i32>} : memref<1024xi32, #tpu.memory_space<vmem>>, vector<16xi32>,
    %get3A_1186 = vector.shape_cast %get3A_1185 : vector<16xi32> to vector<16xi32>
    %mul3A_1187 = arith.constant 262144 : i32
    %mul3A_1188 = vector.broadcast %mul3A_1187 : i32 to vector<16xi32>
    %mul3A_1189 = arith.muli %get3A_1186, %mul3A_1188 : vector<16xi32>
    %mul3A_1190 = arith.constant 512 : i32
    %mul3A_1191 = vector.broadcast %mul3A_1190 : i32 to vector<16xi32>
    %mul3A_1192 = arith.muli %get3A_1180, %mul3A_1191 : vector<16xi32>
    %add3A_1193 = arith.addi %mul3A_1189, %mul3A_1192 : vector<16xi32>
    %add3A_1194 = arith.addi %add3A_1193, %get3A_1183 : vector<16xi32>
    %swap3A_1195 = arith.constant 6 : i32
    %swap3A_1196 = arith.index_cast %swap3A_1195 : i32 to index
    %swap3A_1197 = arith.constant 48 : index
    %swap3A_1198 = tpu.vector_load %arg11[%swap3A_1196, %swap3A_1197] {strides = array<i32>} : memref<8x128xi32, #tpu.memory_space<vmem>>, vector<1x16xi32>,
    %swap3A_1199 = vector.shape_cast %swap3A_1198 : vector<1x16xi32> to vector<16xi32>
    %swap3A_1200 = vector.shape_cast %add3A_1194 : vector<16xi32> to vector<1x16xi32>
    tpu.vector_store %arg11[%swap3A_1196, %swap3A_1197], %swap3A_1200 {strides = array<i32>} : memref<8x128xi32, #tpu.memory_space<vmem>>, vector<1x16xi32>,
    %get3A_1201 = arith.constant 832 : index
    %get3A_1202 = tpu.vector_load %arg8[%get3A_1201] {strides = array<i32>} : memref<1024xi32, #tpu.memory_space<vmem>>, vector<16xi32>,
    %get3A_1203 = vector.shape_cast %get3A_1202 : vector<16xi32> to vector<16xi32>
    %get3A_1204 = arith.constant 832 : index
    %get3A_1205 = tpu.vector_load %arg9[%get3A_1204] {strides = array<i32>} : memref<1024xi32, #tpu.memory_space<vmem>>, vector<16xi32>,
    %get3A_1206 = vector.shape_cast %get3A_1205 : vector<16xi32> to vector<16xi32>
    %get3A_1207 = arith.constant 832 : index
    %get3A_1208 = tpu.vector_load %arg10[%get3A_1207] {strides = array<i32>} : memref<1024xi32, #tpu.memory_space<vmem>>, vector<16xi32>,
    %get3A_1209 = vector.shape_cast %get3A_1208 : vector<16xi32> to vector<16xi32>
    %mul3A_1210 = arith.constant 262144 : i32
    %mul3A_1211 = vector.broadcast %mul3A_1210 : i32 to vector<16xi32>
    %mul3A_1212 = arith.muli %get3A_1209, %mul3A_1211 : vector<16xi32>
    %mul3A_1213 = arith.constant 512 : i32
    %mul3A_1214 = vector.broadcast %mul3A_1213 : i32 to vector<16xi32>
    %mul3A_1215 = arith.muli %get3A_1203, %mul3A_1214 : vector<16xi32>
    %add3A_1216 = arith.addi %mul3A_1212, %mul3A_1215 : vector<16xi32>
    %add3A_1217 = arith.addi %add3A_1216, %get3A_1206 : vector<16xi32>
    %swap3A_1218 = arith.constant 6 : i32
    %swap3A_1219 = arith.index_cast %swap3A_1218 : i32 to index
    %swap3A_1220 = arith.constant 64 : index
    %swap3A_1221 = tpu.vector_load %arg11[%swap3A_1219, %swap3A_1220] {strides = array<i32>} : memref<8x128xi32, #tpu.memory_space<vmem>>, vector<1x16xi32>,
    %swap3A_1222 = vector.shape_cast %swap3A_1221 : vector<1x16xi32> to vector<16xi32>
    %swap3A_1223 = vector.shape_cast %add3A_1217 : vector<16xi32> to vector<1x16xi32>
    tpu.vector_store %arg11[%swap3A_1219, %swap3A_1220], %swap3A_1223 {strides = array<i32>} : memref<8x128xi32, #tpu.memory_space<vmem>>, vector<1x16xi32>,
    %get3A_1224 = arith.constant 848 : index
    %get3A_1225 = tpu.vector_load %arg8[%get3A_1224] {strides = array<i32>} : memref<1024xi32, #tpu.memory_space<vmem>>, vector<16xi32>,
    %get3A_1226 = vector.shape_cast %get3A_1225 : vector<16xi32> to vector<16xi32>
    %get3A_1227 = arith.constant 848 : index
    %get3A_1228 = tpu.vector_load %arg9[%get3A_1227] {strides = array<i32>} : memref<1024xi32, #tpu.memory_space<vmem>>, vector<16xi32>,
    %get3A_1229 = vector.shape_cast %get3A_1228 : vector<16xi32> to vector<16xi32>
    %get3A_1230 = arith.constant 848 : index
    %get3A_1231 = tpu.vector_load %arg10[%get3A_1230] {strides = array<i32>} : memref<1024xi32, #tpu.memory_space<vmem>>, vector<16xi32>,
    %get3A_1232 = vector.shape_cast %get3A_1231 : vector<16xi32> to vector<16xi32>
    %mul3A_1233 = arith.constant 262144 : i32
    %mul3A_1234 = vector.broadcast %mul3A_1233 : i32 to vector<16xi32>
    %mul3A_1235 = arith.muli %get3A_1232, %mul3A_1234 : vector<16xi32>
    %mul3A_1236 = arith.constant 512 : i32
    %mul3A_1237 = vector.broadcast %mul3A_1236 : i32 to vector<16xi32>
    %mul3A_1238 = arith.muli %get3A_1226, %mul3A_1237 : vector<16xi32>
    %add3A_1239 = arith.addi %mul3A_1235, %mul3A_1238 : vector<16xi32>
    %add3A_1240 = arith.addi %add3A_1239, %get3A_1229 : vector<16xi32>
    %swap3A_1241 = arith.constant 6 : i32
    %swap3A_1242 = arith.index_cast %swap3A_1241 : i32 to index
    %swap3A_1243 = arith.constant 80 : index
    %swap3A_1244 = tpu.vector_load %arg11[%swap3A_1242, %swap3A_1243] {strides = array<i32>} : memref<8x128xi32, #tpu.memory_space<vmem>>, vector<1x16xi32>,
    %swap3A_1245 = vector.shape_cast %swap3A_1244 : vector<1x16xi32> to vector<16xi32>
    %swap3A_1246 = vector.shape_cast %add3A_1240 : vector<16xi32> to vector<1x16xi32>
    tpu.vector_store %arg11[%swap3A_1242, %swap3A_1243], %swap3A_1246 {strides = array<i32>} : memref<8x128xi32, #tpu.memory_space<vmem>>, vector<1x16xi32>,
    %get3A_1247 = arith.constant 864 : index
    %get3A_1248 = tpu.vector_load %arg8[%get3A_1247] {strides = array<i32>} : memref<1024xi32, #tpu.memory_space<vmem>>, vector<16xi32>,
    %get3A_1249 = vector.shape_cast %get3A_1248 : vector<16xi32> to vector<16xi32>
    %get3A_1250 = arith.constant 864 : index
    %get3A_1251 = tpu.vector_load %arg9[%get3A_1250] {strides = array<i32>} : memref<1024xi32, #tpu.memory_space<vmem>>, vector<16xi32>,
    %get3A_1252 = vector.shape_cast %get3A_1251 : vector<16xi32> to vector<16xi32>
    %get3A_1253 = arith.constant 864 : index
    %get3A_1254 = tpu.vector_load %arg10[%get3A_1253] {strides = array<i32>} : memref<1024xi32, #tpu.memory_space<vmem>>, vector<16xi32>,
    %get3A_1255 = vector.shape_cast %get3A_1254 : vector<16xi32> to vector<16xi32>
    %mul3A_1256 = arith.constant 262144 : i32
    %mul3A_1257 = vector.broadcast %mul3A_1256 : i32 to vector<16xi32>
    %mul3A_1258 = arith.muli %get3A_1255, %mul3A_1257 : vector<16xi32>
    %mul3A_1259 = arith.constant 512 : i32
    %mul3A_1260 = vector.broadcast %mul3A_1259 : i32 to vector<16xi32>
    %mul3A_1261 = arith.muli %get3A_1249, %mul3A_1260 : vector<16xi32>
    %add3A_1262 = arith.addi %mul3A_1258, %mul3A_1261 : vector<16xi32>
    %add3A_1263 = arith.addi %add3A_1262, %get3A_1252 : vector<16xi32>
    %swap3A_1264 = arith.constant 6 : i32
    %swap3A_1265 = arith.index_cast %swap3A_1264 : i32 to index
    %swap3A_1266 = arith.constant 96 : index
    %swap3A_1267 = tpu.vector_load %arg11[%swap3A_1265, %swap3A_1266] {strides = array<i32>} : memref<8x128xi32, #tpu.memory_space<vmem>>, vector<1x16xi32>,
    %swap3A_1268 = vector.shape_cast %swap3A_1267 : vector<1x16xi32> to vector<16xi32>
    %swap3A_1269 = vector.shape_cast %add3A_1263 : vector<16xi32> to vector<1x16xi32>
    tpu.vector_store %arg11[%swap3A_1265, %swap3A_1266], %swap3A_1269 {strides = array<i32>} : memref<8x128xi32, #tpu.memory_space<vmem>>, vector<1x16xi32>,
    %get3A_1270 = arith.constant 880 : index
    %get3A_1271 = tpu.vector_load %arg8[%get3A_1270] {strides = array<i32>} : memref<1024xi32, #tpu.memory_space<vmem>>, vector<16xi32>,
    %get3A_1272 = vector.shape_cast %get3A_1271 : vector<16xi32> to vector<16xi32>
    %get3A_1273 = arith.constant 880 : index
    %get3A_1274 = tpu.vector_load %arg9[%get3A_1273] {strides = array<i32>} : memref<1024xi32, #tpu.memory_space<vmem>>, vector<16xi32>,
    %get3A_1275 = vector.shape_cast %get3A_1274 : vector<16xi32> to vector<16xi32>
    %get3A_1276 = arith.constant 880 : index
    %get3A_1277 = tpu.vector_load %arg10[%get3A_1276] {strides = array<i32>} : memref<1024xi32, #tpu.memory_space<vmem>>, vector<16xi32>,
    %get3A_1278 = vector.shape_cast %get3A_1277 : vector<16xi32> to vector<16xi32>
    %mul3A_1279 = arith.constant 262144 : i32
    %mul3A_1280 = vector.broadcast %mul3A_1279 : i32 to vector<16xi32>
    %mul3A_1281 = arith.muli %get3A_1278, %mul3A_1280 : vector<16xi32>
    %mul3A_1282 = arith.constant 512 : i32
    %mul3A_1283 = vector.broadcast %mul3A_1282 : i32 to vector<16xi32>
    %mul3A_1284 = arith.muli %get3A_1272, %mul3A_1283 : vector<16xi32>
    %add3A_1285 = arith.addi %mul3A_1281, %mul3A_1284 : vector<16xi32>
    %add3A_1286 = arith.addi %add3A_1285, %get3A_1275 : vector<16xi32>
    %swap3A_1287 = arith.constant 6 : i32
    %swap3A_1288 = arith.index_cast %swap3A_1287 : i32 to index
    %swap3A_1289 = arith.constant 112 : index
    %swap3A_1290 = tpu.vector_load %arg11[%swap3A_1288, %swap3A_1289] {strides = array<i32>} : memref<8x128xi32, #tpu.memory_space<vmem>>, vector<1x16xi32>,
    %swap3A_1291 = vector.shape_cast %swap3A_1290 : vector<1x16xi32> to vector<16xi32>
    %swap3A_1292 = vector.shape_cast %add3A_1286 : vector<16xi32> to vector<1x16xi32>
    tpu.vector_store %arg11[%swap3A_1288, %swap3A_1289], %swap3A_1292 {strides = array<i32>} : memref<8x128xi32, #tpu.memory_space<vmem>>, vector<1x16xi32>,
    %get3A_1293 = arith.constant 896 : index
    %get3A_1294 = tpu.vector_load %arg8[%get3A_1293] {strides = array<i32>} : memref<1024xi32, #tpu.memory_space<vmem>>, vector<16xi32>,
    %get3A_1295 = vector.shape_cast %get3A_1294 : vector<16xi32> to vector<16xi32>
    %get3A_1296 = arith.constant 896 : index
    %get3A_1297 = tpu.vector_load %arg9[%get3A_1296] {strides = array<i32>} : memref<1024xi32, #tpu.memory_space<vmem>>, vector<16xi32>,
    %get3A_1298 = vector.shape_cast %get3A_1297 : vector<16xi32> to vector<16xi32>
    %get3A_1299 = arith.constant 896 : index
    %get3A_1300 = tpu.vector_load %arg10[%get3A_1299] {strides = array<i32>} : memref<1024xi32, #tpu.memory_space<vmem>>, vector<16xi32>,
    %get3A_1301 = vector.shape_cast %get3A_1300 : vector<16xi32> to vector<16xi32>
    %mul3A_1302 = arith.constant 262144 : i32
    %mul3A_1303 = vector.broadcast %mul3A_1302 : i32 to vector<16xi32>
    %mul3A_1304 = arith.muli %get3A_1301, %mul3A_1303 : vector<16xi32>
    %mul3A_1305 = arith.constant 512 : i32
    %mul3A_1306 = vector.broadcast %mul3A_1305 : i32 to vector<16xi32>
    %mul3A_1307 = arith.muli %get3A_1295, %mul3A_1306 : vector<16xi32>
    %add3A_1308 = arith.addi %mul3A_1304, %mul3A_1307 : vector<16xi32>
    %add3A_1309 = arith.addi %add3A_1308, %get3A_1298 : vector<16xi32>
    %swap3A_1310 = arith.constant 7 : i32
    %swap3A_1311 = arith.index_cast %swap3A_1310 : i32 to index
    %swap3A_1312 = arith.constant 0 : index
    %swap3A_1313 = tpu.vector_load %arg11[%swap3A_1311, %swap3A_1312] {strides = array<i32>} : memref<8x128xi32, #tpu.memory_space<vmem>>, vector<1x16xi32>,
    %swap3A_1314 = vector.shape_cast %swap3A_1313 : vector<1x16xi32> to vector<16xi32>
    %swap3A_1315 = vector.shape_cast %add3A_1309 : vector<16xi32> to vector<1x16xi32>
    tpu.vector_store %arg11[%swap3A_1311, %swap3A_1312], %swap3A_1315 {strides = array<i32>} : memref<8x128xi32, #tpu.memory_space<vmem>>, vector<1x16xi32>,
    %get3A_1316 = arith.constant 912 : index
    %get3A_1317 = tpu.vector_load %arg8[%get3A_1316] {strides = array<i32>} : memref<1024xi32, #tpu.memory_space<vmem>>, vector<16xi32>,
    %get3A_1318 = vector.shape_cast %get3A_1317 : vector<16xi32> to vector<16xi32>
    %get3A_1319 = arith.constant 912 : index
    %get3A_1320 = tpu.vector_load %arg9[%get3A_1319] {strides = array<i32>} : memref<1024xi32, #tpu.memory_space<vmem>>, vector<16xi32>,
    %get3A_1321 = vector.shape_cast %get3A_1320 : vector<16xi32> to vector<16xi32>
    %get3A_1322 = arith.constant 912 : index
    %get3A_1323 = tpu.vector_load %arg10[%get3A_1322] {strides = array<i32>} : memref<1024xi32, #tpu.memory_space<vmem>>, vector<16xi32>,
    %get3A_1324 = vector.shape_cast %get3A_1323 : vector<16xi32> to vector<16xi32>
    %mul3A_1325 = arith.constant 262144 : i32
    %mul3A_1326 = vector.broadcast %mul3A_1325 : i32 to vector<16xi32>
    %mul3A_1327 = arith.muli %get3A_1324, %mul3A_1326 : vector<16xi32>
    %mul3A_1328 = arith.constant 512 : i32
    %mul3A_1329 = vector.broadcast %mul3A_1328 : i32 to vector<16xi32>
    %mul3A_1330 = arith.muli %get3A_1318, %mul3A_1329 : vector<16xi32>
    %add3A_1331 = arith.addi %mul3A_1327, %mul3A_1330 : vector<16xi32>
    %add3A_1332 = arith.addi %add3A_1331, %get3A_1321 : vector<16xi32>
    %swap3A_1333 = arith.constant 7 : i32
    %swap3A_1334 = arith.index_cast %swap3A_1333 : i32 to index
    %swap3A_1335 = arith.constant 16 : index
    %swap3A_1336 = tpu.vector_load %arg11[%swap3A_1334, %swap3A_1335] {strides = array<i32>} : memref<8x128xi32, #tpu.memory_space<vmem>>, vector<1x16xi32>,
    %swap3A_1337 = vector.shape_cast %swap3A_1336 : vector<1x16xi32> to vector<16xi32>
    %swap3A_1338 = vector.shape_cast %add3A_1332 : vector<16xi32> to vector<1x16xi32>
    tpu.vector_store %arg11[%swap3A_1334, %swap3A_1335], %swap3A_1338 {strides = array<i32>} : memref<8x128xi32, #tpu.memory_space<vmem>>, vector<1x16xi32>,
    %get3A_1339 = arith.constant 928 : index
    %get3A_1340 = tpu.vector_load %arg8[%get3A_1339] {strides = array<i32>} : memref<1024xi32, #tpu.memory_space<vmem>>, vector<16xi32>,
    %get3A_1341 = vector.shape_cast %get3A_1340 : vector<16xi32> to vector<16xi32>
    %get3A_1342 = arith.constant 928 : index
    %get3A_1343 = tpu.vector_load %arg9[%get3A_1342] {strides = array<i32>} : memref<1024xi32, #tpu.memory_space<vmem>>, vector<16xi32>,
    %get3A_1344 = vector.shape_cast %get3A_1343 : vector<16xi32> to vector<16xi32>
    %get3A_1345 = arith.constant 928 : index
    %get3A_1346 = tpu.vector_load %arg10[%get3A_1345] {strides = array<i32>} : memref<1024xi32, #tpu.memory_space<vmem>>, vector<16xi32>,
    %get3A_1347 = vector.shape_cast %get3A_1346 : vector<16xi32> to vector<16xi32>
    %mul3A_1348 = arith.constant 262144 : i32
    %mul3A_1349 = vector.broadcast %mul3A_1348 : i32 to vector<16xi32>
    %mul3A_1350 = arith.muli %get3A_1347, %mul3A_1349 : vector<16xi32>
    %mul3A_1351 = arith.constant 512 : i32
    %mul3A_1352 = vector.broadcast %mul3A_1351 : i32 to vector<16xi32>
    %mul3A_1353 = arith.muli %get3A_1341, %mul3A_1352 : vector<16xi32>
    %add3A_1354 = arith.addi %mul3A_1350, %mul3A_1353 : vector<16xi32>
    %add3A_1355 = arith.addi %add3A_1354, %get3A_1344 : vector<16xi32>
    %swap3A_1356 = arith.constant 7 : i32
    %swap3A_1357 = arith.index_cast %swap3A_1356 : i32 to index
    %swap3A_1358 = arith.constant 32 : index
    %swap3A_1359 = tpu.vector_load %arg11[%swap3A_1357, %swap3A_1358] {strides = array<i32>} : memref<8x128xi32, #tpu.memory_space<vmem>>, vector<1x16xi32>,
    %swap3A_1360 = vector.shape_cast %swap3A_1359 : vector<1x16xi32> to vector<16xi32>
    %swap3A_1361 = vector.shape_cast %add3A_1355 : vector<16xi32> to vector<1x16xi32>
    tpu.vector_store %arg11[%swap3A_1357, %swap3A_1358], %swap3A_1361 {strides = array<i32>} : memref<8x128xi32, #tpu.memory_space<vmem>>, vector<1x16xi32>,
    %get3A_1362 = arith.constant 944 : index
    %get3A_1363 = tpu.vector_load %arg8[%get3A_1362] {strides = array<i32>} : memref<1024xi32, #tpu.memory_space<vmem>>, vector<16xi32>,
    %get3A_1364 = vector.shape_cast %get3A_1363 : vector<16xi32> to vector<16xi32>
    %get3A_1365 = arith.constant 944 : index
    %get3A_1366 = tpu.vector_load %arg9[%get3A_1365] {strides = array<i32>} : memref<1024xi32, #tpu.memory_space<vmem>>, vector<16xi32>,
    %get3A_1367 = vector.shape_cast %get3A_1366 : vector<16xi32> to vector<16xi32>
    %get3A_1368 = arith.constant 944 : index
    %get3A_1369 = tpu.vector_load %arg10[%get3A_1368] {strides = array<i32>} : memref<1024xi32, #tpu.memory_space<vmem>>, vector<16xi32>,
    %get3A_1370 = vector.shape_cast %get3A_1369 : vector<16xi32> to vector<16xi32>
    %mul3A_1371 = arith.constant 262144 : i32
    %mul3A_1372 = vector.broadcast %mul3A_1371 : i32 to vector<16xi32>
    %mul3A_1373 = arith.muli %get3A_1370, %mul3A_1372 : vector<16xi32>
    %mul3A_1374 = arith.constant 512 : i32
    %mul3A_1375 = vector.broadcast %mul3A_1374 : i32 to vector<16xi32>
    %mul3A_1376 = arith.muli %get3A_1364, %mul3A_1375 : vector<16xi32>
    %add3A_1377 = arith.addi %mul3A_1373, %mul3A_1376 : vector<16xi32>
    %add3A_1378 = arith.addi %add3A_1377, %get3A_1367 : vector<16xi32>
    %swap3A_1379 = arith.constant 7 : i32
    %swap3A_1380 = arith.index_cast %swap3A_1379 : i32 to index
    %swap3A_1381 = arith.constant 48 : index
    %swap3A_1382 = tpu.vector_load %arg11[%swap3A_1380, %swap3A_1381] {strides = array<i32>} : memref<8x128xi32, #tpu.memory_space<vmem>>, vector<1x16xi32>,
    %swap3A_1383 = vector.shape_cast %swap3A_1382 : vector<1x16xi32> to vector<16xi32>
    %swap3A_1384 = vector.shape_cast %add3A_1378 : vector<16xi32> to vector<1x16xi32>
    tpu.vector_store %arg11[%swap3A_1380, %swap3A_1381], %swap3A_1384 {strides = array<i32>} : memref<8x128xi32, #tpu.memory_space<vmem>>, vector<1x16xi32>,
    %get3A_1385 = arith.constant 960 : index
    %get3A_1386 = tpu.vector_load %arg8[%get3A_1385] {strides = array<i32>} : memref<1024xi32, #tpu.memory_space<vmem>>, vector<16xi32>,
    %get3A_1387 = vector.shape_cast %get3A_1386 : vector<16xi32> to vector<16xi32>
    %get3A_1388 = arith.constant 960 : index
    %get3A_1389 = tpu.vector_load %arg9[%get3A_1388] {strides = array<i32>} : memref<1024xi32, #tpu.memory_space<vmem>>, vector<16xi32>,
    %get3A_1390 = vector.shape_cast %get3A_1389 : vector<16xi32> to vector<16xi32>
    %get3A_1391 = arith.constant 960 : index
    %get3A_1392 = tpu.vector_load %arg10[%get3A_1391] {strides = array<i32>} : memref<1024xi32, #tpu.memory_space<vmem>>, vector<16xi32>,
    %get3A_1393 = vector.shape_cast %get3A_1392 : vector<16xi32> to vector<16xi32>
    %mul3A_1394 = arith.constant 262144 : i32
    %mul3A_1395 = vector.broadcast %mul3A_1394 : i32 to vector<16xi32>
    %mul3A_1396 = arith.muli %get3A_1393, %mul3A_1395 : vector<16xi32>
    %mul3A_1397 = arith.constant 512 : i32
    %mul3A_1398 = vector.broadcast %mul3A_1397 : i32 to vector<16xi32>
    %mul3A_1399 = arith.muli %get3A_1387, %mul3A_1398 : vector<16xi32>
    %add3A_1400 = arith.addi %mul3A_1396, %mul3A_1399 : vector<16xi32>
    %add3A_1401 = arith.addi %add3A_1400, %get3A_1390 : vector<16xi32>
    %swap3A_1402 = arith.constant 7 : i32
    %swap3A_1403 = arith.index_cast %swap3A_1402 : i32 to index
    %swap3A_1404 = arith.constant 64 : index
    %swap3A_1405 = tpu.vector_load %arg11[%swap3A_1403, %swap3A_1404] {strides = array<i32>} : memref<8x128xi32, #tpu.memory_space<vmem>>, vector<1x16xi32>,
    %swap3A_1406 = vector.shape_cast %swap3A_1405 : vector<1x16xi32> to vector<16xi32>
    %swap3A_1407 = vector.shape_cast %add3A_1401 : vector<16xi32> to vector<1x16xi32>
    tpu.vector_store %arg11[%swap3A_1403, %swap3A_1404], %swap3A_1407 {strides = array<i32>} : memref<8x128xi32, #tpu.memory_space<vmem>>, vector<1x16xi32>,
    %get3A_1408 = arith.constant 976 : index
    %get3A_1409 = tpu.vector_load %arg8[%get3A_1408] {strides = array<i32>} : memref<1024xi32, #tpu.memory_space<vmem>>, vector<16xi32>,
    %get3A_1410 = vector.shape_cast %get3A_1409 : vector<16xi32> to vector<16xi32>
    %get3A_1411 = arith.constant 976 : index
    %get3A_1412 = tpu.vector_load %arg9[%get3A_1411] {strides = array<i32>} : memref<1024xi32, #tpu.memory_space<vmem>>, vector<16xi32>,
    %get3A_1413 = vector.shape_cast %get3A_1412 : vector<16xi32> to vector<16xi32>
    %get3A_1414 = arith.constant 976 : index
    %get3A_1415 = tpu.vector_load %arg10[%get3A_1414] {strides = array<i32>} : memref<1024xi32, #tpu.memory_space<vmem>>, vector<16xi32>,
    %get3A_1416 = vector.shape_cast %get3A_1415 : vector<16xi32> to vector<16xi32>
    %mul3A_1417 = arith.constant 262144 : i32
    %mul3A_1418 = vector.broadcast %mul3A_1417 : i32 to vector<16xi32>
    %mul3A_1419 = arith.muli %get3A_1416, %mul3A_1418 : vector<16xi32>
    %mul3A_1420 = arith.constant 512 : i32
    %mul3A_1421 = vector.broadcast %mul3A_1420 : i32 to vector<16xi32>
    %mul3A_1422 = arith.muli %get3A_1410, %mul3A_1421 : vector<16xi32>
    %add3A_1423 = arith.addi %mul3A_1419, %mul3A_1422 : vector<16xi32>
    %add3A_1424 = arith.addi %add3A_1423, %get3A_1413 : vector<16xi32>
    %swap3A_1425 = arith.constant 7 : i32
    %swap3A_1426 = arith.index_cast %swap3A_1425 : i32 to index
    %swap3A_1427 = arith.constant 80 : index
    %swap3A_1428 = tpu.vector_load %arg11[%swap3A_1426, %swap3A_1427] {strides = array<i32>} : memref<8x128xi32, #tpu.memory_space<vmem>>, vector<1x16xi32>,
    %swap3A_1429 = vector.shape_cast %swap3A_1428 : vector<1x16xi32> to vector<16xi32>
    %swap3A_1430 = vector.shape_cast %add3A_1424 : vector<16xi32> to vector<1x16xi32>
    tpu.vector_store %arg11[%swap3A_1426, %swap3A_1427], %swap3A_1430 {strides = array<i32>} : memref<8x128xi32, #tpu.memory_space<vmem>>, vector<1x16xi32>,
    %get3A_1431 = arith.constant 992 : index
    %get3A_1432 = tpu.vector_load %arg8[%get3A_1431] {strides = array<i32>} : memref<1024xi32, #tpu.memory_space<vmem>>, vector<16xi32>,
    %get3A_1433 = vector.shape_cast %get3A_1432 : vector<16xi32> to vector<16xi32>
    %get3A_1434 = arith.constant 992 : index
    %get3A_1435 = tpu.vector_load %arg9[%get3A_1434] {strides = array<i32>} : memref<1024xi32, #tpu.memory_space<vmem>>, vector<16xi32>,
    %get3A_1436 = vector.shape_cast %get3A_1435 : vector<16xi32> to vector<16xi32>
    %get3A_1437 = arith.constant 992 : index
    %get3A_1438 = tpu.vector_load %arg10[%get3A_1437] {strides = array<i32>} : memref<1024xi32, #tpu.memory_space<vmem>>, vector<16xi32>,
    %get3A_1439 = vector.shape_cast %get3A_1438 : vector<16xi32> to vector<16xi32>
    %mul3A_1440 = arith.constant 262144 : i32
    %mul3A_1441 = vector.broadcast %mul3A_1440 : i32 to vector<16xi32>
    %mul3A_1442 = arith.muli %get3A_1439, %mul3A_1441 : vector<16xi32>
    %mul3A_1443 = arith.constant 512 : i32
    %mul3A_1444 = vector.broadcast %mul3A_1443 : i32 to vector<16xi32>
    %mul3A_1445 = arith.muli %get3A_1433, %mul3A_1444 : vector<16xi32>
    %add3A_1446 = arith.addi %mul3A_1442, %mul3A_1445 : vector<16xi32>
    %add3A_1447 = arith.addi %add3A_1446, %get3A_1436 : vector<16xi32>
    %swap3A_1448 = arith.constant 7 : i32
    %swap3A_1449 = arith.index_cast %swap3A_1448 : i32 to index
    %swap3A_1450 = arith.constant 96 : index
    %swap3A_1451 = tpu.vector_load %arg11[%swap3A_1449, %swap3A_1450] {strides = array<i32>} : memref<8x128xi32, #tpu.memory_space<vmem>>, vector<1x16xi32>,
    %swap3A_1452 = vector.shape_cast %swap3A_1451 : vector<1x16xi32> to vector<16xi32>
    %swap3A_1453 = vector.shape_cast %add3A_1447 : vector<16xi32> to vector<1x16xi32>
    tpu.vector_store %arg11[%swap3A_1449, %swap3A_1450], %swap3A_1453 {strides = array<i32>} : memref<8x128xi32, #tpu.memory_space<vmem>>, vector<1x16xi32>,
    %get3A_1454 = arith.constant 1008 : index
    %get3A_1455 = tpu.vector_load %arg8[%get3A_1454] {strides = array<i32>} : memref<1024xi32, #tpu.memory_space<vmem>>, vector<16xi32>,
    %get3A_1456 = vector.shape_cast %get3A_1455 : vector<16xi32> to vector<16xi32>
    %get3A_1457 = arith.constant 1008 : index
    %get3A_1458 = tpu.vector_load %arg9[%get3A_1457] {strides = array<i32>} : memref<1024xi32, #tpu.memory_space<vmem>>, vector<16xi32>,
    %get3A_1459 = vector.shape_cast %get3A_1458 : vector<16xi32> to vector<16xi32>
    %get3A_1460 = arith.constant 1008 : index
    %get3A_1461 = tpu.vector_load %arg10[%get3A_1460] {strides = array<i32>} : memref<1024xi32, #tpu.memory_space<vmem>>, vector<16xi32>,
    %get3A_1462 = vector.shape_cast %get3A_1461 : vector<16xi32> to vector<16xi32>
    %mul3A_1463 = arith.constant 262144 : i32
    %mul3A_1464 = vector.broadcast %mul3A_1463 : i32 to vector<16xi32>
    %mul3A_1465 = arith.muli %get3A_1462, %mul3A_1464 : vector<16xi32>
    %mul3A_1466 = arith.constant 512 : i32
    %mul3A_1467 = vector.broadcast %mul3A_1466 : i32 to vector<16xi32>
    %mul3A_1468 = arith.muli %get3A_1456, %mul3A_1467 : vector<16xi32>
    %add3A_1469 = arith.addi %mul3A_1465, %mul3A_1468 : vector<16xi32>
    %add3A_1470 = arith.addi %add3A_1469, %get3A_1459 : vector<16xi32>
    %swap3A_1471 = arith.constant 7 : i32
    %swap3A_1472 = arith.index_cast %swap3A_1471 : i32 to index
    %swap3A_1473 = arith.constant 112 : index
    %swap3A_1474 = tpu.vector_load %arg11[%swap3A_1472, %swap3A_1473] {strides = array<i32>} : memref<8x128xi32, #tpu.memory_space<vmem>>, vector<1x16xi32>,
    %swap3A_1475 = vector.shape_cast %swap3A_1474 : vector<1x16xi32> to vector<16xi32>
    %swap3A_1476 = vector.shape_cast %add3A_1470 : vector<16xi32> to vector<1x16xi32>
    tpu.vector_store %arg11[%swap3A_1472, %swap3A_1473], %swap3A_1476 {strides = array<i32>} : memref<8x128xi32, #tpu.memory_space<vmem>>, vector<1x16xi32>,
    %barrier3A = arith.constant 0 : index
    tpu.barrier barrier_id(%barrier3A)
    %run_scoped3A = arith.constant 0 : i32
    "tpu.region"() ({
      %run_scoped3A_1489 = tpu.sem_alloc : memref<!tpu.dma_semaphore, #tpu.memory_space<semaphore_mem>>
      %dma_start3A = arith.constant 0 : i32
      %dma_start3A_1490 = tpu.memref_slice %arg11[%run_scoped3A, %dma_start3A] : memref<8x128xi32, #tpu.memory_space<vmem>> -> memref<1x128xi32, #tpu.memory_space<vmem>>
      %dma_start3A_1491 = tpu.memref_squeeze %dma_start3A_1490 : memref<1x128xi32, #tpu.memory_space<vmem>> -> memref<128xi32, #tpu.memory_space<vmem>>
      %dma_start3A_1492 = arith.constant 0 : i32
      %dma_start3A_1493 = tpu.memref_slice %arg13[%dma_start3A_1492] : memref<786432xf32, #tpu.memory_space<vmem_shared>> -> memref<786432xf32, #tpu.memory_space<vmem_shared>>
      tpu.enqueue_indirect_dma source(%arg12 : memref<128xf32, #tpu.memory_space<vmem>>) target(%dma_start3A_1493 : memref<786432xf32, #tpu.memory_space<vmem_shared>>) offsets(%dma_start3A_1491 : memref<128xi32, #tpu.memory_space<vmem>>) semaphore(%run_scoped3A_1489 : memref<!tpu.dma_semaphore, #tpu.memory_space<semaphore_mem>>) {add = true}
      %dma_wait3A = arith.constant 0 : i32
      %dma_wait3A_1494 = tpu.memref_slice %arg11[%run_scoped3A, %dma_wait3A] : memref<8x128xi32, #tpu.memory_space<vmem>> -> memref<1x128xi32, #tpu.memory_space<vmem>>
      %dma_wait3A_1495 = tpu.memref_squeeze %dma_wait3A_1494 : memref<1x128xi32, #tpu.memory_space<vmem>> -> memref<128xi32, #tpu.memory_space<vmem>>
      %dma_wait3A_1496 = arith.constant 0 : i32
      %dma_wait3A_1497 = tpu.memref_slice %arg13[%dma_wait3A_1496] : memref<786432xf32, #tpu.memory_space<vmem_shared>> -> memref<786432xf32, #tpu.memory_space<vmem_shared>>
      tpu.wait_indirect_dma semaphore(%run_scoped3A_1489 : memref<!tpu.dma_semaphore, #tpu.memory_space<semaphore_mem>>) src(%arg12 : memref<128xf32, #tpu.memory_space<vmem>>) dst(%dma_wait3A_1497 : memref<786432xf32, #tpu.memory_space<vmem_shared>>)
      tpu.yield
    }) : () -> ()
    %run_scoped3A_1477 = arith.constant 1 : i32
    "tpu.region"() ({
      %run_scoped3A_1489 = tpu.sem_alloc : memref<!tpu.dma_semaphore, #tpu.memory_space<semaphore_mem>>
      %dma_start3A = arith.constant 0 : i32
      %dma_start3A_1490 = tpu.memref_slice %arg11[%run_scoped3A_1477, %dma_start3A] : memref<8x128xi32, #tpu.memory_space<vmem>> -> memref<1x128xi32, #tpu.memory_space<vmem>>
      %dma_start3A_1491 = tpu.memref_squeeze %dma_start3A_1490 : memref<1x128xi32, #tpu.memory_space<vmem>> -> memref<128xi32, #tpu.memory_space<vmem>>
      %dma_start3A_1492 = arith.constant 0 : i32
      %dma_start3A_1493 = tpu.memref_slice %arg13[%dma_start3A_1492] : memref<786432xf32, #tpu.memory_space<vmem_shared>> -> memref<786432xf32, #tpu.memory_space<vmem_shared>>
      tpu.enqueue_indirect_dma source(%arg12 : memref<128xf32, #tpu.memory_space<vmem>>) target(%dma_start3A_1493 : memref<786432xf32, #tpu.memory_space<vmem_shared>>) offsets(%dma_start3A_1491 : memref<128xi32, #tpu.memory_space<vmem>>) semaphore(%run_scoped3A_1489 : memref<!tpu.dma_semaphore, #tpu.memory_space<semaphore_mem>>) {add = true}
      %dma_wait3A = arith.constant 0 : i32
      %dma_wait3A_1494 = tpu.memref_slice %arg11[%run_scoped3A_1477, %dma_wait3A] : memref<8x128xi32, #tpu.memory_space<vmem>> -> memref<1x128xi32, #tpu.memory_space<vmem>>
      %dma_wait3A_1495 = tpu.memref_squeeze %dma_wait3A_1494 : memref<1x128xi32, #tpu.memory_space<vmem>> -> memref<128xi32, #tpu.memory_space<vmem>>
      %dma_wait3A_1496 = arith.constant 0 : i32
      %dma_wait3A_1497 = tpu.memref_slice %arg13[%dma_wait3A_1496] : memref<786432xf32, #tpu.memory_space<vmem_shared>> -> memref<786432xf32, #tpu.memory_space<vmem_shared>>
      tpu.wait_indirect_dma semaphore(%run_scoped3A_1489 : memref<!tpu.dma_semaphore, #tpu.memory_space<semaphore_mem>>) src(%arg12 : memref<128xf32, #tpu.memory_space<vmem>>) dst(%dma_wait3A_1497 : memref<786432xf32, #tpu.memory_space<vmem_shared>>)
      tpu.yield
    }) : () -> ()
    %run_scoped3A_1478 = arith.constant 2 : i32
    "tpu.region"() ({
      %run_scoped3A_1489 = tpu.sem_alloc : memref<!tpu.dma_semaphore, #tpu.memory_space<semaphore_mem>>
      %dma_start3A = arith.constant 0 : i32
      %dma_start3A_1490 = tpu.memref_slice %arg11[%run_scoped3A_1478, %dma_start3A] : memref<8x128xi32, #tpu.memory_space<vmem>> -> memref<1x128xi32, #tpu.memory_space<vmem>>
      %dma_start3A_1491 = tpu.memref_squeeze %dma_start3A_1490 : memref<1x128xi32, #tpu.memory_space<vmem>> -> memref<128xi32, #tpu.memory_space<vmem>>
      %dma_start3A_1492 = arith.constant 0 : i32
      %dma_start3A_1493 = tpu.memref_slice %arg13[%dma_start3A_1492] : memref<786432xf32, #tpu.memory_space<vmem_shared>> -> memref<786432xf32, #tpu.memory_space<vmem_shared>>
      tpu.enqueue_indirect_dma source(%arg12 : memref<128xf32, #tpu.memory_space<vmem>>) target(%dma_start3A_1493 : memref<786432xf32, #tpu.memory_space<vmem_shared>>) offsets(%dma_start3A_1491 : memref<128xi32, #tpu.memory_space<vmem>>) semaphore(%run_scoped3A_1489 : memref<!tpu.dma_semaphore, #tpu.memory_space<semaphore_mem>>) {add = true}
      %dma_wait3A = arith.constant 0 : i32
      %dma_wait3A_1494 = tpu.memref_slice %arg11[%run_scoped3A_1478, %dma_wait3A] : memref<8x128xi32, #tpu.memory_space<vmem>> -> memref<1x128xi32, #tpu.memory_space<vmem>>
      %dma_wait3A_1495 = tpu.memref_squeeze %dma_wait3A_1494 : memref<1x128xi32, #tpu.memory_space<vmem>> -> memref<128xi32, #tpu.memory_space<vmem>>
      %dma_wait3A_1496 = arith.constant 0 : i32
      %dma_wait3A_1497 = tpu.memref_slice %arg13[%dma_wait3A_1496] : memref<786432xf32, #tpu.memory_space<vmem_shared>> -> memref<786432xf32, #tpu.memory_space<vmem_shared>>
      tpu.wait_indirect_dma semaphore(%run_scoped3A_1489 : memref<!tpu.dma_semaphore, #tpu.memory_space<semaphore_mem>>) src(%arg12 : memref<128xf32, #tpu.memory_space<vmem>>) dst(%dma_wait3A_1497 : memref<786432xf32, #tpu.memory_space<vmem_shared>>)
      tpu.yield
    }) : () -> ()
    %run_scoped3A_1479 = arith.constant 3 : i32
    "tpu.region"() ({
      %run_scoped3A_1489 = tpu.sem_alloc : memref<!tpu.dma_semaphore, #tpu.memory_space<semaphore_mem>>
      %dma_start3A = arith.constant 0 : i32
      %dma_start3A_1490 = tpu.memref_slice %arg11[%run_scoped3A_1479, %dma_start3A] : memref<8x128xi32, #tpu.memory_space<vmem>> -> memref<1x128xi32, #tpu.memory_space<vmem>>
      %dma_start3A_1491 = tpu.memref_squeeze %dma_start3A_1490 : memref<1x128xi32, #tpu.memory_space<vmem>> -> memref<128xi32, #tpu.memory_space<vmem>>
      %dma_start3A_1492 = arith.constant 0 : i32
      %dma_start3A_1493 = tpu.memref_slice %arg13[%dma_start3A_1492] : memref<786432xf32, #tpu.memory_space<vmem_shared>> -> memref<786432xf32, #tpu.memory_space<vmem_shared>>
      tpu.enqueue_indirect_dma source(%arg12 : memref<128xf32, #tpu.memory_space<vmem>>) target(%dma_start3A_1493 : memref<786432xf32, #tpu.memory_space<vmem_shared>>) offsets(%dma_start3A_1491 : memref<128xi32, #tpu.memory_space<vmem>>) semaphore(%run_scoped3A_1489 : memref<!tpu.dma_semaphore, #tpu.memory_space<semaphore_mem>>) {add = true}
      %dma_wait3A = arith.constant 0 : i32
      %dma_wait3A_1494 = tpu.memref_slice %arg11[%run_scoped3A_1479, %dma_wait3A] : memref<8x128xi32, #tpu.memory_space<vmem>> -> memref<1x128xi32, #tpu.memory_space<vmem>>
      %dma_wait3A_1495 = tpu.memref_squeeze %dma_wait3A_1494 : memref<1x128xi32, #tpu.memory_space<vmem>> -> memref<128xi32, #tpu.memory_space<vmem>>
      %dma_wait3A_1496 = arith.constant 0 : i32
      %dma_wait3A_1497 = tpu.memref_slice %arg13[%dma_wait3A_1496] : memref<786432xf32, #tpu.memory_space<vmem_shared>> -> memref<786432xf32, #tpu.memory_space<vmem_shared>>
      tpu.wait_indirect_dma semaphore(%run_scoped3A_1489 : memref<!tpu.dma_semaphore, #tpu.memory_space<semaphore_mem>>) src(%arg12 : memref<128xf32, #tpu.memory_space<vmem>>) dst(%dma_wait3A_1497 : memref<786432xf32, #tpu.memory_space<vmem_shared>>)
      tpu.yield
    }) : () -> ()
    %run_scoped3A_1480 = arith.constant 4 : i32
    "tpu.region"() ({
      %run_scoped3A_1489 = tpu.sem_alloc : memref<!tpu.dma_semaphore, #tpu.memory_space<semaphore_mem>>
      %dma_start3A = arith.constant 0 : i32
      %dma_start3A_1490 = tpu.memref_slice %arg11[%run_scoped3A_1480, %dma_start3A] : memref<8x128xi32, #tpu.memory_space<vmem>> -> memref<1x128xi32, #tpu.memory_space<vmem>>
      %dma_start3A_1491 = tpu.memref_squeeze %dma_start3A_1490 : memref<1x128xi32, #tpu.memory_space<vmem>> -> memref<128xi32, #tpu.memory_space<vmem>>
      %dma_start3A_1492 = arith.constant 0 : i32
      %dma_start3A_1493 = tpu.memref_slice %arg13[%dma_start3A_1492] : memref<786432xf32, #tpu.memory_space<vmem_shared>> -> memref<786432xf32, #tpu.memory_space<vmem_shared>>
      tpu.enqueue_indirect_dma source(%arg12 : memref<128xf32, #tpu.memory_space<vmem>>) target(%dma_start3A_1493 : memref<786432xf32, #tpu.memory_space<vmem_shared>>) offsets(%dma_start3A_1491 : memref<128xi32, #tpu.memory_space<vmem>>) semaphore(%run_scoped3A_1489 : memref<!tpu.dma_semaphore, #tpu.memory_space<semaphore_mem>>) {add = true}
      %dma_wait3A = arith.constant 0 : i32
      %dma_wait3A_1494 = tpu.memref_slice %arg11[%run_scoped3A_1480, %dma_wait3A] : memref<8x128xi32, #tpu.memory_space<vmem>> -> memref<1x128xi32, #tpu.memory_space<vmem>>
      %dma_wait3A_1495 = tpu.memref_squeeze %dma_wait3A_1494 : memref<1x128xi32, #tpu.memory_space<vmem>> -> memref<128xi32, #tpu.memory_space<vmem>>
      %dma_wait3A_1496 = arith.constant 0 : i32
      %dma_wait3A_1497 = tpu.memref_slice %arg13[%dma_wait3A_1496] : memref<786432xf32, #tpu.memory_space<vmem_shared>> -> memref<786432xf32, #tpu.memory_space<vmem_shared>>
      tpu.wait_indirect_dma semaphore(%run_scoped3A_1489 : memref<!tpu.dma_semaphore, #tpu.memory_space<semaphore_mem>>) src(%arg12 : memref<128xf32, #tpu.memory_space<vmem>>) dst(%dma_wait3A_1497 : memref<786432xf32, #tpu.memory_space<vmem_shared>>)
      tpu.yield
    }) : () -> ()
    %run_scoped3A_1481 = arith.constant 5 : i32
    "tpu.region"() ({
      %run_scoped3A_1489 = tpu.sem_alloc : memref<!tpu.dma_semaphore, #tpu.memory_space<semaphore_mem>>
      %dma_start3A = arith.constant 0 : i32
      %dma_start3A_1490 = tpu.memref_slice %arg11[%run_scoped3A_1481, %dma_start3A] : memref<8x128xi32, #tpu.memory_space<vmem>> -> memref<1x128xi32, #tpu.memory_space<vmem>>
      %dma_start3A_1491 = tpu.memref_squeeze %dma_start3A_1490 : memref<1x128xi32, #tpu.memory_space<vmem>> -> memref<128xi32, #tpu.memory_space<vmem>>
      %dma_start3A_1492 = arith.constant 0 : i32
      %dma_start3A_1493 = tpu.memref_slice %arg13[%dma_start3A_1492] : memref<786432xf32, #tpu.memory_space<vmem_shared>> -> memref<786432xf32, #tpu.memory_space<vmem_shared>>
      tpu.enqueue_indirect_dma source(%arg12 : memref<128xf32, #tpu.memory_space<vmem>>) target(%dma_start3A_1493 : memref<786432xf32, #tpu.memory_space<vmem_shared>>) offsets(%dma_start3A_1491 : memref<128xi32, #tpu.memory_space<vmem>>) semaphore(%run_scoped3A_1489 : memref<!tpu.dma_semaphore, #tpu.memory_space<semaphore_mem>>) {add = true}
      %dma_wait3A = arith.constant 0 : i32
      %dma_wait3A_1494 = tpu.memref_slice %arg11[%run_scoped3A_1481, %dma_wait3A] : memref<8x128xi32, #tpu.memory_space<vmem>> -> memref<1x128xi32, #tpu.memory_space<vmem>>
      %dma_wait3A_1495 = tpu.memref_squeeze %dma_wait3A_1494 : memref<1x128xi32, #tpu.memory_space<vmem>> -> memref<128xi32, #tpu.memory_space<vmem>>
      %dma_wait3A_1496 = arith.constant 0 : i32
      %dma_wait3A_1497 = tpu.memref_slice %arg13[%dma_wait3A_1496] : memref<786432xf32, #tpu.memory_space<vmem_shared>> -> memref<786432xf32, #tpu.memory_space<vmem_shared>>
      tpu.wait_indirect_dma semaphore(%run_scoped3A_1489 : memref<!tpu.dma_semaphore, #tpu.memory_space<semaphore_mem>>) src(%arg12 : memref<128xf32, #tpu.memory_space<vmem>>) dst(%dma_wait3A_1497 : memref<786432xf32, #tpu.memory_space<vmem_shared>>)
      tpu.yield
    }) : () -> ()
    %run_scoped3A_1482 = arith.constant 6 : i32
    "tpu.region"() ({
      %run_scoped3A_1489 = tpu.sem_alloc : memref<!tpu.dma_semaphore, #tpu.memory_space<semaphore_mem>>
      %dma_start3A = arith.constant 0 : i32
      %dma_start3A_1490 = tpu.memref_slice %arg11[%run_scoped3A_1482, %dma_start3A] : memref<8x128xi32, #tpu.memory_space<vmem>> -> memref<1x128xi32, #tpu.memory_space<vmem>>
      %dma_start3A_1491 = tpu.memref_squeeze %dma_start3A_1490 : memref<1x128xi32, #tpu.memory_space<vmem>> -> memref<128xi32, #tpu.memory_space<vmem>>
      %dma_start3A_1492 = arith.constant 0 : i32
      %dma_start3A_1493 = tpu.memref_slice %arg13[%dma_start3A_1492] : memref<786432xf32, #tpu.memory_space<vmem_shared>> -> memref<786432xf32, #tpu.memory_space<vmem_shared>>
      tpu.enqueue_indirect_dma source(%arg12 : memref<128xf32, #tpu.memory_space<vmem>>) target(%dma_start3A_1493 : memref<786432xf32, #tpu.memory_space<vmem_shared>>) offsets(%dma_start3A_1491 : memref<128xi32, #tpu.memory_space<vmem>>) semaphore(%run_scoped3A_1489 : memref<!tpu.dma_semaphore, #tpu.memory_space<semaphore_mem>>) {add = true}
      %dma_wait3A = arith.constant 0 : i32
      %dma_wait3A_1494 = tpu.memref_slice %arg11[%run_scoped3A_1482, %dma_wait3A] : memref<8x128xi32, #tpu.memory_space<vmem>> -> memref<1x128xi32, #tpu.memory_space<vmem>>
      %dma_wait3A_1495 = tpu.memref_squeeze %dma_wait3A_1494 : memref<1x128xi32, #tpu.memory_space<vmem>> -> memref<128xi32, #tpu.memory_space<vmem>>
      %dma_wait3A_1496 = arith.constant 0 : i32
      %dma_wait3A_1497 = tpu.memref_slice %arg13[%dma_wait3A_1496] : memref<786432xf32, #tpu.memory_space<vmem_shared>> -> memref<786432xf32, #tpu.memory_space<vmem_shared>>
      tpu.wait_indirect_dma semaphore(%run_scoped3A_1489 : memref<!tpu.dma_semaphore, #tpu.memory_space<semaphore_mem>>) src(%arg12 : memref<128xf32, #tpu.memory_space<vmem>>) dst(%dma_wait3A_1497 : memref<786432xf32, #tpu.memory_space<vmem_shared>>)
      tpu.yield
    }) : () -> ()
    %run_scoped3A_1483 = arith.constant 7 : i32
    "tpu.region"() ({
      %run_scoped3A_1489 = tpu.sem_alloc : memref<!tpu.dma_semaphore, #tpu.memory_space<semaphore_mem>>
      %dma_start3A = arith.constant 0 : i32
      %dma_start3A_1490 = tpu.memref_slice %arg11[%run_scoped3A_1483, %dma_start3A] : memref<8x128xi32, #tpu.memory_space<vmem>> -> memref<1x128xi32, #tpu.memory_space<vmem>>
      %dma_start3A_1491 = tpu.memref_squeeze %dma_start3A_1490 : memref<1x128xi32, #tpu.memory_space<vmem>> -> memref<128xi32, #tpu.memory_space<vmem>>
      %dma_start3A_1492 = arith.constant 0 : i32
      %dma_start3A_1493 = tpu.memref_slice %arg13[%dma_start3A_1492] : memref<786432xf32, #tpu.memory_space<vmem_shared>> -> memref<786432xf32, #tpu.memory_space<vmem_shared>>
      tpu.enqueue_indirect_dma source(%arg12 : memref<128xf32, #tpu.memory_space<vmem>>) target(%dma_start3A_1493 : memref<786432xf32, #tpu.memory_space<vmem_shared>>) offsets(%dma_start3A_1491 : memref<128xi32, #tpu.memory_space<vmem>>) semaphore(%run_scoped3A_1489 : memref<!tpu.dma_semaphore, #tpu.memory_space<semaphore_mem>>) {add = true}
      %dma_wait3A = arith.constant 0 : i32
      %dma_wait3A_1494 = tpu.memref_slice %arg11[%run_scoped3A_1483, %dma_wait3A] : memref<8x128xi32, #tpu.memory_space<vmem>> -> memref<1x128xi32, #tpu.memory_space<vmem>>
      %dma_wait3A_1495 = tpu.memref_squeeze %dma_wait3A_1494 : memref<1x128xi32, #tpu.memory_space<vmem>> -> memref<128xi32, #tpu.memory_space<vmem>>
      %dma_wait3A_1496 = arith.constant 0 : i32
      %dma_wait3A_1497 = tpu.memref_slice %arg13[%dma_wait3A_1496] : memref<786432xf32, #tpu.memory_space<vmem_shared>> -> memref<786432xf32, #tpu.memory_space<vmem_shared>>
      tpu.wait_indirect_dma semaphore(%run_scoped3A_1489 : memref<!tpu.dma_semaphore, #tpu.memory_space<semaphore_mem>>) src(%arg12 : memref<128xf32, #tpu.memory_space<vmem>>) dst(%dma_wait3A_1497 : memref<786432xf32, #tpu.memory_space<vmem_shared>>)
      tpu.yield
    }) : () -> ()
    %barrier3A_1484 = arith.constant 0 : index
    tpu.barrier barrier_id(%barrier3A_1484)
    %mul3A_1485 = arith.constant 49152 : i32
    %mul3A_1486 = arith.muli %arg1, %mul3A_1485 : i32
    %mul3A_1487 = arith.constant 49152 : i32
    %mul3A_1488 = arith.muli %arg1, %mul3A_1487 : i32
    "tpu.region"() ({
      %run_scoped3A_1489 = tpu.sem_alloc : memref<!tpu.dma_semaphore, #tpu.memory_space<semaphore_mem>>
      %dma_start3A = tpu.memref_slice %arg7[%arg0, %mul3A_1488] : memref<2x786432xf32, #tpu.memory_space<hbm>> -> memref<1x49152xf32, #tpu.memory_space<hbm>>
      %dma_start3A_1490 = tpu.memref_squeeze %dma_start3A : memref<1x49152xf32, #tpu.memory_space<hbm>> -> memref<49152xf32, #tpu.memory_space<hbm>>
      %dma_start3A_1491 = tpu.memref_slice %arg13[%mul3A_1486] : memref<786432xf32, #tpu.memory_space<vmem_shared>> -> memref<49152xf32, #tpu.memory_space<vmem_shared>>
      tpu.enqueue_dma source(%dma_start3A_1491 : memref<49152xf32, #tpu.memory_space<vmem_shared>>) target(%dma_start3A_1490 : memref<49152xf32, #tpu.memory_space<hbm>>) target_semaphore(%run_scoped3A_1489 : memref<!tpu.dma_semaphore, #tpu.memory_space<semaphore_mem>>)
      %dma_wait3A = tpu.memref_slice %arg7[%arg0, %mul3A_1488] : memref<2x786432xf32, #tpu.memory_space<hbm>> -> memref<1x49152xf32, #tpu.memory_space<hbm>>
      %dma_wait3A_1492 = tpu.memref_squeeze %dma_wait3A : memref<1x49152xf32, #tpu.memory_space<hbm>> -> memref<49152xf32, #tpu.memory_space<hbm>>
      %dma_wait3A_1493 = tpu.memref_slice %arg13[%mul3A_1486] : memref<786432xf32, #tpu.memory_space<vmem_shared>> -> memref<49152xf32, #tpu.memory_space<vmem_shared>>
      tpu.wait_dma2 semaphore(%run_scoped3A_1489 : memref<!tpu.dma_semaphore, #tpu.memory_space<semaphore_mem>>) src(%dma_wait3A_1493 : memref<49152xf32, #tpu.memory_space<vmem_shared>>) dst(%dma_wait3A_1492 : memref<49152xf32, #tpu.memory_space<hbm>>)
      tpu.yield
    }) : () -> ()
    return
  }
}

module attributes {stable_mosaic.version = 14 : i64} {
  func.func @_layers_kernel(%arg0: memref<512x256xf32, #tpu.memory_space<vmem>>, %arg1: memref<2x3x512x512xf32, #tpu.memory_space<vmem>>, %arg2: memref<3x256x64xf32, #tpu.memory_space<vmem>>, %arg3: memref<256x64xf32, #tpu.memory_space<vmem>>, %arg4: memref<256x64xf32, #tpu.memory_space<vmem>>, %arg5: memref<320x64xf32, #tpu.memory_space<vmem>>, %arg6: memref<64xf32, #tpu.memory_space<vmem>>, %arg7: memref<3x64x64xf32, #tpu.memory_space<vmem>>, %arg8: memref<64x64xf32, #tpu.memory_space<vmem>>, %arg9: memref<64x64xf32, #tpu.memory_space<vmem>>, %arg10: memref<128x64xf32, #tpu.memory_space<vmem>>, %arg11: memref<64xf32, #tpu.memory_space<vmem>>, %arg12: memref<3x64x64xf32, #tpu.memory_space<vmem>>, %arg13: memref<64x64xf32, #tpu.memory_space<vmem>>, %arg14: memref<64x64xf32, #tpu.memory_space<vmem>>, %arg15: memref<128x64xf32, #tpu.memory_space<vmem>>, %arg16: memref<64xf32, #tpu.memory_space<vmem>>, %arg17: memref<256x64xf32, #tpu.memory_space<vmem>>, %arg18: memref<64xf32, #tpu.memory_space<vmem>>, %arg19: memref<512x128xf32, #tpu.memory_space<vmem>>) attributes {dimension_semantics = [], scalar_prefetch = 0 : i64, scratch_operands = 0 : i64, tpu.core_type = #tpu.core_type<tc>} {
    %get3A = arith.constant 0 : index
    %get3A_0 = arith.constant 0 : index
    %get3A_1 = arith.constant 0 : index
    %get3A_2 = arith.constant 0 : index
    %get3A_3 = vector.load %arg1[%get3A, %get3A_0, %get3A_1, %get3A_2] : memref<2x3x512x512xf32, #tpu.memory_space<vmem>>, vector<1x3x512x512xf32>
    %get3A_4 = vector.shape_cast %get3A_3 : vector<1x3x512x512xf32> to vector<3x512x512xf32>
    %get3A_5 = arith.constant 1 : index
    %get3A_6 = arith.constant 0 : index
    %get3A_7 = arith.constant 0 : index
    %get3A_8 = arith.constant 0 : index
    %get3A_9 = vector.load %arg1[%get3A_5, %get3A_6, %get3A_7, %get3A_8] : memref<2x3x512x512xf32, #tpu.memory_space<vmem>>, vector<1x3x512x512xf32>
    %get3A_10 = vector.shape_cast %get3A_9 : vector<1x3x512x512xf32> to vector<3x512x512xf32>
    %add3A = arith.addf %get3A_4, %get3A_10 : vector<3x512x512xf32>
    %slice3A = vector.extract_strided_slice %add3A {offsets = [0, 0, 0], sizes = [1, 512, 512], strides = [1, 1, 1]} : vector<3x512x512xf32> to vector<1x512x512xf32>
    %squeeze3A = vector.shape_cast %slice3A : vector<1x512x512xf32> to vector<512x512xf32>
    %slice3A_11 = vector.extract_strided_slice %add3A {offsets = [1, 0, 0], sizes = [1, 512, 512], strides = [1, 1, 1]} : vector<3x512x512xf32> to vector<1x512x512xf32>
    %squeeze3A_12 = vector.shape_cast %slice3A_11 : vector<1x512x512xf32> to vector<512x512xf32>
    %slice3A_13 = vector.extract_strided_slice %add3A {offsets = [2, 0, 0], sizes = [1, 512, 512], strides = [1, 1, 1]} : vector<3x512x512xf32> to vector<1x512x512xf32>
    %squeeze3A_14 = vector.shape_cast %slice3A_13 : vector<1x512x512xf32> to vector<512x512xf32>
    %concatenate3A = tpu.concatenate %squeeze3A, %squeeze3A_12, %squeeze3A_14 in 1 : vector<512x512xf32>, vector<512x512xf32>, vector<512x512xf32> -> vector<512x1536xf32>
    %convert_element_type3A = arith.truncf %concatenate3A : vector<512x1536xf32> to vector<512x1536xbf16>
    %get3A_15 = arith.constant 0 : index
    %get3A_16 = arith.constant 0 : index
    %get3A_17 = vector.load %arg0[%get3A_15, %get3A_16] : memref<512x256xf32, #tpu.memory_space<vmem>>, vector<512x256xf32>
    %get3A_18 = arith.constant 0 : index
    %get3A_19 = arith.constant 0 : index
    %get3A_20 = arith.constant 0 : index
    %get3A_21 = vector.load %arg2[%get3A_18, %get3A_19, %get3A_20] : memref<3x256x64xf32, #tpu.memory_space<vmem>>, vector<1x256x64xf32>
    %get3A_22 = vector.shape_cast %get3A_21 : vector<1x256x64xf32> to vector<256x64xf32>
    %dot_general3A = arith.constant dense<0.000000e+00> : vector<512x64xf32>
    %dot_general3A_23 = tpu.matmul %get3A_17, %get3A_22, %dot_general3A {dimension_numbers = #tpu.dot_dimension_numbers<[1], [0], [0], [1], [0, 0, 1, 1], [], []>, transpose_lhs_hint = false} : vector<512x256xf32>, vector<256x64xf32>, vector<512x64xf32> -> vector<512x64xf32>
    %get3A_24 = arith.constant 1 : index
    %get3A_25 = arith.constant 0 : index
    %get3A_26 = arith.constant 0 : index
    %get3A_27 = vector.load %arg2[%get3A_24, %get3A_25, %get3A_26] : memref<3x256x64xf32, #tpu.memory_space<vmem>>, vector<1x256x64xf32>
    %get3A_28 = vector.shape_cast %get3A_27 : vector<1x256x64xf32> to vector<256x64xf32>
    %dot_general3A_29 = arith.constant dense<0.000000e+00> : vector<512x64xf32>
    %dot_general3A_30 = tpu.matmul %get3A_17, %get3A_28, %dot_general3A_29 {dimension_numbers = #tpu.dot_dimension_numbers<[1], [0], [0], [1], [0, 0, 1, 1], [], []>, transpose_lhs_hint = false} : vector<512x256xf32>, vector<256x64xf32>, vector<512x64xf32> -> vector<512x64xf32>
    %get3A_31 = arith.constant 2 : index
    %get3A_32 = arith.constant 0 : index
    %get3A_33 = arith.constant 0 : index
    %get3A_34 = vector.load %arg2[%get3A_31, %get3A_32, %get3A_33] : memref<3x256x64xf32, #tpu.memory_space<vmem>>, vector<1x256x64xf32>
    %get3A_35 = vector.shape_cast %get3A_34 : vector<1x256x64xf32> to vector<256x64xf32>
    %dot_general3A_36 = arith.constant dense<0.000000e+00> : vector<512x64xf32>
    %dot_general3A_37 = tpu.matmul %get3A_17, %get3A_35, %dot_general3A_36 {dimension_numbers = #tpu.dot_dimension_numbers<[1], [0], [0], [1], [0, 0, 1, 1], [], []>, transpose_lhs_hint = false} : vector<512x256xf32>, vector<256x64xf32>, vector<512x64xf32> -> vector<512x64xf32>
    %concatenate3A_38 = tpu.concatenate %dot_general3A_23, %dot_general3A_30, %dot_general3A_37 in 0 : vector<512x64xf32>, vector<512x64xf32>, vector<512x64xf32> -> vector<1536x64xf32>
    %broadcast_in_dim3A = arith.constant 0.000000e+00 : f32
    %broadcast_in_dim3A_39 = vector.broadcast %broadcast_in_dim3A : f32 to vector<512x64xf32>
    %convert_element_type3A_40 = arith.truncf %concatenate3A_38 : vector<1536x64xf32> to vector<1536x64xbf16>
    %convert_element_type3A_41 = arith.extf %convert_element_type3A_40 : vector<1536x64xbf16> to vector<1536x64xf32>
    %sub3A = arith.subf %concatenate3A_38, %convert_element_type3A_41 : vector<1536x64xf32>
    %dot_general3A_42 = arith.constant dense<0.000000e+00> : vector<512x64xf32>
    %dot_general3A_43 = tpu.matmul %convert_element_type3A, %convert_element_type3A_40, %dot_general3A_42 {dimension_numbers = #tpu.dot_dimension_numbers<[1], [0], [0], [1], [0, 0, 1, 1], [], []>, transpose_lhs_hint = false} : vector<512x1536xbf16>, vector<1536x64xbf16>, vector<512x64xf32> -> vector<512x64xf32>
    %add3A_44 = arith.addf %broadcast_in_dim3A_39, %dot_general3A_43 : vector<512x64xf32>
    %convert_element_type3A_45 = arith.truncf %sub3A : vector<1536x64xf32> to vector<1536x64xbf16>
    %convert_element_type3A_46 = arith.extf %convert_element_type3A_45 : vector<1536x64xbf16> to vector<1536x64xf32>
    %sub3A_47 = arith.subf %sub3A, %convert_element_type3A_46 : vector<1536x64xf32>
    %dot_general3A_48 = arith.constant dense<0.000000e+00> : vector<512x64xf32>
    %dot_general3A_49 = tpu.matmul %convert_element_type3A, %convert_element_type3A_45, %dot_general3A_48 {dimension_numbers = #tpu.dot_dimension_numbers<[1], [0], [0], [1], [0, 0, 1, 1], [], []>, transpose_lhs_hint = false} : vector<512x1536xbf16>, vector<1536x64xbf16>, vector<512x64xf32> -> vector<512x64xf32>
    %add3A_50 = arith.addf %add3A_44, %dot_general3A_49 : vector<512x64xf32>
    %convert_element_type3A_51 = arith.truncf %sub3A_47 : vector<1536x64xf32> to vector<1536x64xbf16>
    %dot_general3A_52 = arith.constant dense<0.000000e+00> : vector<512x64xf32>
    %dot_general3A_53 = tpu.matmul %convert_element_type3A, %convert_element_type3A_51, %dot_general3A_52 {dimension_numbers = #tpu.dot_dimension_numbers<[1], [0], [0], [1], [0, 0, 1, 1], [], []>, transpose_lhs_hint = false} : vector<512x1536xbf16>, vector<1536x64xbf16>, vector<512x64xf32> -> vector<512x64xf32>
    %add3A_54 = arith.addf %add3A_50, %dot_general3A_53 : vector<512x64xf32>
    %get3A_55 = arith.constant 0 : index
    %get3A_56 = arith.constant 0 : index
    %get3A_57 = vector.load %arg3[%get3A_55, %get3A_56] : memref<256x64xf32, #tpu.memory_space<vmem>>, vector<256x64xf32>
    %dot_general3A_58 = arith.constant dense<0.000000e+00> : vector<512x64xf32>
    %dot_general3A_59 = tpu.matmul %get3A_17, %get3A_57, %dot_general3A_58 {dimension_numbers = #tpu.dot_dimension_numbers<[1], [0], [0], [1], [0, 0, 1, 1], [], []>, transpose_lhs_hint = false} : vector<512x256xf32>, vector<256x64xf32>, vector<512x64xf32> -> vector<512x64xf32>
    %add3A_60 = arith.addf %add3A_54, %dot_general3A_59 : vector<512x64xf32>
    %get3A_61 = arith.constant 0 : index
    %get3A_62 = arith.constant 0 : index
    %get3A_63 = vector.load %arg5[%get3A_61, %get3A_62] : memref<320x64xf32, #tpu.memory_space<vmem>>, vector<256x64xf32>
    %dot_general3A_64 = arith.constant dense<0.000000e+00> : vector<512x64xf32>
    %dot_general3A_65 = tpu.matmul %get3A_17, %get3A_63, %dot_general3A_64 {dimension_numbers = #tpu.dot_dimension_numbers<[1], [0], [0], [1], [0, 0, 1, 1], [], []>, transpose_lhs_hint = false} : vector<512x256xf32>, vector<256x64xf32>, vector<512x64xf32> -> vector<512x64xf32>
    %get3A_66 = arith.constant 256 : index
    %get3A_67 = arith.constant 0 : index
    %get3A_68 = vector.load %arg5[%get3A_66, %get3A_67] : memref<320x64xf32, #tpu.memory_space<vmem>>, vector<64x64xf32>
    %dot_general3A_69 = arith.constant dense<0.000000e+00> : vector<512x64xf32>
    %dot_general3A_70 = tpu.matmul %add3A_60, %get3A_68, %dot_general3A_69 {dimension_numbers = #tpu.dot_dimension_numbers<[1], [0], [0], [1], [0, 0, 1, 1], [], []>, transpose_lhs_hint = false} : vector<512x64xf32>, vector<64x64xf32>, vector<512x64xf32> -> vector<512x64xf32>
    %add3A_71 = arith.addf %dot_general3A_65, %dot_general3A_70 : vector<512x64xf32>
    %get3A_72 = arith.constant 0 : index
    %get3A_73 = vector.load %arg6[%get3A_72] : memref<64xf32, #tpu.memory_space<vmem>>, vector<64xf32>
    %broadcast_in_dim3A_74 = vector.shape_cast %get3A_73 : vector<64xf32> to vector<1x64xf32>
    %add3A_75 = vector.broadcast %broadcast_in_dim3A_74 : vector<1x64xf32> to vector<512x64xf32>
    %add3A_76 = arith.addf %add3A_71, %add3A_75 : vector<512x64xf32>
    %logistic3A = arith.negf %add3A_76 : vector<512x64xf32>
    %logistic3A_77 = math.exp %logistic3A : vector<512x64xf32>
    %logistic3A_78 = arith.constant 1.000000e+00 : f32
    %logistic3A_79 = vector.broadcast %logistic3A_78 : f32 to vector<512x64xf32>
    %logistic3A_80 = arith.addf %logistic3A_79, %logistic3A_77 : vector<512x64xf32>
    %logistic3A_81 = arith.divf %logistic3A_79, %logistic3A_80 : vector<512x64xf32>
    %ge3A = arith.constant 0.000000e+00 : f32
    %ge3A_82 = vector.broadcast %ge3A : f32 to vector<512x64xf32>
    %ge3A_83 = arith.cmpf oge, %add3A_60, %ge3A_82 : vector<512x64xf32>
    %mul3A = arith.constant 0.00999999977 : f32
    %mul3A_84 = vector.broadcast %mul3A : f32 to vector<512x64xf32>
    %mul3A_85 = arith.mulf %mul3A_84, %add3A_60 : vector<512x64xf32>
    %select_n3A = arith.select %ge3A_83, %add3A_60, %mul3A_85 : vector<512x64xi1>, vector<512x64xf32>
    %mul3A_86 = arith.mulf %logistic3A_81, %select_n3A : vector<512x64xf32>
    %sub3A_87 = arith.constant 1.000000e+00 : f32
    %sub3A_88 = vector.broadcast %sub3A_87 : f32 to vector<512x64xf32>
    %sub3A_89 = arith.subf %sub3A_88, %logistic3A_81 : vector<512x64xf32>
    %get3A_90 = arith.constant 0 : index
    %get3A_91 = arith.constant 0 : index
    %get3A_92 = vector.load %arg4[%get3A_90, %get3A_91] : memref<256x64xf32, #tpu.memory_space<vmem>>, vector<256x64xf32>
    %dot_general3A_93 = arith.constant dense<0.000000e+00> : vector<512x64xf32>
    %dot_general3A_94 = tpu.matmul %get3A_17, %get3A_92, %dot_general3A_93 {dimension_numbers = #tpu.dot_dimension_numbers<[1], [0], [0], [1], [0, 0, 1, 1], [], []>, transpose_lhs_hint = false} : vector<512x256xf32>, vector<256x64xf32>, vector<512x64xf32> -> vector<512x64xf32>
    %mul3A_95 = arith.mulf %sub3A_89, %dot_general3A_94 : vector<512x64xf32>
    %add3A_96 = arith.addf %mul3A_86, %mul3A_95 : vector<512x64xf32>
    %get3A_97 = arith.constant 0 : index
    %get3A_98 = arith.constant 0 : index
    %get3A_99 = arith.constant 0 : index
    %get3A_100 = vector.load %arg7[%get3A_97, %get3A_98, %get3A_99] : memref<3x64x64xf32, #tpu.memory_space<vmem>>, vector<1x64x64xf32>
    %get3A_101 = vector.shape_cast %get3A_100 : vector<1x64x64xf32> to vector<64x64xf32>
    %dot_general3A_102 = arith.constant dense<0.000000e+00> : vector<512x64xf32>
    %dot_general3A_103 = tpu.matmul %add3A_96, %get3A_101, %dot_general3A_102 {dimension_numbers = #tpu.dot_dimension_numbers<[1], [0], [0], [1], [0, 0, 1, 1], [], []>, transpose_lhs_hint = false} : vector<512x64xf32>, vector<64x64xf32>, vector<512x64xf32> -> vector<512x64xf32>
    %get3A_104 = arith.constant 1 : index
    %get3A_105 = arith.constant 0 : index
    %get3A_106 = arith.constant 0 : index
    %get3A_107 = vector.load %arg7[%get3A_104, %get3A_105, %get3A_106] : memref<3x64x64xf32, #tpu.memory_space<vmem>>, vector<1x64x64xf32>
    %get3A_108 = vector.shape_cast %get3A_107 : vector<1x64x64xf32> to vector<64x64xf32>
    %dot_general3A_109 = arith.constant dense<0.000000e+00> : vector<512x64xf32>
    %dot_general3A_110 = tpu.matmul %add3A_96, %get3A_108, %dot_general3A_109 {dimension_numbers = #tpu.dot_dimension_numbers<[1], [0], [0], [1], [0, 0, 1, 1], [], []>, transpose_lhs_hint = false} : vector<512x64xf32>, vector<64x64xf32>, vector<512x64xf32> -> vector<512x64xf32>
    %get3A_111 = arith.constant 2 : index
    %get3A_112 = arith.constant 0 : index
    %get3A_113 = arith.constant 0 : index
    %get3A_114 = vector.load %arg7[%get3A_111, %get3A_112, %get3A_113] : memref<3x64x64xf32, #tpu.memory_space<vmem>>, vector<1x64x64xf32>
    %get3A_115 = vector.shape_cast %get3A_114 : vector<1x64x64xf32> to vector<64x64xf32>
    %dot_general3A_116 = arith.constant dense<0.000000e+00> : vector<512x64xf32>
    %dot_general3A_117 = tpu.matmul %add3A_96, %get3A_115, %dot_general3A_116 {dimension_numbers = #tpu.dot_dimension_numbers<[1], [0], [0], [1], [0, 0, 1, 1], [], []>, transpose_lhs_hint = false} : vector<512x64xf32>, vector<64x64xf32>, vector<512x64xf32> -> vector<512x64xf32>
    %concatenate3A_118 = tpu.concatenate %dot_general3A_103, %dot_general3A_110, %dot_general3A_117 in 0 : vector<512x64xf32>, vector<512x64xf32>, vector<512x64xf32> -> vector<1536x64xf32>
    %broadcast_in_dim3A_119 = arith.constant 0.000000e+00 : f32
    %broadcast_in_dim3A_120 = vector.broadcast %broadcast_in_dim3A_119 : f32 to vector<512x64xf32>
    %convert_element_type3A_121 = arith.truncf %concatenate3A_118 : vector<1536x64xf32> to vector<1536x64xbf16>
    %convert_element_type3A_122 = arith.extf %convert_element_type3A_121 : vector<1536x64xbf16> to vector<1536x64xf32>
    %sub3A_123 = arith.subf %concatenate3A_118, %convert_element_type3A_122 : vector<1536x64xf32>
    %dot_general3A_124 = arith.constant dense<0.000000e+00> : vector<512x64xf32>
    %dot_general3A_125 = tpu.matmul %convert_element_type3A, %convert_element_type3A_121, %dot_general3A_124 {dimension_numbers = #tpu.dot_dimension_numbers<[1], [0], [0], [1], [0, 0, 1, 1], [], []>, transpose_lhs_hint = false} : vector<512x1536xbf16>, vector<1536x64xbf16>, vector<512x64xf32> -> vector<512x64xf32>
    %add3A_126 = arith.addf %broadcast_in_dim3A_120, %dot_general3A_125 : vector<512x64xf32>
    %convert_element_type3A_127 = arith.truncf %sub3A_123 : vector<1536x64xf32> to vector<1536x64xbf16>
    %convert_element_type3A_128 = arith.extf %convert_element_type3A_127 : vector<1536x64xbf16> to vector<1536x64xf32>
    %sub3A_129 = arith.subf %sub3A_123, %convert_element_type3A_128 : vector<1536x64xf32>
    %dot_general3A_130 = arith.constant dense<0.000000e+00> : vector<512x64xf32>
    %dot_general3A_131 = tpu.matmul %convert_element_type3A, %convert_element_type3A_127, %dot_general3A_130 {dimension_numbers = #tpu.dot_dimension_numbers<[1], [0], [0], [1], [0, 0, 1, 1], [], []>, transpose_lhs_hint = false} : vector<512x1536xbf16>, vector<1536x64xbf16>, vector<512x64xf32> -> vector<512x64xf32>
    %add3A_132 = arith.addf %add3A_126, %dot_general3A_131 : vector<512x64xf32>
    %convert_element_type3A_133 = arith.truncf %sub3A_129 : vector<1536x64xf32> to vector<1536x64xbf16>
    %dot_general3A_134 = arith.constant dense<0.000000e+00> : vector<512x64xf32>
    %dot_general3A_135 = tpu.matmul %convert_element_type3A, %convert_element_type3A_133, %dot_general3A_134 {dimension_numbers = #tpu.dot_dimension_numbers<[1], [0], [0], [1], [0, 0, 1, 1], [], []>, transpose_lhs_hint = false} : vector<512x1536xbf16>, vector<1536x64xbf16>, vector<512x64xf32> -> vector<512x64xf32>
    %add3A_136 = arith.addf %add3A_132, %dot_general3A_135 : vector<512x64xf32>
    %get3A_137 = arith.constant 0 : index
    %get3A_138 = arith.constant 0 : index
    %get3A_139 = vector.load %arg8[%get3A_137, %get3A_138] : memref<64x64xf32, #tpu.memory_space<vmem>>, vector<64x64xf32>
    %dot_general3A_140 = arith.constant dense<0.000000e+00> : vector<512x64xf32>
    %dot_general3A_141 = tpu.matmul %add3A_96, %get3A_139, %dot_general3A_140 {dimension_numbers = #tpu.dot_dimension_numbers<[1], [0], [0], [1], [0, 0, 1, 1], [], []>, transpose_lhs_hint = false} : vector<512x64xf32>, vector<64x64xf32>, vector<512x64xf32> -> vector<512x64xf32>
    %add3A_142 = arith.addf %add3A_136, %dot_general3A_141 : vector<512x64xf32>
    %get3A_143 = arith.constant 0 : index
    %get3A_144 = arith.constant 0 : index
    %get3A_145 = vector.load %arg10[%get3A_143, %get3A_144] : memref<128x64xf32, #tpu.memory_space<vmem>>, vector<64x64xf32>
    %dot_general3A_146 = arith.constant dense<0.000000e+00> : vector<512x64xf32>
    %dot_general3A_147 = tpu.matmul %add3A_96, %get3A_145, %dot_general3A_146 {dimension_numbers = #tpu.dot_dimension_numbers<[1], [0], [0], [1], [0, 0, 1, 1], [], []>, transpose_lhs_hint = false} : vector<512x64xf32>, vector<64x64xf32>, vector<512x64xf32> -> vector<512x64xf32>
    %get3A_148 = arith.constant 64 : index
    %get3A_149 = arith.constant 0 : index
    %get3A_150 = vector.load %arg10[%get3A_148, %get3A_149] : memref<128x64xf32, #tpu.memory_space<vmem>>, vector<64x64xf32>
    %dot_general3A_151 = arith.constant dense<0.000000e+00> : vector<512x64xf32>
    %dot_general3A_152 = tpu.matmul %add3A_142, %get3A_150, %dot_general3A_151 {dimension_numbers = #tpu.dot_dimension_numbers<[1], [0], [0], [1], [0, 0, 1, 1], [], []>, transpose_lhs_hint = false} : vector<512x64xf32>, vector<64x64xf32>, vector<512x64xf32> -> vector<512x64xf32>
    %add3A_153 = arith.addf %dot_general3A_147, %dot_general3A_152 : vector<512x64xf32>
    %get3A_154 = arith.constant 0 : index
    %get3A_155 = vector.load %arg11[%get3A_154] : memref<64xf32, #tpu.memory_space<vmem>>, vector<64xf32>
    %broadcast_in_dim3A_156 = vector.shape_cast %get3A_155 : vector<64xf32> to vector<1x64xf32>
    %add3A_157 = vector.broadcast %broadcast_in_dim3A_156 : vector<1x64xf32> to vector<512x64xf32>
    %add3A_158 = arith.addf %add3A_153, %add3A_157 : vector<512x64xf32>
    %logistic3A_159 = arith.negf %add3A_158 : vector<512x64xf32>
    %logistic3A_160 = math.exp %logistic3A_159 : vector<512x64xf32>
    %logistic3A_161 = arith.constant 1.000000e+00 : f32
    %logistic3A_162 = vector.broadcast %logistic3A_161 : f32 to vector<512x64xf32>
    %logistic3A_163 = arith.addf %logistic3A_162, %logistic3A_160 : vector<512x64xf32>
    %logistic3A_164 = arith.divf %logistic3A_162, %logistic3A_163 : vector<512x64xf32>
    %ge3A_165 = arith.constant 0.000000e+00 : f32
    %ge3A_166 = vector.broadcast %ge3A_165 : f32 to vector<512x64xf32>
    %ge3A_167 = arith.cmpf oge, %add3A_142, %ge3A_166 : vector<512x64xf32>
    %mul3A_168 = arith.constant 0.00999999977 : f32
    %mul3A_169 = vector.broadcast %mul3A_168 : f32 to vector<512x64xf32>
    %mul3A_170 = arith.mulf %mul3A_169, %add3A_142 : vector<512x64xf32>
    %select_n3A_171 = arith.select %ge3A_167, %add3A_142, %mul3A_170 : vector<512x64xi1>, vector<512x64xf32>
    %mul3A_172 = arith.mulf %logistic3A_164, %select_n3A_171 : vector<512x64xf32>
    %sub3A_173 = arith.constant 1.000000e+00 : f32
    %sub3A_174 = vector.broadcast %sub3A_173 : f32 to vector<512x64xf32>
    %sub3A_175 = arith.subf %sub3A_174, %logistic3A_164 : vector<512x64xf32>
    %get3A_176 = arith.constant 0 : index
    %get3A_177 = arith.constant 0 : index
    %get3A_178 = vector.load %arg9[%get3A_176, %get3A_177] : memref<64x64xf32, #tpu.memory_space<vmem>>, vector<64x64xf32>
    %dot_general3A_179 = arith.constant dense<0.000000e+00> : vector<512x64xf32>
    %dot_general3A_180 = tpu.matmul %add3A_96, %get3A_178, %dot_general3A_179 {dimension_numbers = #tpu.dot_dimension_numbers<[1], [0], [0], [1], [0, 0, 1, 1], [], []>, transpose_lhs_hint = false} : vector<512x64xf32>, vector<64x64xf32>, vector<512x64xf32> -> vector<512x64xf32>
    %mul3A_181 = arith.mulf %sub3A_175, %dot_general3A_180 : vector<512x64xf32>
    %add3A_182 = arith.addf %mul3A_172, %mul3A_181 : vector<512x64xf32>
    %get3A_183 = arith.constant 0 : index
    %get3A_184 = arith.constant 0 : index
    %get3A_185 = arith.constant 0 : index
    %get3A_186 = vector.load %arg12[%get3A_183, %get3A_184, %get3A_185] : memref<3x64x64xf32, #tpu.memory_space<vmem>>, vector<1x64x64xf32>
    %get3A_187 = vector.shape_cast %get3A_186 : vector<1x64x64xf32> to vector<64x64xf32>
    %dot_general3A_188 = arith.constant dense<0.000000e+00> : vector<512x64xf32>
    %dot_general3A_189 = tpu.matmul %add3A_182, %get3A_187, %dot_general3A_188 {dimension_numbers = #tpu.dot_dimension_numbers<[1], [0], [0], [1], [0, 0, 1, 1], [], []>, transpose_lhs_hint = false} : vector<512x64xf32>, vector<64x64xf32>, vector<512x64xf32> -> vector<512x64xf32>
    %get3A_190 = arith.constant 1 : index
    %get3A_191 = arith.constant 0 : index
    %get3A_192 = arith.constant 0 : index
    %get3A_193 = vector.load %arg12[%get3A_190, %get3A_191, %get3A_192] : memref<3x64x64xf32, #tpu.memory_space<vmem>>, vector<1x64x64xf32>
    %get3A_194 = vector.shape_cast %get3A_193 : vector<1x64x64xf32> to vector<64x64xf32>
    %dot_general3A_195 = arith.constant dense<0.000000e+00> : vector<512x64xf32>
    %dot_general3A_196 = tpu.matmul %add3A_182, %get3A_194, %dot_general3A_195 {dimension_numbers = #tpu.dot_dimension_numbers<[1], [0], [0], [1], [0, 0, 1, 1], [], []>, transpose_lhs_hint = false} : vector<512x64xf32>, vector<64x64xf32>, vector<512x64xf32> -> vector<512x64xf32>
    %get3A_197 = arith.constant 2 : index
    %get3A_198 = arith.constant 0 : index
    %get3A_199 = arith.constant 0 : index
    %get3A_200 = vector.load %arg12[%get3A_197, %get3A_198, %get3A_199] : memref<3x64x64xf32, #tpu.memory_space<vmem>>, vector<1x64x64xf32>
    %get3A_201 = vector.shape_cast %get3A_200 : vector<1x64x64xf32> to vector<64x64xf32>
    %dot_general3A_202 = arith.constant dense<0.000000e+00> : vector<512x64xf32>
    %dot_general3A_203 = tpu.matmul %add3A_182, %get3A_201, %dot_general3A_202 {dimension_numbers = #tpu.dot_dimension_numbers<[1], [0], [0], [1], [0, 0, 1, 1], [], []>, transpose_lhs_hint = false} : vector<512x64xf32>, vector<64x64xf32>, vector<512x64xf32> -> vector<512x64xf32>
    %concatenate3A_204 = tpu.concatenate %dot_general3A_189, %dot_general3A_196, %dot_general3A_203 in 0 : vector<512x64xf32>, vector<512x64xf32>, vector<512x64xf32> -> vector<1536x64xf32>
    %broadcast_in_dim3A_205 = arith.constant 0.000000e+00 : f32
    %broadcast_in_dim3A_206 = vector.broadcast %broadcast_in_dim3A_205 : f32 to vector<512x64xf32>
    %convert_element_type3A_207 = arith.truncf %concatenate3A_204 : vector<1536x64xf32> to vector<1536x64xbf16>
    %convert_element_type3A_208 = arith.extf %convert_element_type3A_207 : vector<1536x64xbf16> to vector<1536x64xf32>
    %sub3A_209 = arith.subf %concatenate3A_204, %convert_element_type3A_208 : vector<1536x64xf32>
    %dot_general3A_210 = arith.constant dense<0.000000e+00> : vector<512x64xf32>
    %dot_general3A_211 = tpu.matmul %convert_element_type3A, %convert_element_type3A_207, %dot_general3A_210 {dimension_numbers = #tpu.dot_dimension_numbers<[1], [0], [0], [1], [0, 0, 1, 1], [], []>, transpose_lhs_hint = false} : vector<512x1536xbf16>, vector<1536x64xbf16>, vector<512x64xf32> -> vector<512x64xf32>
    %add3A_212 = arith.addf %broadcast_in_dim3A_206, %dot_general3A_211 : vector<512x64xf32>
    %convert_element_type3A_213 = arith.truncf %sub3A_209 : vector<1536x64xf32> to vector<1536x64xbf16>
    %convert_element_type3A_214 = arith.extf %convert_element_type3A_213 : vector<1536x64xbf16> to vector<1536x64xf32>
    %sub3A_215 = arith.subf %sub3A_209, %convert_element_type3A_214 : vector<1536x64xf32>
    %dot_general3A_216 = arith.constant dense<0.000000e+00> : vector<512x64xf32>
    %dot_general3A_217 = tpu.matmul %convert_element_type3A, %convert_element_type3A_213, %dot_general3A_216 {dimension_numbers = #tpu.dot_dimension_numbers<[1], [0], [0], [1], [0, 0, 1, 1], [], []>, transpose_lhs_hint = false} : vector<512x1536xbf16>, vector<1536x64xbf16>, vector<512x64xf32> -> vector<512x64xf32>
    %add3A_218 = arith.addf %add3A_212, %dot_general3A_217 : vector<512x64xf32>
    %convert_element_type3A_219 = arith.truncf %sub3A_215 : vector<1536x64xf32> to vector<1536x64xbf16>
    %dot_general3A_220 = arith.constant dense<0.000000e+00> : vector<512x64xf32>
    %dot_general3A_221 = tpu.matmul %convert_element_type3A, %convert_element_type3A_219, %dot_general3A_220 {dimension_numbers = #tpu.dot_dimension_numbers<[1], [0], [0], [1], [0, 0, 1, 1], [], []>, transpose_lhs_hint = false} : vector<512x1536xbf16>, vector<1536x64xbf16>, vector<512x64xf32> -> vector<512x64xf32>
    %add3A_222 = arith.addf %add3A_218, %dot_general3A_221 : vector<512x64xf32>
    %get3A_223 = arith.constant 0 : index
    %get3A_224 = arith.constant 0 : index
    %get3A_225 = vector.load %arg13[%get3A_223, %get3A_224] : memref<64x64xf32, #tpu.memory_space<vmem>>, vector<64x64xf32>
    %dot_general3A_226 = arith.constant dense<0.000000e+00> : vector<512x64xf32>
    %dot_general3A_227 = tpu.matmul %add3A_182, %get3A_225, %dot_general3A_226 {dimension_numbers = #tpu.dot_dimension_numbers<[1], [0], [0], [1], [0, 0, 1, 1], [], []>, transpose_lhs_hint = false} : vector<512x64xf32>, vector<64x64xf32>, vector<512x64xf32> -> vector<512x64xf32>
    %add3A_228 = arith.addf %add3A_222, %dot_general3A_227 : vector<512x64xf32>
    %get3A_229 = arith.constant 0 : index
    %get3A_230 = arith.constant 0 : index
    %get3A_231 = vector.load %arg15[%get3A_229, %get3A_230] : memref<128x64xf32, #tpu.memory_space<vmem>>, vector<64x64xf32>
    %dot_general3A_232 = arith.constant dense<0.000000e+00> : vector<512x64xf32>
    %dot_general3A_233 = tpu.matmul %add3A_182, %get3A_231, %dot_general3A_232 {dimension_numbers = #tpu.dot_dimension_numbers<[1], [0], [0], [1], [0, 0, 1, 1], [], []>, transpose_lhs_hint = false} : vector<512x64xf32>, vector<64x64xf32>, vector<512x64xf32> -> vector<512x64xf32>
    %get3A_234 = arith.constant 64 : index
    %get3A_235 = arith.constant 0 : index
    %get3A_236 = vector.load %arg15[%get3A_234, %get3A_235] : memref<128x64xf32, #tpu.memory_space<vmem>>, vector<64x64xf32>
    %dot_general3A_237 = arith.constant dense<0.000000e+00> : vector<512x64xf32>
    %dot_general3A_238 = tpu.matmul %add3A_228, %get3A_236, %dot_general3A_237 {dimension_numbers = #tpu.dot_dimension_numbers<[1], [0], [0], [1], [0, 0, 1, 1], [], []>, transpose_lhs_hint = false} : vector<512x64xf32>, vector<64x64xf32>, vector<512x64xf32> -> vector<512x64xf32>
    %add3A_239 = arith.addf %dot_general3A_233, %dot_general3A_238 : vector<512x64xf32>
    %get3A_240 = arith.constant 0 : index
    %get3A_241 = vector.load %arg16[%get3A_240] : memref<64xf32, #tpu.memory_space<vmem>>, vector<64xf32>
    %broadcast_in_dim3A_242 = vector.shape_cast %get3A_241 : vector<64xf32> to vector<1x64xf32>
    %add3A_243 = vector.broadcast %broadcast_in_dim3A_242 : vector<1x64xf32> to vector<512x64xf32>
    %add3A_244 = arith.addf %add3A_239, %add3A_243 : vector<512x64xf32>
    %logistic3A_245 = arith.negf %add3A_244 : vector<512x64xf32>
    %logistic3A_246 = math.exp %logistic3A_245 : vector<512x64xf32>
    %logistic3A_247 = arith.constant 1.000000e+00 : f32
    %logistic3A_248 = vector.broadcast %logistic3A_247 : f32 to vector<512x64xf32>
    %logistic3A_249 = arith.addf %logistic3A_248, %logistic3A_246 : vector<512x64xf32>
    %logistic3A_250 = arith.divf %logistic3A_248, %logistic3A_249 : vector<512x64xf32>
    %ge3A_251 = arith.constant 0.000000e+00 : f32
    %ge3A_252 = vector.broadcast %ge3A_251 : f32 to vector<512x64xf32>
    %ge3A_253 = arith.cmpf oge, %add3A_228, %ge3A_252 : vector<512x64xf32>
    %mul3A_254 = arith.constant 0.00999999977 : f32
    %mul3A_255 = vector.broadcast %mul3A_254 : f32 to vector<512x64xf32>
    %mul3A_256 = arith.mulf %mul3A_255, %add3A_228 : vector<512x64xf32>
    %select_n3A_257 = arith.select %ge3A_253, %add3A_228, %mul3A_256 : vector<512x64xi1>, vector<512x64xf32>
    %mul3A_258 = arith.mulf %logistic3A_250, %select_n3A_257 : vector<512x64xf32>
    %sub3A_259 = arith.constant 1.000000e+00 : f32
    %sub3A_260 = vector.broadcast %sub3A_259 : f32 to vector<512x64xf32>
    %sub3A_261 = arith.subf %sub3A_260, %logistic3A_250 : vector<512x64xf32>
    %get3A_262 = arith.constant 0 : index
    %get3A_263 = arith.constant 0 : index
    %get3A_264 = vector.load %arg14[%get3A_262, %get3A_263] : memref<64x64xf32, #tpu.memory_space<vmem>>, vector<64x64xf32>
    %dot_general3A_265 = arith.constant dense<0.000000e+00> : vector<512x64xf32>
    %dot_general3A_266 = tpu.matmul %add3A_182, %get3A_264, %dot_general3A_265 {dimension_numbers = #tpu.dot_dimension_numbers<[1], [0], [0], [1], [0, 0, 1, 1], [], []>, transpose_lhs_hint = false} : vector<512x64xf32>, vector<64x64xf32>, vector<512x64xf32> -> vector<512x64xf32>
    %mul3A_267 = arith.mulf %sub3A_261, %dot_general3A_266 : vector<512x64xf32>
    %add3A_268 = arith.addf %mul3A_258, %mul3A_267 : vector<512x64xf32>
    %get3A_269 = arith.constant 0 : index
    %get3A_270 = arith.constant 0 : index
    %get3A_271 = vector.load %arg17[%get3A_269, %get3A_270] : memref<256x64xf32, #tpu.memory_space<vmem>>, vector<256x64xf32>
    %dot_general3A_272 = arith.constant dense<0.000000e+00> : vector<512x64xf32>
    %dot_general3A_273 = tpu.matmul %get3A_17, %get3A_271, %dot_general3A_272 {dimension_numbers = #tpu.dot_dimension_numbers<[1], [0], [0], [1], [0, 0, 1, 1], [], []>, transpose_lhs_hint = false} : vector<512x256xf32>, vector<256x64xf32>, vector<512x64xf32> -> vector<512x64xf32>
    %get3A_274 = arith.constant 0 : index
    %get3A_275 = vector.load %arg18[%get3A_274] : memref<64xf32, #tpu.memory_space<vmem>>, vector<64xf32>
    %broadcast_in_dim3A_276 = vector.shape_cast %get3A_275 : vector<64xf32> to vector<1x64xf32>
    %add3A_277 = vector.broadcast %broadcast_in_dim3A_276 : vector<1x64xf32> to vector<512x64xf32>
    %add3A_278 = arith.addf %dot_general3A_273, %add3A_277 : vector<512x64xf32>
    %ge3A_279 = arith.constant 0.000000e+00 : f32
    %ge3A_280 = vector.broadcast %ge3A_279 : f32 to vector<512x64xf32>
    %ge3A_281 = arith.cmpf oge, %add3A_278, %ge3A_280 : vector<512x64xf32>
    %mul3A_282 = arith.constant 0.00999999977 : f32
    %mul3A_283 = vector.broadcast %mul3A_282 : f32 to vector<512x64xf32>
    %mul3A_284 = arith.mulf %mul3A_283, %add3A_278 : vector<512x64xf32>
    %select_n3A_285 = arith.select %ge3A_281, %add3A_278, %mul3A_284 : vector<512x64xi1>, vector<512x64xf32>
    %concatenate3A_286 = tpu.concatenate %add3A_268, %select_n3A_285 in 1 : vector<512x64xf32>, vector<512x64xf32> -> vector<512x128xf32>
    %swap3A = arith.constant 0 : index
    %swap3A_287 = arith.constant 0 : index
    %swap3A_288 = vector.load %arg19[%swap3A, %swap3A_287] : memref<512x128xf32, #tpu.memory_space<vmem>>, vector<512x128xf32>
    tpu.vector_store %arg19[%swap3A, %swap3A_287], %concatenate3A_286 {strides = array<i32>} : memref<512x128xf32, #tpu.memory_space<vmem>>, vector<512x128xf32>,
    return
  }
}

module attributes {stable_mosaic.version = 14 : i64} {
  func.func @_fc2_kernel(%arg0: i32, %arg1: memref<1x2048xf32, #tpu.memory_space<vmem>>, %arg2: memref<2048x1024xf32, #tpu.memory_space<vmem>>, %arg3: memref<1x1024xf32, #tpu.memory_space<vmem>>, %arg4: memref<1x1024xf32, #tpu.memory_space<vmem>>) attributes {dimension_semantics = [#tpu.dimension_semantics<arbitrary>], iteration_bounds = array<i64: 32>, scalar_prefetch = 0 : i64, scratch_operands = 0 : i64, tpu.core_type = #tpu.core_type<tc>, window_params = [{transform_indices = @transform_0, window_bounds = array<i64: 1, 2048>}, {transform_indices = @transform_1, window_bounds = array<i64: 2048, 1024>}, {pipeline_mode = #tpu.pipeline_mode<synchronous>, transform_indices = @transform_2, window_bounds = array<i64: 1, 1024>}, {pipeline_mode = #tpu.pipeline_mode<synchronous>, transform_indices = @transform_3, window_bounds = array<i64: 1, 1024>}]} {
    %eq3A = arith.constant 0 : i32
    %eq3A_0 = arith.cmpi eq, %arg0, %eq3A : i32
    %convert_element_type3A = arith.extui %eq3A_0 : i1 to i32
    %cond3A = arith.constant 0 : i32
    %cond3A_1 = arith.cmpi ne, %convert_element_type3A, %cond3A : i32
    scf.if %cond3A_1 {
      %broadcast_in_dim3A = arith.constant 0.000000e+00 : f32
      %broadcast_in_dim3A_18 = vector.broadcast %broadcast_in_dim3A : f32 to vector<1x1024xf32>
      %swap3A_19 = arith.constant 0 : index
      %swap3A_20 = arith.constant 0 : index
      %swap3A_21 = vector.load %arg4[%swap3A_19, %swap3A_20] : memref<1x1024xf32, #tpu.memory_space<vmem>>, vector<1x1024xf32>
      tpu.vector_store %arg4[%swap3A_19, %swap3A_20], %broadcast_in_dim3A_18 {strides = array<i32>} : memref<1x1024xf32, #tpu.memory_space<vmem>>, vector<1x1024xf32>,
    } else {
    }
    %get3A = arith.constant 0 : index
    %get3A_2 = arith.constant 0 : index
    %get3A_3 = vector.load %arg4[%get3A, %get3A_2] : memref<1x1024xf32, #tpu.memory_space<vmem>>, vector<1x1024xf32>
    %get3A_4 = arith.constant 0 : index
    %get3A_5 = arith.constant 0 : index
    %get3A_6 = vector.load %arg1[%get3A_4, %get3A_5] : memref<1x2048xf32, #tpu.memory_space<vmem>>, vector<1x2048xf32>
    %get3A_7 = arith.constant 0 : index
    %get3A_8 = arith.constant 0 : index
    %get3A_9 = vector.load %arg2[%get3A_7, %get3A_8] : memref<2048x1024xf32, #tpu.memory_space<vmem>>, vector<2048x1024xf32>
    %dot_general3A = arith.constant dense<0.000000e+00> : vector<1x1024xf32>
    %dot_general3A_10 = tpu.matmul %get3A_6, %get3A_9, %dot_general3A {dimension_numbers = #tpu.dot_dimension_numbers<[1], [0], [0], [1], [0, 0, 1, 1], [], []>, transpose_lhs_hint = false} : vector<1x2048xf32>, vector<2048x1024xf32>, vector<1x1024xf32> -> vector<1x1024xf32>
    %add3A = arith.addf %get3A_3, %dot_general3A_10 : vector<1x1024xf32>
    %swap3A = arith.constant 0 : index
    %swap3A_11 = arith.constant 0 : index
    %swap3A_12 = vector.load %arg4[%swap3A, %swap3A_11] : memref<1x1024xf32, #tpu.memory_space<vmem>>, vector<1x1024xf32>
    tpu.vector_store %arg4[%swap3A, %swap3A_11], %add3A {strides = array<i32>} : memref<1x1024xf32, #tpu.memory_space<vmem>>, vector<1x1024xf32>,
    %eq3A_13 = arith.constant 31 : i32
    %eq3A_14 = arith.cmpi eq, %arg0, %eq3A_13 : i32
    %convert_element_type3A_15 = arith.extui %eq3A_14 : i1 to i32
    %cond3A_16 = arith.constant 0 : i32
    %cond3A_17 = arith.cmpi ne, %convert_element_type3A_15, %cond3A_16 : i32
    scf.if %cond3A_17 {
      %get3A_18 = arith.constant 0 : index
      %get3A_19 = arith.constant 0 : index
      %get3A_20 = vector.load %arg4[%get3A_18, %get3A_19] : memref<1x1024xf32, #tpu.memory_space<vmem>>, vector<1x1024xf32>
      %get3A_21 = arith.constant 0 : index
      %get3A_22 = arith.constant 0 : index
      %get3A_23 = vector.load %arg3[%get3A_21, %get3A_22] : memref<1x1024xf32, #tpu.memory_space<vmem>>, vector<1x1024xf32>
      %add3A_24 = arith.addf %get3A_20, %get3A_23 : vector<1x1024xf32>
      %ge3A = arith.constant 0.000000e+00 : f32
      %ge3A_25 = vector.broadcast %ge3A : f32 to vector<1x1024xf32>
      %ge3A_26 = arith.cmpf oge, %add3A_24, %ge3A_25 : vector<1x1024xf32>
      %mul3A = arith.constant 0.00999999977 : f32
      %mul3A_27 = vector.broadcast %mul3A : f32 to vector<1x1024xf32>
      %mul3A_28 = arith.mulf %mul3A_27, %add3A_24 : vector<1x1024xf32>
      %select_n3A = arith.select %ge3A_26, %add3A_24, %mul3A_28 : vector<1x1024xi1>, vector<1x1024xf32>
      %swap3A_29 = arith.constant 0 : index
      %swap3A_30 = arith.constant 0 : index
      %swap3A_31 = vector.load %arg4[%swap3A_29, %swap3A_30] : memref<1x1024xf32, #tpu.memory_space<vmem>>, vector<1x1024xf32>
      tpu.vector_store %arg4[%swap3A_29, %swap3A_30], %select_n3A {strides = array<i32>} : memref<1x1024xf32, #tpu.memory_space<vmem>>, vector<1x1024xf32>,
    } else {
    }
    return
  }
  func.func @transform_0(%arg0: i32) -> (i32, i32) {
    %c0_i32 = arith.constant 0 : i32
    %c0_i32_0 = arith.constant 0 : i32
    return %c0_i32, %arg0 : i32, i32
  }
  func.func @transform_1(%arg0: i32) -> (i32, i32) {
    %c0_i32 = arith.constant 0 : i32
    %c0_i32_0 = arith.constant 0 : i32
    return %arg0, %c0_i32 : i32, i32
  }
  func.func @transform_2(%arg0: i32) -> (i32, i32) {
    %c0_i32 = arith.constant 0 : i32
    %c0_i32_0 = arith.constant 0 : i32
    %c0_i32_1 = arith.constant 0 : i32
    return %c0_i32, %c0_i32_0 : i32, i32
  }
  func.func @transform_3(%arg0: i32) -> (i32, i32) {
    %c0_i32 = arith.constant 0 : i32
    %c0_i32_0 = arith.constant 0 : i32
    %c0_i32_1 = arith.constant 0 : i32
    return %c0_i32, %c0_i32_0 : i32, i32
  }
}

</mosaic_0001>

<sc_bundles>
// kernel: kernel.5.cloned.1.call-start
scs
__scs_entry_jumppad:
0x0: {  	(pc) =	sbr.rel $0x88, $3  }
0x1: {  	(tag) =	ssettag $0x0;
	lr =	simm.s32 $0x1  }
0x2: {  	[smem:$0x3F8B] =	sst lr;
	_ =	strace $0xD0000000  }
0x3: {  	_ = 	snop  }
0x4: {  	_ = 	snop  }
0x5: {  	_ = 	snop  }
0x6: {  	_ = 	snop  }
0x7: {  	_ = 	snop  }
__scs_overlays_trampoline_lowered:
0x8: {  	[smem:$0x3F9A] =	sst s0  }
0x9: {  	[smem:$0x3F9B] =	sst s1  }
0xa: {  	[smem:$0x3F9C] =	sst s2  }
0xb: {  	[smem:$0x3F9D] =	sst s3  }
0xc: {  	[smem:$0x3F9E] =	sst s4  }
0xd: {  	[smem:$0x3F9F] =	sst s5  }
0xe: {  	[smem:$0x3FA0] =	sst s6  }
0xf: {  	[smem:$0x3FA1] =	sst s7  }
0x10: {  	[smem:$0x3FA2] =	sst s8  }
0x11: {  	[smem:$0x3FA3] =	sst s9;
	s0 =	simm.s32 @!p0 $0x0  }
0x12: {  	s1 =	sld [smem:$0x3F89];
	s0 =	simm.s32 @p0 $0x1  }
0x13: {  	[smem:$0x3FA4] =	sst s0;
	s0 =	simm.s32 @!p1 $0x0  }
0x14: {  	s2 =	sld [smem:$0x3F88];
	s0 =	simm.s32 @p1 $0x1  }
0x15: {  	[smem:$0x3FA5] =	sst s0;
	s0 =	simm.s32 @!p2 $0x0  }
0x16: {  	s3 =	sld [smem:$0x3FDB];
	s0 =	simm.s32 @p2 $0x1  }
0x17: {  	s4 =	simm.s32 $0x1BF5;
	[smem:$0x3FA7] =	sst s0  }
0x18: {  	s0 =	sld [smem:$0x3F8A];
	_ =	swait.ge [sflag:s4], $0x0  }
0x19: {  	s7 =	sld [smem:$0x3F8B]  }
0x1a: {  	s8 =	sadd.s32 $0xFFFFE003, lr  }
0x1b: {  	s9 =	sadd.s32 $0xFFFFFEF7, lr;
	s5 =	simm.s32 $0xFFFFFFFF;
	p2 =	slt.u32 s8, $0xFFFFF086  }
0x1c: {  	p1 =	slt.u32 s9, $0xF7A;
	s5 =	simm.s32 @!p2 $0x0  }
0x1d: {  	s5 =	simm.s32 @p1 $0x1;
	p0 =	seq.s32 s7, s2  }
0x1e: {  	s7 =	smul.u32 @!p0 $0xF7A, s2;
	p2 =	seq.s32 @!p0 s5, $0x0  }
0x1f: {  	s9 =	smul.u32 $0xF7A, s1;
	s8 =	simm.s32 @!p0 $0x1BF5;
	p2 =	por !p2, p0  }
0x20: {  	[sflag:s8] =	ssyncset.s32 @!p0 $0xFFFFF086;
	s6 =	sadd.s32 @!p0 s3, s7;
	s7 =	simm.s32 @!p0 $0x108  }
0x21: {  	s3 =	sadd.s32 s3, s9;
	s6 =	sadd.s32 @!p0 $0x88, s6;
	s7 =	simm.s32 @p2 $0x1082  }
0x22: {  	[simem:s7], [sflag:s8] =	dma.local @!p0 [hbm:s6], $0xF7A  }
0x23: {  	s9 =	sor.u32 $0xD0000000, s2;
	s6 =	simm.s32 $0x108;
	_ =	swait.ge @!p0 [sflag:s8], $0x0  }
0x24: {  	s3 =	sadd.s32 $0x88, s3;
	s6 =	simm.s32 @!p1 $0x1082;
	[sflag:s4] =	ssyncset.s32 $0xFFFFF086  }
0x25: {  	[simem:s6], [sflag:s4] =	dma.local [hbm:s3], $0xF7A  }
0x26: {  	[smem:$0x3F8B] =	sst s1;
	(tag) =	ssettag s2;
	_ =	strace s9  }
0x27: {  	s1 =	sld [smem:$0x3F9B]  }
0x28: {  	s2 =	sld [smem:$0x3F9C]  }
0x29: {  	s4 =	sld [smem:$0x3F9E]  }
0x2a: {  	p0 =	seq.s32 s5, $0x0;
	s5 =	sld [smem:$0x3F9F]  }
0x2b: {  	s6 =	sld [smem:$0x3FA0]  }
0x2c: {  	s7 =	sld [smem:$0x3FA1]  }
0x2d: {  	s3 =	simm.s32 $0x108;
	s8 =	sld [smem:$0x3FA2]  }
0x2e: {  	s3 =	simm.s32 @!p0 $0x1082;
	s9 =	sld [smem:$0x3FA3]  }
0x2f: {  	lr =	sadd.s32 s0, s3;
	s0 =	sld [smem:$0x3F9A]  }
0x30: {  	s3 =	sld [smem:$0x3F9D]  }
0x31: {  	[smem:$0x3FA6] =	sst s10  }
0x32: {  	s10 =	sld [smem:$0x3FA4];
	_ =	sdelay $0x3  }
0x33: {  	p0 =	seq.s32 s10, $0x1;
	s10 =	sld [smem:$0x3FA6];
	_ =	sdelay $0x3  }
0x34: {  	[smem:$0x3FA6] =	sst s10  }
0x35: {  	s10 =	sld [smem:$0x3FA5];
	_ =	sdelay $0x3  }
0x36: {  	p1 =	seq.s32 s10, $0x1;
	s10 =	sld [smem:$0x3FA6];
	_ =	sdelay $0x3  }
0x37: {  	[smem:$0x3FA6] =	sst s10  }
0x38: {  	s10 =	sld [smem:$0x3FA7]  }
0x39: {  	_ = 	snop;
	(pc) =	sbr.ind lr, $3  }
0x3a: {  	_ = 	snop  }
0x3b: {  	_ = 	snop  }
0x3c: {  	p2 =	seq.s32 s10, $0x1;
	s10 =	sld [smem:$0x3FA6]  }
0x3d: {  	_ =	shalt  }
0x3e: {  	_ =	shalt  }
0x3f: {  	_ =	shalt  }
0x40: {  	_ =	shalt  }
0x41: {  	_ =	shalt  }
0x42: {  	_ =	shalt  }
0x43: {  	_ =	shalt  }
0x44: {  	_ =	shalt  }
0x45: {  	_ =	shalt  }
0x46: {  	_ =	shalt  }
0x47: {  	_ =	shalt  }
0x48: {  	_ =	shalt  }
0x49: {  	_ =	shalt  }
0x4a: {  	_ =	shalt  }
0x4b: {  	_ =	shalt  }
0x4c: {  	_ =	shalt  }
0x4d: {  	_ =	shalt  }
0x4e: {  	_ =	shalt  }
0x4f: {  	_ =	shalt  }
0x50: {  	_ =	shalt  }
0x51: {  	_ =	shalt  }
0x52: {  	_ =	shalt  }
0x53: {  	_ =	shalt  }
0x54: {  	_ =	shalt  }
0x55: {  	_ =	shalt  }
0x56: {  	_ =	shalt  }
0x57: {  	_ =	shalt  }
0x58: {  	_ =	shalt  }
0x59: {  	_ =	shalt  }
0x5a: {  	_ =	shalt  }
0x5b: {  	_ =	shalt  }
0x5c: {  	_ =	shalt  }
0x5d: {  	_ =	shalt  }
0x5e: {  	_ =	shalt  }
0x5f: {  	_ =	shalt  }
0x60: {  	_ =	shalt  }
0x61: {  	_ =	shalt  }
0x62: {  	_ =	shalt  }
0x63: {  	_ =	shalt  }
0x64: {  	_ =	shalt  }
0x65: {  	_ =	shalt  }
0x66: {  	_ =	shalt  }
0x67: {  	_ =	shalt  }
0x68: {  	_ =	shalt  }
0x69: {  	_ =	shalt  }
0x6a: {  	_ =	shalt  }
0x6b: {  	_ =	shalt  }
0x6c: {  	_ =	shalt  }
0x6d: {  	_ =	shalt  }
0x6e: {  	_ =	shalt  }
0x6f: {  	_ =	shalt  }
0x70: {  	_ =	shalt  }
0x71: {  	_ =	shalt  }
0x72: {  	_ =	shalt  }
0x73: {  	_ =	shalt  }
0x74: {  	_ =	shalt  }
0x75: {  	_ =	shalt  }
0x76: {  	_ =	shalt  }
0x77: {  	_ =	shalt  }
0x78: {  	_ =	shalt  }
0x79: {  	_ =	shalt  }
0x7a: {  	_ =	shalt  }
0x7b: {  	_ =	shalt  }
0x7c: {  	_ =	shalt  }
0x7d: {  	_ =	shalt  }
0x7e: {  	_ =	shalt  }
0x7f: {  	_ =	shalt  }
0x80: {  	_ =	shalt  }
0x81: {  	_ =	shalt  }
0x82: {  	_ =	shalt  }
0x83: {  	_ =	shalt  }
0x84: {  	_ =	shalt  }
0x85: {  	_ =	shalt  }
0x86: {  	_ =	shalt  }
0x87: {  	_ =	shalt  }
.Lfunc_end0:
.L_simem_size_0:
called_computation_lowered:
.L_overlay_start_0:
0x88: {  	s2 =	sld [smem:$0x3FD9]  }
0x89: {  	s3 =	sld [smem:$0x3FFE];
	_ =	sdelay $0x1  }
0x8a: {  	s1 =	srdreg.scid  }
0x8b: {  	s0 =	sand.u32 $0x1, s1  }
0x8c: {  	s17 =	sshll.u32 s0, $0xA;
	s2 =	sadd.s32 s3, s2  }
0x8d: {  	s2 =	sadd.s32 s2, s17  }
0x8e: {  	[smem:$0x3FB2] =	sst s2  }
0x8f: {  	_ = 	snop  }
0x90: {  	s2 =	sld [smem:$0x3FC7]  }
0x91: {  	s18 =	sld [smem:$0x3FD0];
	(tm) =	ssettm $0x1  }
0x92: {  	s4 =	sld [smem:$0x3FFB];
	_ =	sdelay $0x3  }
0x93: {  	_ =	strace s4  }
0x94: {  	s4 =	sld [smem:$0x3FFC];
	_ =	sdelay $0x3  }
0x95: {  	_ =	strace s4  }
0x96: {  	s4 =	sld [smem:$0x3FFD];
	_ =	sdelay $0x3  }
0x97: {  	_ =	strace s4  }
0x98: {  	_ =	strace $0x8FFFFFFF  }
0x99: {  	s19 =	sld [smem:$0x3FDB];
	_ =	sdelay $0x1  }
0x9a: {  	s5 =	simm.s32 $_scs_section_size  }
0x9b: {  	s6 =	simm.s32 $_size__tile_overlayer_lowered;
	s7 =	simm.s32 $_tile_overlayer_lowered  }
0x9c: {  	s22 =	simm.s32 $0x1BFF;
	s21 =	sshll.u32 s7, $0x1;
	s4 =	sadd.s32 s5, s19  }
0x9d: {  	s8 =	simm.s32 $0x0;
	s20 =	sshll.u32 s6, $0x1;
	s6 =	sadd.s32 s21, s4  }
0x9e: {  	[timem:s8], [sflag:s22] =	dma.local [hbm:s6], s20  }
0x9f: {  	_ =	swait.ge [sflag:s22], s20  }
0xa0: {  	s5 =	ssub.s32 $0x0, s20;
	[sflag:s22] =	ssyncset.done $0x0  }
0xa1: {  	[sflag:s22] =	ssyncadd.s32 s5;
	_ =	sdelay $0x1  }
0xa2: {  	s23 =	simm.s32 $0x1B8B  }
0xa3: {  	_ =	swait.ge [sflag:s23], $0x1  }
0xa4: {  	[sflag:s23] =	ssyncset.done $0x0  }
0xa5: {  	s25 =	simm.s32 $0x1B8E;
	s24 =	sld [smem:$0x3FFE];
	[sflag:s23] =	ssyncadd.s32 $0xFFFFFFFF  }
0xa6: {  	s26 =	simm.s32 $execute0_lowered;
	[smem:$0x3FD2] =	sst s25  }
0xa7: {  	s6 =	sshll.u32 s26, $0x1;
	_ =	strace $0x80000046;
	[dreg:$0x1] =	wrdreg $0xFFFFFFFF  }
0xa8: {  	s28 =	simm.s32 $_size_execute0_lowered;
	s4 =	sadd.s32 s4, s6;
	[dreg:$0x0] =	wrdreg $0x0  }
0xa9: {  	s6 =	sshll.u32 s28, $0x1;
	[dreg:$0x2] =	wrdreg s4  }
0xaa: {  	[dreg:$0x3] =	wrdreg s6  }
0xab: {  	[dreg:$0x4] =	wrdreg $0xC0  }
0xac: {  	_ =	task [dreg:s8], $0x5FFFF  }
0xad: {  	[dreg:$0x1] =	wrdreg $0xFFFFFFFF  }
0xae: {  	[dreg:$0x0] =	wrdreg $0x60  }
0xaf: {  	[dreg:$0x2] =	wrdreg s24  }
0xb0: {  	[dreg:$0x3] =	wrdreg s2  }
0xb1: {  	[dreg:$0x4] =	wrdreg s18  }
0xb2: {  	[dreg:$0x5] =	wrdreg $0x10800  }
0xb3: {  	[dreg:$0x6] =	wrdreg $0x9  }
0xb4: {  	_ =	task.clear_ibuf [dreg:s8], $0x7FFFF;
	_ =	strace $0x90000046  }
0xb5: {  	s29 =	simm.s32 $0x9;
	_ =	strace $0x80000048  }
0xb6: {  	_ =	swait.ge [sflag:s29], $0x1  }
0xb7: {  	[sflag:s29] =	ssyncadd.s32 $0xFFFFFFFF  }
0xb8: {  	_ =	strace $0x90000048  }
0xb9: {  	_ =	sfence  }
0xba: {  	s30 =	sld [smem:$0x0];
	_ =	sdelay $0x2  }
0xbb: {  	s31 =	sshll.u32 s1, $0xD;
	s1 =	sshrl.u32 s1, $0x2  }
0xbc: {  	s3 =	sand.u32 $0x4000, s31;
	s1 =	sadd.s32 s1, s30  }
0xbd: {  	s0 =	sor.u32 s3, s0;
	s1 =	sshll.u32 s1, $0x11  }
0xbe: {  	s0 =	sor.u32 s1, s0  }
0xbf: {  	s0 =	sadd.s32 $0x8F2B, s0  }
0xc0: {  	[sflag:s0] =	ssyncadd.remote.s32 $0x1  }
0xc1: {  	_ =	sfence.sel $0xFFFF  }
0xc2: {  	[dreg:$0x0] =	wrdreg $0xFFFFFFFF;
	(pc) =	sbr.abs _section_cstart, $3  }
0xc3: {  	[dreg:$0x1] =	wrdreg $0xFFFFFFFF  }
0xc4: {  	_ =	task.clear_ibuf [dreg:s8], $0x2FFFF;
	_ =	strace $0x9FFFFFFF  }
0xc5: {  	(tm) =	ssettm $0x7FFFFFFF  }
tec
execute0_lowered:
.L_overlay_start_1:
0x0: {  	(tag) =	ssettag $0x1  }
0x1: {  	s5 =	rddreg [dreg:$0x0]  }
0x2: {  	s7 =	rddreg [dreg:$0x1]  }
0x3: {  	s1 =	rddreg [dreg:$0x2]  }
0x4: {  	s3 =	rddreg [dreg:$0x3]  }
0x5: {  	s0 =	rddreg [dreg:$0x4];
	s6 =	srdreg.scid  }
0x6: {  	s4 =	simm.s32 $0x0;
	s2 =	stileid.u32;
	s14 =	simm.s32 $0x1000  }
0x7: {  	s17 =	simm.s32 $0x80;
	s18 =	simm.s32 $0xC00;
	s19 =	simm.s32 $0xC80  }
0x8: {  	s20 =	simm.s32 $0xD00;
	s21 =	simm.s32 $0xD80;
	s22 =	simm.s32 $0xE00  }
0x9: {  	s23 =	simm.s32 $0xE80;
	s24 =	simm.s32 $0xF00;
	s25 =	simm.s32 $0xF80  }
0xa: {  	s26 =	simm.s32 $0x20;
	s28 =	simm.s32 $0x10;
	s6 =	sand.u32 $0x1, s6  }
0xb: {  	s9 =	sshll.u32 s2, $0x7;
	s10 =	smul.u32 $0xC000, s2;
	[smem:$0x7FF] =	sst s4  }
0xc: {  	s29 =	smul.u32 $0x18000, s2;
	s15 =	sshll.u32 s2, $0x6;
	s8 =	sshll.u32 s6, $0xB  }
0xd: {  	_ =	strace $0x80000047;
	s12 =	sshll.u32 s6, $0x7;
	s6 =	ssub.s32 $0x2, s6  }
0xe: {  	s15 =	sor.u32 $0x1C01, s15;
	s8 =	sor.u32 s9, s8;
	s13 =	sshrl.u32 s10, $0x3  }
0xf: {  	s9 =	sor.u32 s12, s29;
	s31 =	sshrl.u32 s6, $0x1;
	s16 =	sadd.s32 s10, s3  }
0x10: {  	s12 =	simm.s32 $0x400;
	s11 =	sadd.s32 s8, s5;
	s30 =	sadd.s32 s13, s5  }
0x11: {  	s9 =	sshrl.u32 s9, $0x3;
	s13 =	ssub.s32 s6, s31;
	s7 =	sadd.s32 s7, s8  }
0x12: {  	s16 =	sshrl.u32 s16, $0x3;
	s9 =	sadd.s32 s9, s5;
	s5 =	sadd.s32 $0x3C00, s11  }
0x13: {  	s6 =	sadd.s32 $0x2C00, s11;
	s8 =	sadd.s32 $0x4C00, s30;
	s10 =	smax.u32 s13, $0x1  }
0x14: {  	s11 =	simm.s32 $0x1;
	s13 =	simm.s32 $0x800;
	s9 =	sadd.s32 $0x1CC00, s9  }
.LBB2_1:
0x15: {  	[tilespmem:s4], [sflag:$0x1] =	stream.linear.gather [hbm4b:s5+s4], $0x400, $0x38;
	[tilespmem:$0xD080] =	vst v63  }
0x16: {  	_ =	swait.ge [sflag:s11], $0x400  }
0x17: {  	[sflag:s11] =	ssyncset.done $0x0  }
0x18: {  	[sflag:s11] =	ssyncadd.s32 $0xFFFFFC00  }
0x19: {  	[tilespmem:s12], [sflag:$0x1] =	stream.linear.gather [hbm4b:s6+s4], $0x400, $0x38;
	[tilespmem:$0xD080] =	vst v63  }
0x1a: {  	_ =	swait.ge [sflag:s11], $0x400  }
0x1b: {  	[sflag:s11] =	ssyncset.done $0x0  }
0x1c: {  	[sflag:s11] =	ssyncadd.s32 $0xFFFFFC00  }
0x1d: {  	[tilespmem:s13], [sflag:$0x1] =	stream.linear.gather [hbm4b:s7+s4], $0x400, $0x38;
	[tilespmem:$0xD080] =	vst v63  }
0x1e: {  	_ =	swait.ge [sflag:s11], $0x400  }
0x1f: {  	[sflag:s11] =	ssyncset.done $0x0  }
0x20: {  	[sflag:s11] =	ssyncadd.s32 $0xFFFFFC00  }
0x21: {  	[tilespmem:s14], [sflag:$0x1] =	stream.linear.gather [hbm4b:s1+s4], $0x80, $0x38;
	[tilespmem:$0xD080] =	vst v63  }
0x22: {  	_ =	swait.ge [sflag:s11], $0x80  }
0x23: {  	[sflag:s11] =	ssyncset.done $0x0  }
0x24: {  	[sflag:s11] =	ssyncadd.s32 $0xFFFFFF80  }
0x25: {  	[spmem:s16], [sflag:s15] =	dma.local [hbm:s8], $0x1800  }
0x26: {  	_ =	swait.ge [sflag:s11], $0x1800  }
0x27: {  	[sflag:s11] =	ssyncset.done $0x0  }
0x28: {  	[sflag:s11] =	ssyncadd.s32 $0xFFFFE800  }
0x29: {  	v59 =	vld [tilespmem:$0x540];
	_ =	sdelay $0x4  }
0x2a: {  	[tilespmem:$0x1FC30] =	vst v59;
	v59 =	vld [tilespmem:$0x550];
	_ =	sdelay $0x4  }
0x2b: {  	[tilespmem:$0x1FC40] =	vst v59;
	v59 =	vld [tilespmem:$0x950];
	_ =	sdelay $0x4  }
0x2c: {  	[tilespmem:$0x1FC70] =	vst v59;
	v59 =	vld [tilespmem:$0x160];
	_ =	sdelay $0x4  }
0x2d: {  	[tilespmem:$0x1FC50] =	vst v59;
	v59 =	vld [tilespmem:$0x560];
	_ =	sdelay $0x4  }
0x2e: {  	[tilespmem:$0x1FC60] =	vst v59;
	v59 =	vld [tilespmem:$0x960];
	_ =	sdelay $0x4  }
0x2f: {  	[tilespmem:$0x1FC80] =	vst v59;
	v59 =	vld [tilespmem:$0x170];
	_ =	sdelay $0x1  }
0x30: {  	v0 =	vld [tilespmem:$0x0]  }
0x31: {  	v2 =	vld [tilespmem:$0x400]  }
0x32: {  	v5 =	vld [tilespmem:$0x800]  }
0x33: {  	[tilespmem:$0x1FC90] =	vst v59;
	v59 =	vld [tilespmem:$0x570]  }
0x34: {  	v1 =	vld [tilespmem:$0x10]  }
0x35: {  	v3 =	vld [tilespmem:$0x410]  }
0x36: {  	v4 =	vld [tilespmem:$0x810]  }
0x37: {  	v6 =	vld [tilespmem:$0x20]  }
0x38: {  	[tilespmem:$0x1FCA0] =	vst v59;
	v59 =	vld [tilespmem:$0x970]  }
0x39: {  	v7 =	vld [tilespmem:$0x420]  }
0x3a: {  	v8 =	vld [tilespmem:$0x820]  }
0x3b: {  	v9 =	vld [tilespmem:$0x30]  }
0x3c: {  	v11 =	vld [tilespmem:$0x430]  }
0x3d: {  	[tilespmem:$0x1FCB0] =	vst v59;
	v59 =	vld [tilespmem:$0x180]  }
0x3e: {  	v14 =	vld [tilespmem:$0x830]  }
0x3f: {  	v10 =	vld [tilespmem:$0x40]  }
0x40: {  	v12 =	vld [tilespmem:$0x440]  }
0x41: {  	v13 =	vld [tilespmem:$0x840]  }
0x42: {  	[tilespmem:$0x1FCC0] =	vst v59;
	v59 =	vld [tilespmem:$0x580]  }
0x43: {  	v15 =	vld [tilespmem:$0x50]  }
0x44: {  	v16 =	vld [tilespmem:$0x450]  }
0x45: {  	v17 =	vld [tilespmem:$0x850]  }
0x46: {  	v18 =	vld [tilespmem:$0x60]  }
0x47: {  	[tilespmem:$0x1FCD0] =	vst v59;
	v59 =	vld [tilespmem:$0x980]  }
0x48: {  	v20 =	vld [tilespmem:$0x460]  }
0x49: {  	v23 =	vld [tilespmem:$0x860]  }
0x4a: {  	v19 =	vld [tilespmem:$0x70]  }
0x4b: {  	v21 =	vld [tilespmem:$0x470]  }
0x4c: {  	[tilespmem:$0x1FD00] =	vst v59;
	v59 =	vld [tilespmem:$0x190]  }
0x4d: {  	v22 =	vld [tilespmem:$0x870]  }
0x4e: {  	v24 =	vld [tilespmem:$0x80]  }
0x4f: {  	v27 =	vld [tilespmem:$0x480]  }
0x50: {  	v25 =	vld [tilespmem:$0x880]  }
0x51: {  	[tilespmem:$0x1FCE0] =	vst v59;
	v59 =	vld [tilespmem:$0x590]  }
0x52: {  	v26 =	vld [tilespmem:$0x90]  }
0x53: {  	v30 =	vld [tilespmem:$0x490]  }
0x54: {  	v34 =	vld [tilespmem:$0x890]  }
0x55: {  	v28 =	vld [tilespmem:$0xA0]  }
0x56: {  	[tilespmem:$0x1FCF0] =	vst v59;
	v59 =	vld [tilespmem:$0x990]  }
0x57: {  	v29 =	vld [tilespmem:$0x4A0]  }
0x58: {  	v31 =	vld [tilespmem:$0x8A0]  }
0x59: {  	v38 =	vld [tilespmem:$0xB0]  }
0x5a: {  	v39 =	vld [tilespmem:$0x4B0]  }
0x5b: {  	[tilespmem:$0x1FD10] =	vst v59;
	v59 =	vld [tilespmem:$0x1A0]  }
0x5c: {  	v32 =	vld [tilespmem:$0x8B0]  }
0x5d: {  	v33 =	vld [tilespmem:$0xC0]  }
0x5e: {  	v40 =	vld [tilespmem:$0x4C0]  }
0x5f: {  	v47 =	vld [tilespmem:$0x8C0]  }
0x60: {  	[tilespmem:$0x1FD20] =	vst v59;
	v59 =	vld [tilespmem:$0x5A0]  }
0x61: {  	v35 =	vld [tilespmem:$0xD0]  }
0x62: {  	v36 =	vld [tilespmem:$0x4D0]  }
0x63: {  	v37 =	vld [tilespmem:$0x8D0]  }
0x64: {  	v45 =	vld [tilespmem:$0xE0]  }
0x65: {  	[tilespmem:$0x1FD30] =	vst v59;
	v59 =	vld [tilespmem:$0x9A0]  }
0x66: {  	v54 =	vld [tilespmem:$0x4E0]  }
0x67: {  	v42 =	vld [tilespmem:$0x8E0]  }
0x68: {  	v41 =	vld [tilespmem:$0xF0]  }
0x69: {  	v49 =	vld [tilespmem:$0x4F0]  }
0x6a: {  	[tilespmem:$0x1FD40] =	vst v59;
	v59 =	vld [tilespmem:$0x1B0]  }
0x6b: {  	v50 =	vld [tilespmem:$0x8F0]  }
0x6c: {  	v43 =	vld [tilespmem:$0x100]  }
0x6d: {  	v44 =	vld [tilespmem:$0x500]  }
0x6e: {  	v46 =	vld [tilespmem:$0x900]  }
0x6f: {  	[tilespmem:$0x1FD50] =	vst v59;
	v59 =	vld [tilespmem:$0x5B0]  }
0x70: {  	v57 =	vld [tilespmem:$0x110]  }
0x71: {  	v60 =	vld [tilespmem:$0x510]  }
0x72: {  	v48 =	vld [tilespmem:$0x910]  }
0x73: {  	v51 =	vld [tilespmem:$0x120]  }
0x74: {  	[tilespmem:$0x1FD60] =	vst v59;
	v59 =	vld [tilespmem:$0x9B0]  }
0x75: {  	v62 =	vld [tilespmem:$0x520]  }
0x76: {  	v56 =	vld [tilespmem:$0x920]  }
0x77: {  	v52 =	vld [tilespmem:$0x130]  }
0x78: {  	v53 =	vld [tilespmem:$0x530]  }
0x79: {  	[tilespmem:$0x1FD90] =	vst v59;
	v59 =	vld [tilespmem:$0x1C0]  }
0x7a: {  	v55 =	vld [tilespmem:$0x930]  }
0x7b: {  	v58 =	vld [tilespmem:$0x140]  }
0x7c: {  	v63 =	vld [tilespmem:$0x940]  }
0x7d: {  	v61 =	vld [tilespmem:$0x150];
	v0 =	vshll.u32 v0, $0x9  }
0x7e: {  	v1 =	vshll.u32 v1, $0x9;
	v0 =	vadd.s32 v0, v2;
	[tilespmem:$0x1FD70] =	vst v59;
	v59 =	vld [tilespmem:$0x5C0]  }
0x7f: {  	v1 =	vadd.s32 v1, v3;
	v2 =	vshll.u32 v5, $0x12;
	v3 =	vshll.u32 v4, $0x12;
	v4 =	vld [tilespmem:$0xA50]  }
0x80: {  	v9 =	vshll.u32 v9, $0x9;
	v0 =	vadd.s32 v2, v0;
	v2 =	vshll.u32 v6, $0x9;
	v6 =	vld [tilespmem:$0x260]  }
0x81: {  	v1 =	vadd.s32 v3, v1;
	v3 =	vshll.u32 v8, $0x12;
	v8 =	vld [tilespmem:$0x660];
	v2 =	vadd.s32 v2, v7  }
0x82: {  	v2 =	vadd.s32 v3, v2;
	v3 =	vadd.s32 v9, v11;
	v9 =	vshll.u32 v10, $0x9;
	v10 =	vld [tilespmem:$0xA60]  }
0x83: {  	[tilespmem:$0x1FD80] =	vst v59;
	v59 =	vld [tilespmem:$0x9C0]  }
0x84: {  	v11 =	vshll.u32 v14, $0x12;
	v14 =	vshll.u32 v15, $0x9;
	v15 =	vld [tilespmem:$0x670]  }
0x85: {  	v17 =	vshll.u32 v17, $0x12;
	v5 =	vadd.s32 v14, v16;
	v16 =	vld [tilespmem:$0x280];
	[tilespmem:$0x1FF40] =	vst v4;
	v4 =	vadd.s32 v9, v12  }
0x86: {  	v12 =	vshll.u32 v13, $0x12;
	v13 =	vld [tilespmem:$0x270];
	[tilespmem:$0x1FF50] =	vst v6;
	v6 =	vadd.s32 v17, v5;
	v17 =	vshll.u32 v23, $0x12  }
0x87: {  	v23 =	vshll.u32 v26, $0x9;
	v26 =	vshll.u32 v28, $0x9;
	v28 =	vshll.u32 v34, $0x12;
	v34 =	vld [tilespmem:$0xA90]  }
0x88: {  	v4 =	vadd.s32 v12, v4;
	v12 =	vshll.u32 v18, $0x9;
	[tilespmem:$0x1FDA0] =	vst v59;
	v59 =	vld [tilespmem:$0x1D0]  }
0x89: {  	v18 =	vshll.u32 v22, $0x12;
	v14 =	vadd.s32 v12, v20;
	v20 =	vshll.u32 v24, $0x9;
	v24 =	vld [tilespmem:$0x290]  }
0x8a: {  	v22 =	vshll.u32 v25, $0x12;
	v25 =	vadd.s32 v23, v30;
	v30 =	vshll.u32 v38, $0x9;
	v38 =	vld [tilespmem:$0x2A0]  }
0x8b: {  	v23 =	vshll.u32 v50, $0x12;
	v50 =	vld [tilespmem:$0x6C0]  }
0x8c: {  	[tilespmem:$0xC50] =	vst v6;
	v6 =	vld [tilespmem:$0x700]  }
0x8d: {  	[tilespmem:$0x1FDB0] =	vst v59;
	v59 =	vld [tilespmem:$0x5D0]  }
0x8e: {  	[tilespmem:$0x1FF90] =	vst v15;
	v15 =	vshll.u32 v19, $0x9;
	v19 =	vld [tilespmem:$0x680]  }
0x8f: {  	v5 =	vadd.s32 v20, v27;
	v27 =	vld [tilespmem:$0x690]  }
0x90: {  	[tilespmem:$0x1FF60] =	vst v10;
	v10 =	vadd.s32 v28, v25;
	v25 =	vshll.u32 v57, $0x9;
	v57 =	vld [tilespmem:$0xAC0]  }
0x91: {  	v20 =	vshll.u32 v41, $0x9;
	v41 =	vld [tilespmem:$0x1FC40]  }
0x92: {  	[tilespmem:$0x1FDC0] =	vst v59;
	v59 =	vld [tilespmem:$0x9D0]  }
0x93: {  	v7 =	vadd.s32 v15, v21;
	v21 =	vld [tilespmem:$0xA80]  }
0x94: {  	v3 =	vadd.s32 v11, v3;
	v11 =	vadd.s32 v22, v5;
	v5 =	vadd.s32 v30, v39;
	v39 =	vld [tilespmem:$0x6A0]  }
0x95: {  	[tilespmem:$0x1FF80] =	vst v13;
	v13 =	vld [tilespmem:$0xA70]  }
0x96: {  	v9 =	vadd.s32 v18, v7;
	v18 =	vshll.u32 v45, $0x9;
	v45 =	vld [tilespmem:$0x6B0]  }
0x97: {  	v7 =	vadd.s32 v26, v29;
	v29 =	vshll.u32 v31, $0x12;
	[tilespmem:$0x1FDD0] =	vst v59;
	v59 =	vld [tilespmem:$0x1E0]  }
0x98: {  	v31 =	vshll.u32 v32, $0x12;
	v32 =	vshll.u32 v33, $0x9;
	v26 =	vadd.s32 v25, v60;
	v60 =	vld [tilespmem:$0x2D0]  }
0x99: {  	v35 =	vshll.u32 v35, $0x9;
	v33 =	vadd.s32 v32, v40;
	v40 =	vld [tilespmem:$0xAA0]  }
0x9a: {  	v12 =	vadd.s32 v29, v7;
	v7 =	vadd.s32 v35, v36;
	v36 =	vshll.u32 v47, $0x12;
	v47 =	vld [tilespmem:$0x2B0]  }
0x9b: {  	[tilespmem:$0x1FF70] =	vst v8;
	v8 =	vadd.s32 v17, v14;
	v14 =	vadd.s32 v31, v5;
	v5 =	vadd.s32 v18, v54;
	v54 =	vld [tilespmem:$0xAB0]  }
0x9c: {  	v28 =	vshll.u32 v51, $0x9;
	[tilespmem:$0x1FDE0] =	vst v59;
	v59 =	vld [tilespmem:$0x5E0]  }
0x9d: {  	v37 =	vshll.u32 v37, $0x12;
	v30 =	vshll.u32 v52, $0x9;
	v29 =	vadd.s32 v28, v62;
	v62 =	vld [tilespmem:$0x6D0]  }
0x9e: {  	[tilespmem:$0xC10] =	vst v1;
	v22 =	vshll.u32 v43, $0x9;
	v1 =	vadd.s32 v30, v53;
	v32 =	vshll.u32 v55, $0x12;
	v35 =	vld [tilespmem:$0x1FC30]  }
0x9f: {  	[tilespmem:$0x1FFA0] =	vst v16;
	v15 =	vadd.s32 v37, v7;
	v7 =	vadd.s32 v22, v44;
	v22 =	vadd.s32 v32, v1;
	v1 =	vld [tilespmem:$0xAE0]  }
0xa0: {  	[tilespmem:$0x1FFE0] =	vst v24;
	v44 =	vld [tilespmem:$0x1FC70]  }
0xa1: {  	[tilespmem:$0x1FDF0] =	vst v59;
	v59 =	vld [tilespmem:$0x9E0]  }
0xa2: {  	v24 =	vshll.u32 v46, $0x12;
	[tilespmem:$0xCA0] =	vst v12;
	v12 =	vld [tilespmem:$0xB10]  }
0xa3: {  	v16 =	vadd.s32 v36, v33;
	[tilespmem:$0x1FFD0] =	vst v19;
	v18 =	vadd.s32 v24, v7;
	v7 =	vld [tilespmem:$0x2E0]  }
0xa4: {  	[tilespmem:$0xCC0] =	vst v16;
	v16 =	vld [tilespmem:$0x330]  }
0xa5: {  	[tilespmem:$0x1FFC0] =	vst v21;
	v21 =	vadd.s32 v20, v49;
	v49 =	vld [tilespmem:$0x2C0]  }
0xa6: {  	v19 =	vshll.u32 v42, $0x12;
	[tilespmem:$0x1FE20] =	vst v59;
	v59 =	vld [tilespmem:$0x1F0]  }
0xa7: {  	v17 =	vadd.s32 v19, v5;
	v5 =	vld [tilespmem:$0x6E0]  }
0xa8: {  	v37 =	vshll.u32 v61, $0x9;
	[tilespmem:$0x1FFB0] =	vst v13;
	v13 =	vld [tilespmem:$0xAD0]  }
0xa9: {  	[tilespmem:$0xC20] =	vst v2;
	v2 =	vadd.s32 v37, v41;
	v42 =	vld [tilespmem:$0x1FC50];
	v46 =	vshll.u32 v44, $0x12  }
0xaa: {  	v24 =	vadd.s32 v46, v2;
	v2 =	vld [tilespmem:$0x6F0]  }
0xab: {  	v7 =	vshll.u32 v7, $0x9;
	[tilespmem:$0x1FE00] =	vst v59;
	v59 =	vld [tilespmem:$0x5F0]  }
0xac: {  	v5 =	vadd.s32 v7, v5;
	v7 =	vld [tilespmem:$0xB90]  }
0xad: {  	v43 =	vld [tilespmem:$0x1FC60]  }
0xae: {  	[tilespmem:$0x1FFF0] =	vst v27;
	v27 =	vshll.u32 v48, $0x12;
	v48 =	vld [tilespmem:$0x1FC80]  }
0xaf: {  	v52 =	vld [tilespmem:$0x1FC90]  }
0xb0: {  	[tilespmem:$0x1FE10] =	vst v59;
	v59 =	vld [tilespmem:$0x9F0]  }
0xb1: {  	v31 =	vshll.u32 v56, $0x12;
	v33 =	vshll.u32 v58, $0x9;
	v36 =	vshll.u32 v63, $0x12;
	v55 =	vld [tilespmem:$0x1FCA0]  }
0xb2: {  	[tilespmem:$0xC00] =	vst v0;
	v19 =	vadd.s32 v23, v21;
	v0 =	vadd.s32 v33, v35;
	v1 =	vshll.u32 v1, $0x12;
	v56 =	vld [tilespmem:$0x1FCB0]  }
0xb3: {  	v23 =	vadd.s32 v36, v0;
	v0 =	vshll.u32 v42, $0x9;
	v1 =	vadd.s32 v1, v5;
	v5 =	vld [tilespmem:$0x3A0]  }
0xb4: {  	[tilespmem:$0xC30] =	vst v3;
	v3 =	vadd.s32 v0, v43;
	v0 =	vld [tilespmem:$0x2F0]  }
0xb5: {  	v51 =	vshll.u32 v48, $0x12;
	[tilespmem:$0x1FE30] =	vst v59;
	v59 =	vld [tilespmem:$0x200]  }
0xb6: {  	v25 =	vadd.s32 v51, v3;
	v3 =	vld [tilespmem:$0xAF0];
	v53 =	vshll.u32 v52, $0x9  }
0xb7: {  	[tilespmem:$0xC40] =	vst v4;
	v4 =	vadd.s32 v53, v55;
	v58 =	vshll.u32 v56, $0x12;
	v61 =	vld [tilespmem:$0x1FCC0]  }
0xb8: {  	v20 =	vadd.s32 v27, v26;
	v26 =	vadd.s32 v58, v4;
	v4 =	vld [tilespmem:$0x300]  }
0xb9: {  	[tilespmem:$0xD70] =	vst v26;
	v26 =	vld [tilespmem:$0xB40]  }
0xba: {  	[tilespmem:$0x1FE40] =	vst v59;
	v59 =	vld [tilespmem:$0x600]  }
0xbb: {  	[tilespmem:$0xC90] =	vst v10;
	v10 =	vld [tilespmem:$0x1FCD0]  }
0xbc: {  	v21 =	vadd.s32 v31, v29;
	v29 =	vld [tilespmem:$0x1FD00]  }
0xbd: {  	[tilespmem:$0xC80] =	vst v11;
	v11 =	vld [tilespmem:$0x1FCE0]  }
0xbe: {  	v28 =	vld [tilespmem:$0x1FCF0]  }
0xbf: {  	[tilespmem:$0x1FE50] =	vst v59;
	v59 =	vld [tilespmem:$0xA00]  }
0xc0: {  	v31 =	vld [tilespmem:$0x1FD10]  }
0xc1: {  	v33 =	vld [tilespmem:$0x1FD20]  }
0xc2: {  	v36 =	vld [tilespmem:$0x1FD30]  }
0xc3: {  	v37 =	vld [tilespmem:$0x1FD40]  }
0xc4: {  	v63 =	vshll.u32 v61, $0x9;
	[tilespmem:$0x1FE60] =	vst v59;
	v59 =	vld [tilespmem:$0x210]  }
0xc5: {  	[tilespmem:$0xC60] =	vst v8;
	v8 =	vadd.s32 v63, v10;
	v30 =	vshll.u32 v29, $0x12;
	v27 =	vshll.u32 v11, $0x9;
	v11 =	vld [tilespmem:$0x320]  }
0xc6: {  	[tilespmem:$0xC70] =	vst v9;
	v9 =	vadd.s32 v27, v28;
	v27 =	vadd.s32 v30, v8;
	v8 =	vld [tilespmem:$0xB00];
	v32 =	vshll.u32 v31, $0x12  }
0xc7: {  	v28 =	vadd.s32 v32, v9;
	v9 =	vld [tilespmem:$0x310]  }
0xc8: {  	v35 =	vshll.u32 v33, $0x9;
	v42 =	vld [tilespmem:$0x1FD50]  }
0xc9: {  	v10 =	vadd.s32 v35, v36;
	v41 =	vshll.u32 v37, $0x12;
	[tilespmem:$0x1FE70] =	vst v59;
	v59 =	vld [tilespmem:$0x610]  }
0xca: {  	v29 =	vadd.s32 v41, v10;
	v10 =	vld [tilespmem:$0x710]  }
0xcb: {  	v44 =	vld [tilespmem:$0x1FD60]  }
0xcc: {  	v48 =	vld [tilespmem:$0x1FD70]  }
0xcd: {  	v52 =	vld [tilespmem:$0x1FD80]  }
0xce: {  	[tilespmem:$0x1FE80] =	vst v59;
	v59 =	vld [tilespmem:$0xA10]  }
0xcf: {  	v56 =	vld [tilespmem:$0x1FDA0]  }
0xd0: {  	v53 =	vld [tilespmem:$0x1FD90]  }
0xd1: {  	v61 =	vld [tilespmem:$0x1FDB0]  }
0xd2: {  	[tilespmem:$0xCB0] =	vst v14;
	v30 =	vld [tilespmem:$0x1FDD0]  }
0xd3: {  	v51 =	vshll.u32 v48, $0x9;
	[tilespmem:$0x1FEB0] =	vst v59;
	v59 =	vld [tilespmem:$0x220]  }
0xd4: {  	[tilespmem:$0xD00] =	vst v18;
	v14 =	vadd.s32 v51, v52;
	v58 =	vshll.u32 v56, $0x12;
	v18 =	vld [tilespmem:$0x1FDC0]  }
0xd5: {  	[tilespmem:$0xCF0] =	vst v19;
	v19 =	vadd.s32 v58, v14;
	v14 =	vld [tilespmem:$0x720]  }
0xd6: {  	v32 =	vld [tilespmem:$0x1FDE0]  }
0xd7: {  	v31 =	vshll.u32 v30, $0x12;
	v30 =	vld [tilespmem:$0x730]  }
0xd8: {  	v63 =	vshll.u32 v61, $0x9;
	[tilespmem:$0x1FE90] =	vst v59;
	v59 =	vld [tilespmem:$0x620]  }
0xd9: {  	[tilespmem:$0xCD0] =	vst v15;
	v15 =	vadd.s32 v63, v18;
	v35 =	vld [tilespmem:$0x1FDF0]  }
0xda: {  	[tilespmem:$0xD10] =	vst v20;
	v20 =	vadd.s32 v31, v15;
	v15 =	vld [tilespmem:$0xB20]  }
0xdb: {  	v33 =	vshll.u32 v32, $0x9;
	v32 =	vld [tilespmem:$0xB30]  }
0xdc: {  	v43 =	vshll.u32 v42, $0x9;
	v42 =	vld [tilespmem:$0x1FE20]  }
0xdd: {  	[tilespmem:$0x1FEA0] =	vst v59;
	v59 =	vld [tilespmem:$0xA20]  }
0xde: {  	v18 =	vadd.s32 v33, v35;
	v35 =	vld [tilespmem:$0x740]  }
0xdf: {  	v36 =	vld [tilespmem:$0x1FE00]  }
0xe0: {  	v48 =	vld [tilespmem:$0x1FE40]  }
0xe1: {  	v41 =	vld [tilespmem:$0x1FE10]  }
0xe2: {  	[tilespmem:$0x1FEC0] =	vst v59;
	v59 =	vld [tilespmem:$0x230]  }
0xe3: {  	v46 =	vadd.s32 v43, v44;
	v44 =	vld [tilespmem:$0x1FE30]  }
0xe4: {  	v51 =	vld [tilespmem:$0x1FE50]  }
0xe5: {  	[tilespmem:$0xD30] =	vst v22;
	v22 =	vshll.u32 v48, $0x9;
	v48 =	vld [tilespmem:$0x1FF40]  }
0xe6: {  	v52 =	vld [tilespmem:$0x1FE60]  }
0xe7: {  	[tilespmem:$0x1FED0] =	vst v59;
	v59 =	vld [tilespmem:$0x630]  }
0xe8: {  	v55 =	vshll.u32 v53, $0x12;
	v53 =	vld [tilespmem:$0x1FE70]  }
0xe9: {  	[tilespmem:$0xCE0] =	vst v17;
	v17 =	vadd.s32 v55, v46;
	v55 =	vld [tilespmem:$0x1FE80]  }
0xea: {  	v22 =	vadd.s32 v22, v51;
	v51 =	vld [tilespmem:$0x1FF50]  }
0xeb: {  	[tilespmem:$0xD40] =	vst v23;
	v23 =	vshll.u32 v52, $0x12;
	v52 =	vld [tilespmem:$0x1FF60]  }
0xec: {  	[tilespmem:$0x1FEF0] =	vst v59;
	v59 =	vld [tilespmem:$0xA30]  }
0xed: {  	v31 =	vshll.u32 v53, $0x9;
	v53 =	vld [tilespmem:$0x1FF70]  }
0xee: {  	v22 =	vadd.s32 v23, v22;
	v23 =	vadd.s32 v31, v55;
	v31 =	vld [tilespmem:$0x340]  }
0xef: {  	v61 =	vld [tilespmem:$0x1FEB0]  }
0xf0: {  	v56 =	vld [tilespmem:$0x1FE90]  }
0xf1: {  	[tilespmem:$0x1FEE0] =	vst v59;
	v59 =	vld [tilespmem:$0x240]  }
0xf2: {  	v55 =	vld [tilespmem:$0x1FF80]  }
0xf3: {  	v58 =	vld [tilespmem:$0x1FEA0]  }
0xf4: {  	[tilespmem:$0xD60] =	vst v25;
	v25 =	vshll.u32 v61, $0x12;
	v61 =	vld [tilespmem:$0x1FFC0]  }
0xf5: {  	[tilespmem:$0xD50] =	vst v24;
	v24 =	vshll.u32 v56, $0x9;
	v56 =	vld [tilespmem:$0x1FF90]  }
0xf6: {  	[tilespmem:$0x1FF00] =	vst v59;
	v59 =	vld [tilespmem:$0x640]  }
0xf7: {  	v63 =	vld [tilespmem:$0x1FEC0]  }
0xf8: {  	v24 =	vadd.s32 v24, v58;
	v58 =	vld [tilespmem:$0x1FFA0]  }
0xf9: {  	v37 =	vshll.u32 v36, $0x9;
	v36 =	vld [tilespmem:$0x1FED0]  }
0xfa: {  	[tilespmem:$0xD20] =	vst v21;
	v21 =	vadd.s32 v37, v41;
	v41 =	vld [tilespmem:$0x1FEF0]  }
0xfb: {  	[tilespmem:$0x1FF10] =	vst v59;
	v59 =	vld [tilespmem:$0xA40]  }
0xfc: {  	v37 =	vld [tilespmem:$0x1FEE0]  }
0xfd: {  	v33 =	vshll.u32 v63, $0x12;
	v63 =	vld [tilespmem:$0x1FFD0]  }
0xfe: {  	v23 =	vadd.s32 v25, v23;
	v25 =	vshll.u32 v36, $0x9;
	v36 =	vld [tilespmem:$0x350]  }
0xff: {  	v25 =	vadd.s32 v25, v41;
	v41 =	vld [tilespmem:$0xB50]  }
0x100: {  	[tilespmem:$0x1FF30] =	vst v59;
	v59 =	vld [tilespmem:$0x250]  }
0x101: {  	[tilespmem:$0xD80] =	vst v27;
	v43 =	vshll.u32 v42, $0x12;
	v27 =	vshll.u32 v37, $0x12;
	v42 =	vld [tilespmem:$0x1FF00]  }
0x102: {  	v37 =	vshll.u32 v48, $0x12;
	v48 =	vld [tilespmem:$0x1FFF0];
	v25 =	vadd.s32 v27, v25  }
0x103: {  	[tilespmem:$0xE30] =	vst v25;
	v25 =	vld [tilespmem:$0xB80]  }
0x104: {  	v18 =	vadd.s32 v43, v18;
	v46 =	vshll.u32 v44, $0x12;
	v43 =	vld [tilespmem:$0x1FF10]  }
0x105: {  	v0 =	vshll.u32 v0, $0x9;
	v21 =	vadd.s32 v46, v21;
	v46 =	vld [tilespmem:$0x1FF30];
	[tilespmem:$0x1FF20] =	vst v59  }
0x106: {  	v0 =	vadd.s32 v0, v2;
	v3 =	vshll.u32 v3, $0x12;
	v44 =	vld [tilespmem:$0x1FF20]  }
0x107: {  	[tilespmem:$0xEE0] =	vst v1;
	v0 =	vadd.s32 v3, v0;
	v59 =	vld [tilespmem:$0x650]  }
0x108: {  	[tilespmem:$0xEF0] =	vst v0;
	v24 =	vadd.s32 v33, v24;
	v33 =	vshll.u32 v42, $0x9;
	v42 =	vld [tilespmem:$0x760]  }
0x109: {  	v13 =	vshll.u32 v13, $0x12;
	[tilespmem:$0xD90] =	vst v28;
	v27 =	vadd.s32 v33, v43;
	v33 =	vld [tilespmem:$0x750]  }
0x10a: {  	v5 =	vshll.u32 v5, $0x9;
	[tilespmem:$0xDA0] =	vst v29;
	v43 =	vshll.u32 v61, $0x12;
	v61 =	vshll.u32 v60, $0x9;
	v60 =	vld [tilespmem:$0xBC0]  }
0x10b: {  	[tilespmem:$0xDB0] =	vst v17;
	v29 =	vshll.u32 v46, $0x12;
	v46 =	vshll.u32 v34, $0x12;
	v34 =	vld [tilespmem:$0x380];
	v28 =	vshll.u32 v44, $0x9  }
0x10c: {  	v8 =	vshll.u32 v8, $0x12;
	[tilespmem:$0xDC0] =	vst v19;
	v17 =	vadd.s32 v29, v27;
	v29 =	vld [tilespmem:$0x360];
	v28 =	vadd.s32 v28, v59  }
0x10d: {  	[tilespmem:$0xDD0] =	vst v20;
	v19 =	vshll.u32 v52, $0x12;
	v44 =	vld [tilespmem:$0x370];
	v27 =	vadd.s32 v37, v28;
	v28 =	vshll.u32 v51, $0x9  }
0x10e: {  	[tilespmem:$0xDE0] =	vst v18;
	v59 =	vld [tilespmem:$0x1FFB0];
	v37 =	vshll.u32 v55, $0x9;
	v51 =	vshll.u32 v38, $0x9;
	v55 =	vshll.u32 v40, $0x12  }
0x10f: {  	[tilespmem:$0xDF0] =	vst v21;
	v38 =	vld [tilespmem:$0xB70];
	v28 =	vadd.s32 v28, v53;
	v20 =	vadd.s32 v37, v56;
	v52 =	vadd.s32 v51, v39  }
0x110: {  	[tilespmem:$0xE00] =	vst v22;
	v40 =	vld [tilespmem:$0x780];
	v53 =	vshll.u32 v47, $0x9;
	v56 =	vshll.u32 v54, $0x12;
	v39 =	vshll.u32 v12, $0x12  }
0x111: {  	[tilespmem:$0xE10] =	vst v23;
	v37 =	vld [tilespmem:$0xB60];
	v54 =	vshll.u32 v32, $0x12;
	v19 =	vadd.s32 v19, v28;
	v28 =	vshll.u32 v58, $0x9  }
0x112: {  	[tilespmem:$0xE50] =	vst v27;
	v27 =	vld [tilespmem:$0x790];
	v23 =	vadd.s32 v53, v45;
	v22 =	vadd.s32 v55, v52;
	v58 =	vshll.u32 v49, $0x9  }
0x113: {  	[tilespmem:$0xE20] =	vst v24;
	v47 =	vld [tilespmem:$0x7B0];
	v49 =	vshll.u32 v16, $0x9;
	v52 =	vshll.u32 v31, $0x9;
	v55 =	vshll.u32 v26, $0x12  }
0x114: {  	[tilespmem:$0xE40] =	vst v17;
	v45 =	vld [tilespmem:$0x3B0];
	v28 =	vadd.s32 v28, v63;
	v23 =	vadd.s32 v56, v23;
	v24 =	vadd.s32 v58, v50  }
0x115: {  	v53 =	vld [tilespmem:$0x3C0];
	v63 =	vadd.s32 v61, v62;
	[tilespmem:$0xE60] =	vst v19;
	v51 =	vadd.s32 v49, v30;
	v12 =	vadd.s32 v52, v35  }
0x116: {  	v26 =	vld [tilespmem:$0x7D0];
	[tilespmem:$0xEA0] =	vst v22;
	v61 =	vshll.u32 v41, $0x12;
	v62 =	vshll.u32 v29, $0x9;
	v18 =	vshll.u32 v59, $0x12  }
0x117: {  	v31 =	vld [tilespmem:$0xBD0];
	v59 =	vshll.u32 v57, $0x12;
	v13 =	vadd.s32 v13, v63;
	[tilespmem:$0xEB0] =	vst v23;
	v57 =	vadd.s32 v54, v51  }
0x118: {  	v58 =	vadd.s32 v55, v12;
	v63 =	vld [tilespmem:$0x3D0];
	v23 =	vadd.s32 v62, v42;
	v18 =	vadd.s32 v18, v20;
	[tilespmem:$0xED0] =	vst v13  }
0x119: {  	v20 =	vadd.s32 v43, v28;
	v43 =	vld [tilespmem:$0x1FFE0];
	v17 =	vadd.s32 v59, v24;
	v24 =	vshll.u32 v9, $0x9;
	[tilespmem:$0xF30] =	vst v57  }
0x11a: {  	v50 =	vld [tilespmem:$0xBB0];
	v59 =	vshll.u32 v36, $0x9;
	v30 =	vshll.u32 v38, $0x12;
	[tilespmem:$0xE80] =	vst v20;
	v20 =	vshll.u32 v4, $0x9  }
0x11b: {  	v56 =	vld [tilespmem:$0x7C0];
	[tilespmem:$0xF40] =	vst v58;
	v3 =	vadd.s32 v24, v10;
	v24 =	vshll.u32 v44, $0x9;
	v29 =	vshll.u32 v37, $0x12  }
0x11c: {  	v35 =	vld [tilespmem:$0x3E0];
	[tilespmem:$0xE70] =	vst v18;
	v2 =	vadd.s32 v20, v6;
	v3 =	vadd.s32 v39, v3;
	v32 =	vadd.s32 v29, v23  }
0x11d: {  	v42 =	vld [tilespmem:$0x3F0];
	[tilespmem:$0xEC0] =	vst v17;
	v44 =	vshll.u32 v45, $0x9;
	v54 =	vshll.u32 v31, $0x12;
	v2 =	vadd.s32 v8, v2  }
0x11e: {  	v28 =	vld [tilespmem:$0x770];
	[tilespmem:$0xF10] =	vst v3;
	v3 =	vadd.s32 v44, v47;
	v51 =	vshll.u32 v63, $0x9;
	v21 =	vshll.u32 v43, $0x9  }
0x11f: {  	v38 =	vld [tilespmem:$0x7E0];
	[tilespmem:$0xF60] =	vst v32;
	v47 =	vshll.u32 v53, $0x9;
	v52 =	vadd.s32 v51, v26;
	v21 =	vadd.s32 v21, v48  }
0x120: {  	v4 =	vld [tilespmem:$0x7A0];
	[tilespmem:$0xF00] =	vst v2;
	v21 =	vadd.s32 v46, v21;
	v46 =	vshll.u32 v11, $0x9;
	v11 =	vadd.s32 v59, v33  }
0x121: {  	v6 =	vld [tilespmem:$0xBA0];
	v48 =	vshll.u32 v15, $0x12;
	[tilespmem:$0xE90] =	vst v21;
	v8 =	vadd.s32 v46, v14;
	v2 =	vadd.s32 v61, v11  }
0x122: {  	v43 =	vld [tilespmem:$0x390];
	v46 =	vshll.u32 v50, $0x12;
	v50 =	vadd.s32 v47, v56;
	v56 =	vadd.s32 v54, v52;
	[tilespmem:$0xF50] =	vst v2  }
0x123: {  	v34 =	vshll.u32 v34, $0x9;
	v45 =	vld [tilespmem:$0x7F0];
	v11 =	vadd.s32 v24, v28;
	v8 =	vadd.s32 v48, v8;
	[tilespmem:$0xFD0] =	vst v56  }
0x124: {  	v41 =	vshll.u32 v7, $0x12;
	v36 =	vshll.u32 v25, $0x12;
	v33 =	vadd.s32 v30, v11;
	v48 =	vld [tilespmem:$0xBF0];
	[tilespmem:$0xF20] =	vst v8  }
0x125: {  	v53 =	vshll.u32 v60, $0x12;
	v49 =	vadd.s32 v46, v3;
	v8 =	vadd.s32 v34, v40;
	v40 =	vld [tilespmem:$0xBE0];
	[tilespmem:$0xF70] =	vst v33  }
0x126: {  	v4 =	vadd.s32 v5, v4;
	v6 =	vshll.u32 v6, $0x12;
	v55 =	vadd.s32 v53, v50;
	[tilespmem:$0xFB0] =	vst v49  }
0x127: {  	v57 =	vshll.u32 v35, $0x9;
	v37 =	vshll.u32 v43, $0x9;
	v43 =	vadd.s32 v6, v4;
	[tilespmem:$0xFC0] =	vst v55  }
0x128: {  	v60 =	vshll.u32 v42, $0x9;
	v1 =	vadd.s32 v36, v8;
	v39 =	vadd.s32 v37, v27;
	[tilespmem:$0xFA0] =	vst v43  }
0x129: {  	v61 =	vadd.s32 v60, v45;
	v0 =	vadd.s32 v41, v39;
	[tilespmem:$0xF80] =	vst v1;
	v62 =	vshll.u32 v48, $0x12  }
0x12a: {  	v58 =	vadd.s32 v57, v38;
	[tilespmem:$0xF90] =	vst v0;
	v59 =	vshll.u32 v40, $0x12;
	v63 =	vadd.s32 v62, v61  }
0x12b: {  	v0 =	vadd.s32 v59, v58;
	[tilespmem:$0xFF0] =	vst v63  }
0x12c: {  	[tilespmem:$0xFE0] =	vst v0  }
0x12d: {  	[bflag:$0x0] =	sbarrier.arrive $0xFFFF  }
0x12e: {  	[spmem:s3] =	stream.indirect.scatter.add.f32 [tilespmem:s14], [sflag:$0x1], $0x1, s18, s17, $0xb8;
	[tilespmem:$0xD080] =	vst v63  }
0x12f: {  	_ =	swait.ge [sflag:s11], $0x80  }
0x130: {  	[sflag:s11] =	ssyncset.done $0x0  }
0x131: {  	[sflag:s11] =	ssyncadd.s32 $0xFFFFFF80  }
0x132: {  	[spmem:s3] =	stream.indirect.scatter.add.f32 [tilespmem:s14], [sflag:$0x1], $0x1, s19, s17, $0xb8;
	[tilespmem:$0xD080] =	vst v63  }
0x133: {  	_ =	swait.ge [sflag:s11], $0x80  }
0x134: {  	[sflag:s11] =	ssyncset.done $0x0  }
0x135: {  	[sflag:s11] =	ssyncadd.s32 $0xFFFFFF80  }
0x136: {  	[spmem:s3] =	stream.indirect.scatter.add.f32 [tilespmem:s14], [sflag:$0x1], $0x1, s20, s17, $0xb8;
	[tilespmem:$0xD080] =	vst v63  }
0x137: {  	_ =	swait.ge [sflag:s11], $0x80  }
0x138: {  	[sflag:s11] =	ssyncset.done $0x0  }
0x139: {  	[sflag:s11] =	ssyncadd.s32 $0xFFFFFF80  }
0x13a: {  	[spmem:s3] =	stream.indirect.scatter.add.f32 [tilespmem:s14], [sflag:$0x1], $0x1, s21, s17, $0xb8;
	[tilespmem:$0xD080] =	vst v63  }
0x13b: {  	_ =	swait.ge [sflag:s11], $0x80  }
0x13c: {  	[sflag:s11] =	ssyncset.done $0x0  }
0x13d: {  	[sflag:s11] =	ssyncadd.s32 $0xFFFFFF80  }
0x13e: {  	[spmem:s3] =	stream.indirect.scatter.add.f32 [tilespmem:s14], [sflag:$0x1], $0x1, s22, s17, $0xb8;
	[tilespmem:$0xD080] =	vst v63  }
0x13f: {  	_ =	swait.ge [sflag:s11], $0x80  }
0x140: {  	[sflag:s11] =	ssyncset.done $0x0  }
0x141: {  	[sflag:s11] =	ssyncadd.s32 $0xFFFFFF80  }
0x142: {  	[spmem:s3] =	stream.indirect.scatter.add.f32 [tilespmem:s14], [sflag:$0x1], $0x1, s23, s17, $0xb8;
	[tilespmem:$0xD080] =	vst v63  }
0x143: {  	_ =	swait.ge [sflag:s11], $0x80  }
0x144: {  	[sflag:s11] =	ssyncset.done $0x0  }
0x145: {  	[sflag:s11] =	ssyncadd.s32 $0xFFFFFF80  }
0x146: {  	[spmem:s3] =	stream.indirect.scatter.add.f32 [tilespmem:s14], [sflag:$0x1], $0x1, s24, s17, $0xb8;
	[tilespmem:$0xD080] =	vst v63  }
0x147: {  	_ =	swait.ge [sflag:s11], $0x80  }
0x148: {  	[sflag:s11] =	ssyncset.done $0x0  }
0x149: {  	[sflag:s11] =	ssyncadd.s32 $0xFFFFFF80  }
0x14a: {  	[spmem:s3] =	stream.indirect.scatter.add.f32 [tilespmem:s14], [sflag:$0x1], $0x1, s25, s17, $0xb8;
	[tilespmem:$0xD080] =	vst v63  }
0x14b: {  	_ =	swait.ge [sflag:s11], $0x80  }
0x14c: {  	[sflag:s11] =	ssyncset.done $0x0  }
0x14d: {  	p0 =	sne.s32 s10, $0x1;
	[sflag:s11] =	ssyncadd.s32 $0xFFFFFF80  }
.Ltmp0:
0x14e: {  	[bflag:$0x0] =	sbarrier.arrive $0xFFFF;
	(pc) =	sbr.rel @p0 .LBB2_1-.Ltmp0, $4  }
0x14f: {  	[hbm:s9@s26], [sflag:s15] =	dma.strided [spmem:s16@s28], $0x1800, s11, $0x10   }
0x150: {  	_ =	swait.ge [sflag:s11], $0x1800  }
0x151: {  	[sflag:s11] =	ssyncset.done $0x0  }
0x152: {  	s10 =	sadd.s32 $0xFFFFFFFF, s10;
	[sflag:s11] =	ssyncadd.s32 $0xFFFFE800  }
0x153: {  	_ =	sfence.sel $0x180000  }
0x154: {  	[bflag:$0x0] =	sbarrier.arrive $0xFFFF  }
0x155: {  	p0 =	sne.s32 s2, $0x0;
	_ =	strace $0x90000047  }
0x156: {  	s0 =	sadd.s32 @!p0 $0x100000, s0;
	[bflag:$0x2] =	sbarrier.arrive $0xFFFF  }
0x157: {  	[sflag:s0] =	ssyncadd.tile.s32 @!p0 $0x1;
	_ =	shalt  }
.Lfunc_end2:
_tile_overlayer_lowered:
.L_overlay_start_2:
0x158: {  	(tag) =	ssettag $0x2  }
0x159: {  	s0 =	rddreg [dreg:$0x0];
	s2 =	stileid.u32  }
0x15a: {  	s1 =	rddreg [dreg:$0x1];
	p0 =	sne.s32 s2, $0x0  }
0x15b: {  	s3 =	rddreg [dreg:$0x2];
	[bflag:$0x3] =	sbarrier.arrive $0xFFFF;
	s2 =	simm.s32 @!p0 $0x1C01  }
0x15c: {  	[timem:s3], [sflag:s2] =	dma.local @!p0 [hbm:s0], s1  }
0x15d: {  	s0 =	simm.s32 @!p0 $0x1  }
0x15e: {  	_ =	swait.ge @!p0 [sflag:s0], s1  }
0x15f: {  	s1 =	ssub.s32 @!p0 $0x0, s1;
	[sflag:s0] =	ssyncset.done @!p0 $0x0  }
0x160: {  	[sflag:s0] =	ssyncadd.s32 @!p0 s1  }
0x161: {  	[bflag:$0x3] =	sbarrier.arrive $0xFFFF  }
0x162: {  	_ =	shalt  }

</sc_bundles>
